<compile_context>
chip_gen: v7x
topology: tpu7x:2x2x1
jax: 0.10.2.dev20260603
libtpu: 0.0.44.dev20260713+nightly
codegen_flags: <defaults>
</compile_context>

<pallas_src>
import functools

import jax
import jax.numpy as jnp
from jax import lax
from jax.experimental import pallas as pl
from jax.experimental.pallas import tpu as pltpu
from jax.experimental.pallas import tpu_sc as plsc

_PATCH = 16
_MASK_RATIO = 0.75

_B = 8
_N = 1024
_MASK_CNT = 768
_KEEP = _N - _MASK_CNT


def _scores(x):
    B, C, H, W = x.shape
    gh, gw = H // _PATCH, W // _PATCH
    xp = x.reshape(B, C, gh, _PATCH, gw, _PATCH)
    xp = jnp.transpose(xp, (0, 2, 4, 1, 3, 5))
    xp = xp.reshape(B, gh * gw, C * _PATCH * _PATCH)
    power = jnp.sum(xp ** 2, axis=2)
    vmin = jnp.min(power, axis=1, keepdims=True)
    vmax = jnp.max(power, axis=1, keepdims=True)
    denom = vmax - vmin
    denom = jnp.where(denom == 0, 1.0, denom)
    energy = (power - vmin) / denom
    x_n = jnp.transpose(xp, (1, 0, 2))
    norm = jnp.linalg.norm(x_n, axis=2, keepdims=True)
    x_norm = x_n / jnp.maximum(norm, 1e-12)
    sim = jnp.einsum('nbd,ncd->nbc', x_norm, x_norm)
    coh = jnp.mean(sim, axis=2).T
    return energy * coh, (gh, gw)


def _rank_body(p_ref, rank_ref):
    p = p_ref[...]
    pt = p.T
    iota_m = lax.broadcasted_iota(jnp.int32, (_N, _N), 1)
    iota_n = lax.broadcasted_iota(jnp.int32, (_N, _N), 0)
    tie_lt = iota_m < iota_n
    rows = []
    for b in range(_B):
        row = p[b:b + 1, :]
        col = pt[:, b:b + 1]
        less = row < col
        eq = row == col
        cnt = (less | (eq & tie_lt)).astype(jnp.int32)
        rows.append(jnp.sum(cnt, axis=1))
    rank_ref[...] = jnp.stack(rows, axis=0)


def _rank(p):
    return pl.pallas_call(
        _rank_body,
        out_shape=jax.ShapeDtypeStruct((_B, _N), jnp.int32),
    )(p)


_IDX_PER_TILE = _MASK_CNT // 4
_DEN_PER_TILE = _N // 4


def _sc_mask_body(rank_hbm, mi_hbm, md_hbm, rank_v, rq_v, idx_v, dense_v):
    wid = lax.axis_index("s") * 2 + lax.axis_index("c")
    b = wid // 4
    q = wid % 4
    lo = q * _IDX_PER_TILE
    row0 = pl.multiple_of(b * _N, 8)
    pltpu.sync_copy(rank_hbm.at[pl.ds(row0, _N)], rank_v)
    pltpu.sync_copy(
        rank_hbm.at[pl.ds(pl.multiple_of(b * _N + q * _DEN_PER_TILE, 8),
                          _DEN_PER_TILE)], rq_v)
    for v in range(_N // 16):
        r = rank_v[pl.ds(v * 16, 16)]
        n = lax.iota(jnp.int32, 16) + (v * 16)
        m = (r >= lo) & (r < lo + _IDX_PER_TILE)
        tgt = jnp.where(m, r - lo, 0)
        plsc.store_scatter(idx_v, [tgt], n, mask=m)
    for v in range(_DEN_PER_TILE // 16):
        r = rq_v[pl.ds(v * 16, 16)]
        dense_v[pl.ds(v * 16, 16)] = jnp.where(
            r < _MASK_CNT, jnp.zeros((16,), jnp.float32), jnp.ones((16,), jnp.float32))
    pltpu.sync_copy(
        idx_v,
        mi_hbm.at[pl.ds(pl.multiple_of(b * _MASK_CNT + lo, 8), _IDX_PER_TILE)])
    pltpu.sync_copy(
        dense_v,
        md_hbm.at[pl.ds(pl.multiple_of(b * _N + q * _DEN_PER_TILE, 8),
                        _DEN_PER_TILE)])


@functools.cache
def _build_sc_mask():
    return pl.kernel(
        _sc_mask_body,
        out_type=[
            jax.ShapeDtypeStruct((_B * _MASK_CNT,), jnp.int32),
            jax.ShapeDtypeStruct((_B * _N,), jnp.float32),
        ],
        mesh=plsc.VectorSubcoreMesh(core_axis_name="c", subcore_axis_name="s"),
        compiler_params=pltpu.CompilerParams(needs_layout_passes=False),
        scratch_types=[
            pltpu.VMEM((_N,), jnp.int32),
            pltpu.VMEM((_DEN_PER_TILE,), jnp.int32),
            pltpu.VMEM((_IDX_PER_TILE,), jnp.int32),
            pltpu.VMEM((_DEN_PER_TILE,), jnp.float32),
        ],
    )


def kernel(x):
    p, grid_shape = _scores(x)
    rank = _rank(p)
    mi_flat, md_flat = _build_sc_mask()(rank.reshape(-1))
    mask_index = mi_flat.reshape(_B, _MASK_CNT)
    mask_dense = md_flat.reshape(_B, _N)
    return (mask_index, mask_dense, p, grid_shape)

# --- scband reference (transcript-rebuilt; emitter-appended) ---
"""Pipeline reference for scband-patch-phy-mask-74474732913217 (READ-ONLY COPY).

The authoritative reference and input builder live on the scoring server;
editing this copy changes nothing except your own understanding.
"""

import jax, jax.numpy as jnp
import numpy as np

PATCH = 16
MASK_RATIO = 0.75

def setup_inputs(seed: int = 0):
    key = jax.random.key(seed)
    x = jax.random.normal(key, (8, 96, 512, 512), dtype=jnp.float32)
    return {"x": x}

def _patches(x):
    B, C, H, W = x.shape
    gh, gw = H // PATCH, W // PATCH
    xp = x.reshape(B, C, gh, PATCH, gw, PATCH)
    xp = jnp.transpose(xp, (0, 2, 4, 1, 3, 5))
    return xp.reshape(B, gh * gw, C * PATCH * PATCH), (gh, gw)

def _energy(xp):
    power = jnp.sum(xp ** 2, axis=2)
    vmin = jnp.min(power, axis=1, keepdims=True)
    vmax = jnp.max(power, axis=1, keepdims=True)
    denom = vmax - vmin
    denom = jnp.where(denom == 0, 1.0, denom)
    return (power - vmin) / denom

def _coherence(xp):
    x_n = jnp.transpose(xp, (1, 0, 2))
    norm = jnp.linalg.norm(x_n, axis=2, keepdims=True)
    x_norm = x_n / jnp.maximum(norm, 1e-12)
    sim = jnp.einsum('nbd,ncd->nbc', x_norm, x_norm)
    return jnp.mean(sim, axis=2).T

def reference(x):
    xp, grid_shape = _patches(x)
    B, N, _ = xp.shape
    E = _energy(xp)
    C = _coherence(xp)
    P = E * C
    num_keep = int(N * (1 - MASK_RATIO))
    num_keep = max(1, min(num_keep, N - 1))
    mask_cnt = N - num_keep
    order_asc = jnp.argsort(P, axis=1)
    mask_index = order_asc[:, :mask_cnt]
    mask_dense = jnp.ones((B, N), dtype=x.dtype)
    mask_dense = mask_dense.at[jnp.arange(B)[:, None], mask_index].set(0.0)
    return (mask_index, mask_dense, P, grid_shape)

if __name__ == "__main__":
    import jax
    _d = setup_inputs()
    print(jax.jit(kernel)(*tuple(_d.values())))

</pallas_src>

<mosaic_0001>
#map = affine_map<(d0, d1) -> (0)>
module attributes {stable_mosaic.version = 14 : i64} {
  func.func @_sc_mask_body(%arg0: i32, %arg1: i32, %arg2: memref<8192xi32, #tpu.memory_space<hbm>>, %arg3: memref<6144xi32, #tpu.memory_space<hbm>>, %arg4: memref<8192xf32, #tpu.memory_space<hbm>>, %arg5: memref<1024xi32, #tpu.memory_space<vmem>>, %arg6: memref<256xi32, #tpu.memory_space<vmem>>, %arg7: memref<192xi32, #tpu.memory_space<vmem>>, %arg8: memref<256xf32, #tpu.memory_space<vmem>>) attributes {dimension_semantics = [#tpu.dimension_semantics<core_parallel>, #tpu.dimension_semantics<subcore_parallel>], iteration_bounds = array<i64: 2, 16>, scalar_prefetch = 0 : i64, scratch_operands = 4 : i64, tpu.core_type = #tpu.core_type<sc_vector_subcore>, window_params = [{transform_indices = #map}, {transform_indices = #map}, {transform_indices = #map}]} {
    %mul3A = arith.constant 2 : i32
    %mul3A_0 = arith.muli %arg1, %mul3A : i32
    %add3A = arith.addi %mul3A_0, %arg0 : i32
    %jit3A = arith.constant 4 : i32
    %div3A = arith.divsi %add3A, %jit3A : i32
    %sign3A = arith.constant 0 : i32
    %sign3A_1 = arith.cmpi sgt, %add3A, %sign3A : i32
    %sign3A_2 = arith.extui %sign3A_1 : i1 to i32
    %sign3A_3 = arith.constant 0 : i32
    %sign3A_4 = arith.cmpi slt, %add3A, %sign3A_3 : i32
    %sign3A_5 = arith.extui %sign3A_4 : i1 to i32
    %sign3A_6 = arith.subi %sign3A_2, %sign3A_5 : i32
    %sign3A_7 = arith.constant 0 : i32
    %sign3A_8 = arith.cmpi sgt, %jit3A, %sign3A_7 : i32
    %sign3A_9 = arith.extui %sign3A_8 : i1 to i32
    %sign3A_10 = arith.constant 0 : i32
    %sign3A_11 = arith.cmpi slt, %jit3A, %sign3A_10 : i32
    %sign3A_12 = arith.extui %sign3A_11 : i1 to i32
    %sign3A_13 = arith.subi %sign3A_9, %sign3A_12 : i32
    %ne3A = arith.cmpi ne, %sign3A_6, %sign3A_13 : i32
    %rem3A = arith.remsi %add3A, %jit3A : i32
    %ne3A_14 = arith.constant 0 : i32
    %ne3A_15 = arith.cmpi ne, %rem3A, %ne3A_14 : i32
    %and3A = arith.andi %ne3A, %ne3A_15 : i1
    %sub3A = arith.constant 1 : i32
    %sub3A_16 = arith.subi %div3A, %sub3A : i32
    %select_n3A = arith.select %and3A, %sub3A_16, %div3A : i32
    %jit3A_17 = arith.constant 4 : i32
    %eq3A = arith.constant 0 : i32
    %eq3A_18 = arith.cmpi eq, %jit3A_17, %eq3A : i32
    %jit3A_19 = arith.constant 1 : i32
    %select_n3A_20 = arith.select %eq3A_18, %jit3A_19, %jit3A_17 : i32
    %rem3A_21 = arith.remsi %add3A, %select_n3A_20 : i32
    %ne3A_22 = arith.constant 0 : i32
    %ne3A_23 = arith.cmpi ne, %rem3A_21, %ne3A_22 : i32
    %lt3A = arith.constant 0 : i32
    %lt3A_24 = arith.cmpi slt, %rem3A_21, %lt3A : i32
    %lt3A_25 = arith.constant 0 : i32
    %lt3A_26 = arith.cmpi slt, %select_n3A_20, %lt3A_25 : i32
    %ne3A_27 = arith.xori %lt3A_24, %lt3A_26 : i1
    %and3A_28 = arith.andi %ne3A_27, %ne3A_23 : i1
    %add3A_29 = arith.addi %rem3A_21, %select_n3A_20 : i32
    %select_n3A_30 = arith.select %and3A_28, %add3A_29, %rem3A_21 : i32
    %mul3A_31 = arith.constant 192 : i32
    %mul3A_32 = arith.muli %select_n3A_30, %mul3A_31 : i32
    %mul3A_33 = arith.constant 1024 : i32
    %mul3A_34 = arith.muli %select_n3A, %mul3A_33 : i32
    %multiple_of3A = tpu.assume_multiple %mul3A_34, 8 : i32
    "tpu.region"() ({
      %run_scoped3A = tpu.sem_alloc : memref<!tpu.dma_semaphore, #tpu.memory_space<semaphore_mem>>
      %dma_start3A = tpu.memref_slice %arg2[%multiple_of3A] : memref<8192xi32, #tpu.memory_space<hbm>> -> memref<1024xi32, #tpu.memory_space<hbm>>
      %dma_start3A_1390 = tpu.memref_slice %arg2[%multiple_of3A] : memref<8192xi32, #tpu.memory_space<hbm>> -> memref<1024xi32, #tpu.memory_space<hbm>>
      tpu.enqueue_dma source(%dma_start3A_1390 : memref<1024xi32, #tpu.memory_space<hbm>>) target(%arg5 : memref<1024xi32, #tpu.memory_space<vmem>>) target_semaphore(%run_scoped3A : memref<!tpu.dma_semaphore, #tpu.memory_space<semaphore_mem>>)
      %dma_wait3A = tpu.memref_slice %arg2[%multiple_of3A] : memref<8192xi32, #tpu.memory_space<hbm>> -> memref<1024xi32, #tpu.memory_space<hbm>>
      %dma_wait3A_1391 = tpu.memref_slice %arg2[%multiple_of3A] : memref<8192xi32, #tpu.memory_space<hbm>> -> memref<1024xi32, #tpu.memory_space<hbm>>
      tpu.wait_dma2 semaphore(%run_scoped3A : memref<!tpu.dma_semaphore, #tpu.memory_space<semaphore_mem>>) src(%dma_wait3A_1391 : memref<1024xi32, #tpu.memory_space<hbm>>) dst(%arg5 : memref<1024xi32, #tpu.memory_space<vmem>>)
      tpu.yield
    }) : () -> ()
    %mul3A_35 = arith.constant 1024 : i32
    %mul3A_36 = arith.muli %select_n3A, %mul3A_35 : i32
    %mul3A_37 = arith.constant 256 : i32
    %mul3A_38 = arith.muli %select_n3A_30, %mul3A_37 : i32
    %add3A_39 = arith.addi %mul3A_36, %mul3A_38 : i32
    %multiple_of3A_40 = tpu.assume_multiple %add3A_39, 8 : i32
    "tpu.region"() ({
      %run_scoped3A = tpu.sem_alloc : memref<!tpu.dma_semaphore, #tpu.memory_space<semaphore_mem>>
      %dma_start3A = tpu.memref_slice %arg2[%multiple_of3A_40] : memref<8192xi32, #tpu.memory_space<hbm>> -> memref<256xi32, #tpu.memory_space<hbm>>
      %dma_start3A_1390 = tpu.memref_slice %arg2[%multiple_of3A_40] : memref<8192xi32, #tpu.memory_space<hbm>> -> memref<256xi32, #tpu.memory_space<hbm>>
      tpu.enqueue_dma source(%dma_start3A_1390 : memref<256xi32, #tpu.memory_space<hbm>>) target(%arg6 : memref<256xi32, #tpu.memory_space<vmem>>) target_semaphore(%run_scoped3A : memref<!tpu.dma_semaphore, #tpu.memory_space<semaphore_mem>>)
      %dma_wait3A = tpu.memref_slice %arg2[%multiple_of3A_40] : memref<8192xi32, #tpu.memory_space<hbm>> -> memref<256xi32, #tpu.memory_space<hbm>>
      %dma_wait3A_1391 = tpu.memref_slice %arg2[%multiple_of3A_40] : memref<8192xi32, #tpu.memory_space<hbm>> -> memref<256xi32, #tpu.memory_space<hbm>>
      tpu.wait_dma2 semaphore(%run_scoped3A : memref<!tpu.dma_semaphore, #tpu.memory_space<semaphore_mem>>) src(%dma_wait3A_1391 : memref<256xi32, #tpu.memory_space<hbm>>) dst(%arg6 : memref<256xi32, #tpu.memory_space<vmem>>)
      tpu.yield
    }) : () -> ()
    %get3A = arith.constant 0 : index
    %get3A_41 = tpu.vector_load %arg5[%get3A] {strides = array<i32>} : memref<1024xi32, #tpu.memory_space<vmem>>, vector<16xi32>,
    %iota3A = tpu.iota {dimensions = array<i32: 0>} : vector<16xi32>
    %add3A_42 = arith.constant 0 : i32
    %add3A_43 = vector.broadcast %add3A_42 : i32 to vector<16xi32>
    %add3A_44 = arith.addi %iota3A, %add3A_43 : vector<16xi32>
    %ge3A = vector.broadcast %mul3A_32 : i32 to vector<16xi32>
    %ge3A_45 = arith.cmpi sge, %get3A_41, %ge3A : vector<16xi32>
    %add3A_46 = arith.constant 192 : i32
    %add3A_47 = arith.addi %mul3A_32, %add3A_46 : i32
    %lt3A_48 = vector.broadcast %add3A_47 : i32 to vector<16xi32>
    %lt3A_49 = arith.cmpi slt, %get3A_41, %lt3A_48 : vector<16xi32>
    %and3A_50 = arith.andi %ge3A_45, %lt3A_49 : vector<16xi1>
    %sub3A_51 = vector.broadcast %mul3A_32 : i32 to vector<16xi32>
    %sub3A_52 = arith.subi %get3A_41, %sub3A_51 : vector<16xi32>
    %jit3A_53 = arith.constant 0 : i32
    %broadcast_in_dim3A = vector.broadcast %jit3A_53 : i32 to vector<16xi32>
    %select_n3A_54 = arith.select %and3A_50, %sub3A_52, %broadcast_in_dim3A : vector<16xi1>, vector<16xi32>
    tpu.vector_store_idx %arg7[%select_n3A_54], %add3A_44 masked %and3A_50 : memref<192xi32, #tpu.memory_space<vmem>>[vector<16xi32>], vector<16xi32>, vector<16xi1>
    %get3A_55 = arith.constant 16 : index
    %get3A_56 = tpu.vector_load %arg5[%get3A_55] {strides = array<i32>} : memref<1024xi32, #tpu.memory_space<vmem>>, vector<16xi32>,
    %iota3A_57 = tpu.iota {dimensions = array<i32: 0>} : vector<16xi32>
    %add3A_58 = arith.constant 16 : i32
    %add3A_59 = vector.broadcast %add3A_58 : i32 to vector<16xi32>
    %add3A_60 = arith.addi %iota3A_57, %add3A_59 : vector<16xi32>
    %ge3A_61 = vector.broadcast %mul3A_32 : i32 to vector<16xi32>
    %ge3A_62 = arith.cmpi sge, %get3A_56, %ge3A_61 : vector<16xi32>
    %add3A_63 = arith.constant 192 : i32
    %add3A_64 = arith.addi %mul3A_32, %add3A_63 : i32
    %lt3A_65 = vector.broadcast %add3A_64 : i32 to vector<16xi32>
    %lt3A_66 = arith.cmpi slt, %get3A_56, %lt3A_65 : vector<16xi32>
    %and3A_67 = arith.andi %ge3A_62, %lt3A_66 : vector<16xi1>
    %sub3A_68 = vector.broadcast %mul3A_32 : i32 to vector<16xi32>
    %sub3A_69 = arith.subi %get3A_56, %sub3A_68 : vector<16xi32>
    %jit3A_70 = arith.constant 0 : i32
    %broadcast_in_dim3A_71 = vector.broadcast %jit3A_70 : i32 to vector<16xi32>
    %select_n3A_72 = arith.select %and3A_67, %sub3A_69, %broadcast_in_dim3A_71 : vector<16xi1>, vector<16xi32>
    tpu.vector_store_idx %arg7[%select_n3A_72], %add3A_60 masked %and3A_67 : memref<192xi32, #tpu.memory_space<vmem>>[vector<16xi32>], vector<16xi32>, vector<16xi1>
    %get3A_73 = arith.constant 32 : index
    %get3A_74 = tpu.vector_load %arg5[%get3A_73] {strides = array<i32>} : memref<1024xi32, #tpu.memory_space<vmem>>, vector<16xi32>,
    %iota3A_75 = tpu.iota {dimensions = array<i32: 0>} : vector<16xi32>
    %add3A_76 = arith.constant 32 : i32
    %add3A_77 = vector.broadcast %add3A_76 : i32 to vector<16xi32>
    %add3A_78 = arith.addi %iota3A_75, %add3A_77 : vector<16xi32>
    %ge3A_79 = vector.broadcast %mul3A_32 : i32 to vector<16xi32>
    %ge3A_80 = arith.cmpi sge, %get3A_74, %ge3A_79 : vector<16xi32>
    %add3A_81 = arith.constant 192 : i32
    %add3A_82 = arith.addi %mul3A_32, %add3A_81 : i32
    %lt3A_83 = vector.broadcast %add3A_82 : i32 to vector<16xi32>
    %lt3A_84 = arith.cmpi slt, %get3A_74, %lt3A_83 : vector<16xi32>
    %and3A_85 = arith.andi %ge3A_80, %lt3A_84 : vector<16xi1>
    %sub3A_86 = vector.broadcast %mul3A_32 : i32 to vector<16xi32>
    %sub3A_87 = arith.subi %get3A_74, %sub3A_86 : vector<16xi32>
    %jit3A_88 = arith.constant 0 : i32
    %broadcast_in_dim3A_89 = vector.broadcast %jit3A_88 : i32 to vector<16xi32>
    %select_n3A_90 = arith.select %and3A_85, %sub3A_87, %broadcast_in_dim3A_89 : vector<16xi1>, vector<16xi32>
    tpu.vector_store_idx %arg7[%select_n3A_90], %add3A_78 masked %and3A_85 : memref<192xi32, #tpu.memory_space<vmem>>[vector<16xi32>], vector<16xi32>, vector<16xi1>
    %get3A_91 = arith.constant 48 : index
    %get3A_92 = tpu.vector_load %arg5[%get3A_91] {strides = array<i32>} : memref<1024xi32, #tpu.memory_space<vmem>>, vector<16xi32>,
    %iota3A_93 = tpu.iota {dimensions = array<i32: 0>} : vector<16xi32>
    %add3A_94 = arith.constant 48 : i32
    %add3A_95 = vector.broadcast %add3A_94 : i32 to vector<16xi32>
    %add3A_96 = arith.addi %iota3A_93, %add3A_95 : vector<16xi32>
    %ge3A_97 = vector.broadcast %mul3A_32 : i32 to vector<16xi32>
    %ge3A_98 = arith.cmpi sge, %get3A_92, %ge3A_97 : vector<16xi32>
    %add3A_99 = arith.constant 192 : i32
    %add3A_100 = arith.addi %mul3A_32, %add3A_99 : i32
    %lt3A_101 = vector.broadcast %add3A_100 : i32 to vector<16xi32>
    %lt3A_102 = arith.cmpi slt, %get3A_92, %lt3A_101 : vector<16xi32>
    %and3A_103 = arith.andi %ge3A_98, %lt3A_102 : vector<16xi1>
    %sub3A_104 = vector.broadcast %mul3A_32 : i32 to vector<16xi32>
    %sub3A_105 = arith.subi %get3A_92, %sub3A_104 : vector<16xi32>
    %jit3A_106 = arith.constant 0 : i32
    %broadcast_in_dim3A_107 = vector.broadcast %jit3A_106 : i32 to vector<16xi32>
    %select_n3A_108 = arith.select %and3A_103, %sub3A_105, %broadcast_in_dim3A_107 : vector<16xi1>, vector<16xi32>
    tpu.vector_store_idx %arg7[%select_n3A_108], %add3A_96 masked %and3A_103 : memref<192xi32, #tpu.memory_space<vmem>>[vector<16xi32>], vector<16xi32>, vector<16xi1>
    %get3A_109 = arith.constant 64 : index
    %get3A_110 = tpu.vector_load %arg5[%get3A_109] {strides = array<i32>} : memref<1024xi32, #tpu.memory_space<vmem>>, vector<16xi32>,
    %iota3A_111 = tpu.iota {dimensions = array<i32: 0>} : vector<16xi32>
    %add3A_112 = arith.constant 64 : i32
    %add3A_113 = vector.broadcast %add3A_112 : i32 to vector<16xi32>
    %add3A_114 = arith.addi %iota3A_111, %add3A_113 : vector<16xi32>
    %ge3A_115 = vector.broadcast %mul3A_32 : i32 to vector<16xi32>
    %ge3A_116 = arith.cmpi sge, %get3A_110, %ge3A_115 : vector<16xi32>
    %add3A_117 = arith.constant 192 : i32
    %add3A_118 = arith.addi %mul3A_32, %add3A_117 : i32
    %lt3A_119 = vector.broadcast %add3A_118 : i32 to vector<16xi32>
    %lt3A_120 = arith.cmpi slt, %get3A_110, %lt3A_119 : vector<16xi32>
    %and3A_121 = arith.andi %ge3A_116, %lt3A_120 : vector<16xi1>
    %sub3A_122 = vector.broadcast %mul3A_32 : i32 to vector<16xi32>
    %sub3A_123 = arith.subi %get3A_110, %sub3A_122 : vector<16xi32>
    %jit3A_124 = arith.constant 0 : i32
    %broadcast_in_dim3A_125 = vector.broadcast %jit3A_124 : i32 to vector<16xi32>
    %select_n3A_126 = arith.select %and3A_121, %sub3A_123, %broadcast_in_dim3A_125 : vector<16xi1>, vector<16xi32>
    tpu.vector_store_idx %arg7[%select_n3A_126], %add3A_114 masked %and3A_121 : memref<192xi32, #tpu.memory_space<vmem>>[vector<16xi32>], vector<16xi32>, vector<16xi1>
    %get3A_127 = arith.constant 80 : index
    %get3A_128 = tpu.vector_load %arg5[%get3A_127] {strides = array<i32>} : memref<1024xi32, #tpu.memory_space<vmem>>, vector<16xi32>,
    %iota3A_129 = tpu.iota {dimensions = array<i32: 0>} : vector<16xi32>
    %add3A_130 = arith.constant 80 : i32
    %add3A_131 = vector.broadcast %add3A_130 : i32 to vector<16xi32>
    %add3A_132 = arith.addi %iota3A_129, %add3A_131 : vector<16xi32>
    %ge3A_133 = vector.broadcast %mul3A_32 : i32 to vector<16xi32>
    %ge3A_134 = arith.cmpi sge, %get3A_128, %ge3A_133 : vector<16xi32>
    %add3A_135 = arith.constant 192 : i32
    %add3A_136 = arith.addi %mul3A_32, %add3A_135 : i32
    %lt3A_137 = vector.broadcast %add3A_136 : i32 to vector<16xi32>
    %lt3A_138 = arith.cmpi slt, %get3A_128, %lt3A_137 : vector<16xi32>
    %and3A_139 = arith.andi %ge3A_134, %lt3A_138 : vector<16xi1>
    %sub3A_140 = vector.broadcast %mul3A_32 : i32 to vector<16xi32>
    %sub3A_141 = arith.subi %get3A_128, %sub3A_140 : vector<16xi32>
    %jit3A_142 = arith.constant 0 : i32
    %broadcast_in_dim3A_143 = vector.broadcast %jit3A_142 : i32 to vector<16xi32>
    %select_n3A_144 = arith.select %and3A_139, %sub3A_141, %broadcast_in_dim3A_143 : vector<16xi1>, vector<16xi32>
    tpu.vector_store_idx %arg7[%select_n3A_144], %add3A_132 masked %and3A_139 : memref<192xi32, #tpu.memory_space<vmem>>[vector<16xi32>], vector<16xi32>, vector<16xi1>
    %get3A_145 = arith.constant 96 : index
    %get3A_146 = tpu.vector_load %arg5[%get3A_145] {strides = array<i32>} : memref<1024xi32, #tpu.memory_space<vmem>>, vector<16xi32>,
    %iota3A_147 = tpu.iota {dimensions = array<i32: 0>} : vector<16xi32>
    %add3A_148 = arith.constant 96 : i32
    %add3A_149 = vector.broadcast %add3A_148 : i32 to vector<16xi32>
    %add3A_150 = arith.addi %iota3A_147, %add3A_149 : vector<16xi32>
    %ge3A_151 = vector.broadcast %mul3A_32 : i32 to vector<16xi32>
    %ge3A_152 = arith.cmpi sge, %get3A_146, %ge3A_151 : vector<16xi32>
    %add3A_153 = arith.constant 192 : i32
    %add3A_154 = arith.addi %mul3A_32, %add3A_153 : i32
    %lt3A_155 = vector.broadcast %add3A_154 : i32 to vector<16xi32>
    %lt3A_156 = arith.cmpi slt, %get3A_146, %lt3A_155 : vector<16xi32>
    %and3A_157 = arith.andi %ge3A_152, %lt3A_156 : vector<16xi1>
    %sub3A_158 = vector.broadcast %mul3A_32 : i32 to vector<16xi32>
    %sub3A_159 = arith.subi %get3A_146, %sub3A_158 : vector<16xi32>
    %jit3A_160 = arith.constant 0 : i32
    %broadcast_in_dim3A_161 = vector.broadcast %jit3A_160 : i32 to vector<16xi32>
    %select_n3A_162 = arith.select %and3A_157, %sub3A_159, %broadcast_in_dim3A_161 : vector<16xi1>, vector<16xi32>
    tpu.vector_store_idx %arg7[%select_n3A_162], %add3A_150 masked %and3A_157 : memref<192xi32, #tpu.memory_space<vmem>>[vector<16xi32>], vector<16xi32>, vector<16xi1>
    %get3A_163 = arith.constant 112 : index
    %get3A_164 = tpu.vector_load %arg5[%get3A_163] {strides = array<i32>} : memref<1024xi32, #tpu.memory_space<vmem>>, vector<16xi32>,
    %iota3A_165 = tpu.iota {dimensions = array<i32: 0>} : vector<16xi32>
    %add3A_166 = arith.constant 112 : i32
    %add3A_167 = vector.broadcast %add3A_166 : i32 to vector<16xi32>
    %add3A_168 = arith.addi %iota3A_165, %add3A_167 : vector<16xi32>
    %ge3A_169 = vector.broadcast %mul3A_32 : i32 to vector<16xi32>
    %ge3A_170 = arith.cmpi sge, %get3A_164, %ge3A_169 : vector<16xi32>
    %add3A_171 = arith.constant 192 : i32
    %add3A_172 = arith.addi %mul3A_32, %add3A_171 : i32
    %lt3A_173 = vector.broadcast %add3A_172 : i32 to vector<16xi32>
    %lt3A_174 = arith.cmpi slt, %get3A_164, %lt3A_173 : vector<16xi32>
    %and3A_175 = arith.andi %ge3A_170, %lt3A_174 : vector<16xi1>
    %sub3A_176 = vector.broadcast %mul3A_32 : i32 to vector<16xi32>
    %sub3A_177 = arith.subi %get3A_164, %sub3A_176 : vector<16xi32>
    %jit3A_178 = arith.constant 0 : i32
    %broadcast_in_dim3A_179 = vector.broadcast %jit3A_178 : i32 to vector<16xi32>
    %select_n3A_180 = arith.select %and3A_175, %sub3A_177, %broadcast_in_dim3A_179 : vector<16xi1>, vector<16xi32>
    tpu.vector_store_idx %arg7[%select_n3A_180], %add3A_168 masked %and3A_175 : memref<192xi32, #tpu.memory_space<vmem>>[vector<16xi32>], vector<16xi32>, vector<16xi1>
    %get3A_181 = arith.constant 128 : index
    %get3A_182 = tpu.vector_load %arg5[%get3A_181] {strides = array<i32>} : memref<1024xi32, #tpu.memory_space<vmem>>, vector<16xi32>,
    %iota3A_183 = tpu.iota {dimensions = array<i32: 0>} : vector<16xi32>
    %add3A_184 = arith.constant 128 : i32
    %add3A_185 = vector.broadcast %add3A_184 : i32 to vector<16xi32>
    %add3A_186 = arith.addi %iota3A_183, %add3A_185 : vector<16xi32>
    %ge3A_187 = vector.broadcast %mul3A_32 : i32 to vector<16xi32>
    %ge3A_188 = arith.cmpi sge, %get3A_182, %ge3A_187 : vector<16xi32>
    %add3A_189 = arith.constant 192 : i32
    %add3A_190 = arith.addi %mul3A_32, %add3A_189 : i32
    %lt3A_191 = vector.broadcast %add3A_190 : i32 to vector<16xi32>
    %lt3A_192 = arith.cmpi slt, %get3A_182, %lt3A_191 : vector<16xi32>
    %and3A_193 = arith.andi %ge3A_188, %lt3A_192 : vector<16xi1>
    %sub3A_194 = vector.broadcast %mul3A_32 : i32 to vector<16xi32>
    %sub3A_195 = arith.subi %get3A_182, %sub3A_194 : vector<16xi32>
    %jit3A_196 = arith.constant 0 : i32
    %broadcast_in_dim3A_197 = vector.broadcast %jit3A_196 : i32 to vector<16xi32>
    %select_n3A_198 = arith.select %and3A_193, %sub3A_195, %broadcast_in_dim3A_197 : vector<16xi1>, vector<16xi32>
    tpu.vector_store_idx %arg7[%select_n3A_198], %add3A_186 masked %and3A_193 : memref<192xi32, #tpu.memory_space<vmem>>[vector<16xi32>], vector<16xi32>, vector<16xi1>
    %get3A_199 = arith.constant 144 : index
    %get3A_200 = tpu.vector_load %arg5[%get3A_199] {strides = array<i32>} : memref<1024xi32, #tpu.memory_space<vmem>>, vector<16xi32>,
    %iota3A_201 = tpu.iota {dimensions = array<i32: 0>} : vector<16xi32>
    %add3A_202 = arith.constant 144 : i32
    %add3A_203 = vector.broadcast %add3A_202 : i32 to vector<16xi32>
    %add3A_204 = arith.addi %iota3A_201, %add3A_203 : vector<16xi32>
    %ge3A_205 = vector.broadcast %mul3A_32 : i32 to vector<16xi32>
    %ge3A_206 = arith.cmpi sge, %get3A_200, %ge3A_205 : vector<16xi32>
    %add3A_207 = arith.constant 192 : i32
    %add3A_208 = arith.addi %mul3A_32, %add3A_207 : i32
    %lt3A_209 = vector.broadcast %add3A_208 : i32 to vector<16xi32>
    %lt3A_210 = arith.cmpi slt, %get3A_200, %lt3A_209 : vector<16xi32>
    %and3A_211 = arith.andi %ge3A_206, %lt3A_210 : vector<16xi1>
    %sub3A_212 = vector.broadcast %mul3A_32 : i32 to vector<16xi32>
    %sub3A_213 = arith.subi %get3A_200, %sub3A_212 : vector<16xi32>
    %jit3A_214 = arith.constant 0 : i32
    %broadcast_in_dim3A_215 = vector.broadcast %jit3A_214 : i32 to vector<16xi32>
    %select_n3A_216 = arith.select %and3A_211, %sub3A_213, %broadcast_in_dim3A_215 : vector<16xi1>, vector<16xi32>
    tpu.vector_store_idx %arg7[%select_n3A_216], %add3A_204 masked %and3A_211 : memref<192xi32, #tpu.memory_space<vmem>>[vector<16xi32>], vector<16xi32>, vector<16xi1>
    %get3A_217 = arith.constant 160 : index
    %get3A_218 = tpu.vector_load %arg5[%get3A_217] {strides = array<i32>} : memref<1024xi32, #tpu.memory_space<vmem>>, vector<16xi32>,
    %iota3A_219 = tpu.iota {dimensions = array<i32: 0>} : vector<16xi32>
    %add3A_220 = arith.constant 160 : i32
    %add3A_221 = vector.broadcast %add3A_220 : i32 to vector<16xi32>
    %add3A_222 = arith.addi %iota3A_219, %add3A_221 : vector<16xi32>
    %ge3A_223 = vector.broadcast %mul3A_32 : i32 to vector<16xi32>
    %ge3A_224 = arith.cmpi sge, %get3A_218, %ge3A_223 : vector<16xi32>
    %add3A_225 = arith.constant 192 : i32
    %add3A_226 = arith.addi %mul3A_32, %add3A_225 : i32
    %lt3A_227 = vector.broadcast %add3A_226 : i32 to vector<16xi32>
    %lt3A_228 = arith.cmpi slt, %get3A_218, %lt3A_227 : vector<16xi32>
    %and3A_229 = arith.andi %ge3A_224, %lt3A_228 : vector<16xi1>
    %sub3A_230 = vector.broadcast %mul3A_32 : i32 to vector<16xi32>
    %sub3A_231 = arith.subi %get3A_218, %sub3A_230 : vector<16xi32>
    %jit3A_232 = arith.constant 0 : i32
    %broadcast_in_dim3A_233 = vector.broadcast %jit3A_232 : i32 to vector<16xi32>
    %select_n3A_234 = arith.select %and3A_229, %sub3A_231, %broadcast_in_dim3A_233 : vector<16xi1>, vector<16xi32>
    tpu.vector_store_idx %arg7[%select_n3A_234], %add3A_222 masked %and3A_229 : memref<192xi32, #tpu.memory_space<vmem>>[vector<16xi32>], vector<16xi32>, vector<16xi1>
    %get3A_235 = arith.constant 176 : index
    %get3A_236 = tpu.vector_load %arg5[%get3A_235] {strides = array<i32>} : memref<1024xi32, #tpu.memory_space<vmem>>, vector<16xi32>,
    %iota3A_237 = tpu.iota {dimensions = array<i32: 0>} : vector<16xi32>
    %add3A_238 = arith.constant 176 : i32
    %add3A_239 = vector.broadcast %add3A_238 : i32 to vector<16xi32>
    %add3A_240 = arith.addi %iota3A_237, %add3A_239 : vector<16xi32>
    %ge3A_241 = vector.broadcast %mul3A_32 : i32 to vector<16xi32>
    %ge3A_242 = arith.cmpi sge, %get3A_236, %ge3A_241 : vector<16xi32>
    %add3A_243 = arith.constant 192 : i32
    %add3A_244 = arith.addi %mul3A_32, %add3A_243 : i32
    %lt3A_245 = vector.broadcast %add3A_244 : i32 to vector<16xi32>
    %lt3A_246 = arith.cmpi slt, %get3A_236, %lt3A_245 : vector<16xi32>
    %and3A_247 = arith.andi %ge3A_242, %lt3A_246 : vector<16xi1>
    %sub3A_248 = vector.broadcast %mul3A_32 : i32 to vector<16xi32>
    %sub3A_249 = arith.subi %get3A_236, %sub3A_248 : vector<16xi32>
    %jit3A_250 = arith.constant 0 : i32
    %broadcast_in_dim3A_251 = vector.broadcast %jit3A_250 : i32 to vector<16xi32>
    %select_n3A_252 = arith.select %and3A_247, %sub3A_249, %broadcast_in_dim3A_251 : vector<16xi1>, vector<16xi32>
    tpu.vector_store_idx %arg7[%select_n3A_252], %add3A_240 masked %and3A_247 : memref<192xi32, #tpu.memory_space<vmem>>[vector<16xi32>], vector<16xi32>, vector<16xi1>
    %get3A_253 = arith.constant 192 : index
    %get3A_254 = tpu.vector_load %arg5[%get3A_253] {strides = array<i32>} : memref<1024xi32, #tpu.memory_space<vmem>>, vector<16xi32>,
    %iota3A_255 = tpu.iota {dimensions = array<i32: 0>} : vector<16xi32>
    %add3A_256 = arith.constant 192 : i32
    %add3A_257 = vector.broadcast %add3A_256 : i32 to vector<16xi32>
    %add3A_258 = arith.addi %iota3A_255, %add3A_257 : vector<16xi32>
    %ge3A_259 = vector.broadcast %mul3A_32 : i32 to vector<16xi32>
    %ge3A_260 = arith.cmpi sge, %get3A_254, %ge3A_259 : vector<16xi32>
    %add3A_261 = arith.constant 192 : i32
    %add3A_262 = arith.addi %mul3A_32, %add3A_261 : i32
    %lt3A_263 = vector.broadcast %add3A_262 : i32 to vector<16xi32>
    %lt3A_264 = arith.cmpi slt, %get3A_254, %lt3A_263 : vector<16xi32>
    %and3A_265 = arith.andi %ge3A_260, %lt3A_264 : vector<16xi1>
    %sub3A_266 = vector.broadcast %mul3A_32 : i32 to vector<16xi32>
    %sub3A_267 = arith.subi %get3A_254, %sub3A_266 : vector<16xi32>
    %jit3A_268 = arith.constant 0 : i32
    %broadcast_in_dim3A_269 = vector.broadcast %jit3A_268 : i32 to vector<16xi32>
    %select_n3A_270 = arith.select %and3A_265, %sub3A_267, %broadcast_in_dim3A_269 : vector<16xi1>, vector<16xi32>
    tpu.vector_store_idx %arg7[%select_n3A_270], %add3A_258 masked %and3A_265 : memref<192xi32, #tpu.memory_space<vmem>>[vector<16xi32>], vector<16xi32>, vector<16xi1>
    %get3A_271 = arith.constant 208 : index
    %get3A_272 = tpu.vector_load %arg5[%get3A_271] {strides = array<i32>} : memref<1024xi32, #tpu.memory_space<vmem>>, vector<16xi32>,
    %iota3A_273 = tpu.iota {dimensions = array<i32: 0>} : vector<16xi32>
    %add3A_274 = arith.constant 208 : i32
    %add3A_275 = vector.broadcast %add3A_274 : i32 to vector<16xi32>
    %add3A_276 = arith.addi %iota3A_273, %add3A_275 : vector<16xi32>
    %ge3A_277 = vector.broadcast %mul3A_32 : i32 to vector<16xi32>
    %ge3A_278 = arith.cmpi sge, %get3A_272, %ge3A_277 : vector<16xi32>
    %add3A_279 = arith.constant 192 : i32
    %add3A_280 = arith.addi %mul3A_32, %add3A_279 : i32
    %lt3A_281 = vector.broadcast %add3A_280 : i32 to vector<16xi32>
    %lt3A_282 = arith.cmpi slt, %get3A_272, %lt3A_281 : vector<16xi32>
    %and3A_283 = arith.andi %ge3A_278, %lt3A_282 : vector<16xi1>
    %sub3A_284 = vector.broadcast %mul3A_32 : i32 to vector<16xi32>
    %sub3A_285 = arith.subi %get3A_272, %sub3A_284 : vector<16xi32>
    %jit3A_286 = arith.constant 0 : i32
    %broadcast_in_dim3A_287 = vector.broadcast %jit3A_286 : i32 to vector<16xi32>
    %select_n3A_288 = arith.select %and3A_283, %sub3A_285, %broadcast_in_dim3A_287 : vector<16xi1>, vector<16xi32>
    tpu.vector_store_idx %arg7[%select_n3A_288], %add3A_276 masked %and3A_283 : memref<192xi32, #tpu.memory_space<vmem>>[vector<16xi32>], vector<16xi32>, vector<16xi1>
    %get3A_289 = arith.constant 224 : index
    %get3A_290 = tpu.vector_load %arg5[%get3A_289] {strides = array<i32>} : memref<1024xi32, #tpu.memory_space<vmem>>, vector<16xi32>,
    %iota3A_291 = tpu.iota {dimensions = array<i32: 0>} : vector<16xi32>
    %add3A_292 = arith.constant 224 : i32
    %add3A_293 = vector.broadcast %add3A_292 : i32 to vector<16xi32>
    %add3A_294 = arith.addi %iota3A_291, %add3A_293 : vector<16xi32>
    %ge3A_295 = vector.broadcast %mul3A_32 : i32 to vector<16xi32>
    %ge3A_296 = arith.cmpi sge, %get3A_290, %ge3A_295 : vector<16xi32>
    %add3A_297 = arith.constant 192 : i32
    %add3A_298 = arith.addi %mul3A_32, %add3A_297 : i32
    %lt3A_299 = vector.broadcast %add3A_298 : i32 to vector<16xi32>
    %lt3A_300 = arith.cmpi slt, %get3A_290, %lt3A_299 : vector<16xi32>
    %and3A_301 = arith.andi %ge3A_296, %lt3A_300 : vector<16xi1>
    %sub3A_302 = vector.broadcast %mul3A_32 : i32 to vector<16xi32>
    %sub3A_303 = arith.subi %get3A_290, %sub3A_302 : vector<16xi32>
    %jit3A_304 = arith.constant 0 : i32
    %broadcast_in_dim3A_305 = vector.broadcast %jit3A_304 : i32 to vector<16xi32>
    %select_n3A_306 = arith.select %and3A_301, %sub3A_303, %broadcast_in_dim3A_305 : vector<16xi1>, vector<16xi32>
    tpu.vector_store_idx %arg7[%select_n3A_306], %add3A_294 masked %and3A_301 : memref<192xi32, #tpu.memory_space<vmem>>[vector<16xi32>], vector<16xi32>, vector<16xi1>
    %get3A_307 = arith.constant 240 : index
    %get3A_308 = tpu.vector_load %arg5[%get3A_307] {strides = array<i32>} : memref<1024xi32, #tpu.memory_space<vmem>>, vector<16xi32>,
    %iota3A_309 = tpu.iota {dimensions = array<i32: 0>} : vector<16xi32>
    %add3A_310 = arith.constant 240 : i32
    %add3A_311 = vector.broadcast %add3A_310 : i32 to vector<16xi32>
    %add3A_312 = arith.addi %iota3A_309, %add3A_311 : vector<16xi32>
    %ge3A_313 = vector.broadcast %mul3A_32 : i32 to vector<16xi32>
    %ge3A_314 = arith.cmpi sge, %get3A_308, %ge3A_313 : vector<16xi32>
    %add3A_315 = arith.constant 192 : i32
    %add3A_316 = arith.addi %mul3A_32, %add3A_315 : i32
    %lt3A_317 = vector.broadcast %add3A_316 : i32 to vector<16xi32>
    %lt3A_318 = arith.cmpi slt, %get3A_308, %lt3A_317 : vector<16xi32>
    %and3A_319 = arith.andi %ge3A_314, %lt3A_318 : vector<16xi1>
    %sub3A_320 = vector.broadcast %mul3A_32 : i32 to vector<16xi32>
    %sub3A_321 = arith.subi %get3A_308, %sub3A_320 : vector<16xi32>
    %jit3A_322 = arith.constant 0 : i32
    %broadcast_in_dim3A_323 = vector.broadcast %jit3A_322 : i32 to vector<16xi32>
    %select_n3A_324 = arith.select %and3A_319, %sub3A_321, %broadcast_in_dim3A_323 : vector<16xi1>, vector<16xi32>
    tpu.vector_store_idx %arg7[%select_n3A_324], %add3A_312 masked %and3A_319 : memref<192xi32, #tpu.memory_space<vmem>>[vector<16xi32>], vector<16xi32>, vector<16xi1>
    %get3A_325 = arith.constant 256 : index
    %get3A_326 = tpu.vector_load %arg5[%get3A_325] {strides = array<i32>} : memref<1024xi32, #tpu.memory_space<vmem>>, vector<16xi32>,
    %iota3A_327 = tpu.iota {dimensions = array<i32: 0>} : vector<16xi32>
    %add3A_328 = arith.constant 256 : i32
    %add3A_329 = vector.broadcast %add3A_328 : i32 to vector<16xi32>
    %add3A_330 = arith.addi %iota3A_327, %add3A_329 : vector<16xi32>
    %ge3A_331 = vector.broadcast %mul3A_32 : i32 to vector<16xi32>
    %ge3A_332 = arith.cmpi sge, %get3A_326, %ge3A_331 : vector<16xi32>
    %add3A_333 = arith.constant 192 : i32
    %add3A_334 = arith.addi %mul3A_32, %add3A_333 : i32
    %lt3A_335 = vector.broadcast %add3A_334 : i32 to vector<16xi32>
    %lt3A_336 = arith.cmpi slt, %get3A_326, %lt3A_335 : vector<16xi32>
    %and3A_337 = arith.andi %ge3A_332, %lt3A_336 : vector<16xi1>
    %sub3A_338 = vector.broadcast %mul3A_32 : i32 to vector<16xi32>
    %sub3A_339 = arith.subi %get3A_326, %sub3A_338 : vector<16xi32>
    %jit3A_340 = arith.constant 0 : i32
    %broadcast_in_dim3A_341 = vector.broadcast %jit3A_340 : i32 to vector<16xi32>
    %select_n3A_342 = arith.select %and3A_337, %sub3A_339, %broadcast_in_dim3A_341 : vector<16xi1>, vector<16xi32>
    tpu.vector_store_idx %arg7[%select_n3A_342], %add3A_330 masked %and3A_337 : memref<192xi32, #tpu.memory_space<vmem>>[vector<16xi32>], vector<16xi32>, vector<16xi1>
    %get3A_343 = arith.constant 272 : index
    %get3A_344 = tpu.vector_load %arg5[%get3A_343] {strides = array<i32>} : memref<1024xi32, #tpu.memory_space<vmem>>, vector<16xi32>,
    %iota3A_345 = tpu.iota {dimensions = array<i32: 0>} : vector<16xi32>
    %add3A_346 = arith.constant 272 : i32
    %add3A_347 = vector.broadcast %add3A_346 : i32 to vector<16xi32>
    %add3A_348 = arith.addi %iota3A_345, %add3A_347 : vector<16xi32>
    %ge3A_349 = vector.broadcast %mul3A_32 : i32 to vector<16xi32>
    %ge3A_350 = arith.cmpi sge, %get3A_344, %ge3A_349 : vector<16xi32>
    %add3A_351 = arith.constant 192 : i32
    %add3A_352 = arith.addi %mul3A_32, %add3A_351 : i32
    %lt3A_353 = vector.broadcast %add3A_352 : i32 to vector<16xi32>
    %lt3A_354 = arith.cmpi slt, %get3A_344, %lt3A_353 : vector<16xi32>
    %and3A_355 = arith.andi %ge3A_350, %lt3A_354 : vector<16xi1>
    %sub3A_356 = vector.broadcast %mul3A_32 : i32 to vector<16xi32>
    %sub3A_357 = arith.subi %get3A_344, %sub3A_356 : vector<16xi32>
    %jit3A_358 = arith.constant 0 : i32
    %broadcast_in_dim3A_359 = vector.broadcast %jit3A_358 : i32 to vector<16xi32>
    %select_n3A_360 = arith.select %and3A_355, %sub3A_357, %broadcast_in_dim3A_359 : vector<16xi1>, vector<16xi32>
    tpu.vector_store_idx %arg7[%select_n3A_360], %add3A_348 masked %and3A_355 : memref<192xi32, #tpu.memory_space<vmem>>[vector<16xi32>], vector<16xi32>, vector<16xi1>
    %get3A_361 = arith.constant 288 : index
    %get3A_362 = tpu.vector_load %arg5[%get3A_361] {strides = array<i32>} : memref<1024xi32, #tpu.memory_space<vmem>>, vector<16xi32>,
    %iota3A_363 = tpu.iota {dimensions = array<i32: 0>} : vector<16xi32>
    %add3A_364 = arith.constant 288 : i32
    %add3A_365 = vector.broadcast %add3A_364 : i32 to vector<16xi32>
    %add3A_366 = arith.addi %iota3A_363, %add3A_365 : vector<16xi32>
    %ge3A_367 = vector.broadcast %mul3A_32 : i32 to vector<16xi32>
    %ge3A_368 = arith.cmpi sge, %get3A_362, %ge3A_367 : vector<16xi32>
    %add3A_369 = arith.constant 192 : i32
    %add3A_370 = arith.addi %mul3A_32, %add3A_369 : i32
    %lt3A_371 = vector.broadcast %add3A_370 : i32 to vector<16xi32>
    %lt3A_372 = arith.cmpi slt, %get3A_362, %lt3A_371 : vector<16xi32>
    %and3A_373 = arith.andi %ge3A_368, %lt3A_372 : vector<16xi1>
    %sub3A_374 = vector.broadcast %mul3A_32 : i32 to vector<16xi32>
    %sub3A_375 = arith.subi %get3A_362, %sub3A_374 : vector<16xi32>
    %jit3A_376 = arith.constant 0 : i32
    %broadcast_in_dim3A_377 = vector.broadcast %jit3A_376 : i32 to vector<16xi32>
    %select_n3A_378 = arith.select %and3A_373, %sub3A_375, %broadcast_in_dim3A_377 : vector<16xi1>, vector<16xi32>
    tpu.vector_store_idx %arg7[%select_n3A_378], %add3A_366 masked %and3A_373 : memref<192xi32, #tpu.memory_space<vmem>>[vector<16xi32>], vector<16xi32>, vector<16xi1>
    %get3A_379 = arith.constant 304 : index
    %get3A_380 = tpu.vector_load %arg5[%get3A_379] {strides = array<i32>} : memref<1024xi32, #tpu.memory_space<vmem>>, vector<16xi32>,
    %iota3A_381 = tpu.iota {dimensions = array<i32: 0>} : vector<16xi32>
    %add3A_382 = arith.constant 304 : i32
    %add3A_383 = vector.broadcast %add3A_382 : i32 to vector<16xi32>
    %add3A_384 = arith.addi %iota3A_381, %add3A_383 : vector<16xi32>
    %ge3A_385 = vector.broadcast %mul3A_32 : i32 to vector<16xi32>
    %ge3A_386 = arith.cmpi sge, %get3A_380, %ge3A_385 : vector<16xi32>
    %add3A_387 = arith.constant 192 : i32
    %add3A_388 = arith.addi %mul3A_32, %add3A_387 : i32
    %lt3A_389 = vector.broadcast %add3A_388 : i32 to vector<16xi32>
    %lt3A_390 = arith.cmpi slt, %get3A_380, %lt3A_389 : vector<16xi32>
    %and3A_391 = arith.andi %ge3A_386, %lt3A_390 : vector<16xi1>
    %sub3A_392 = vector.broadcast %mul3A_32 : i32 to vector<16xi32>
    %sub3A_393 = arith.subi %get3A_380, %sub3A_392 : vector<16xi32>
    %jit3A_394 = arith.constant 0 : i32
    %broadcast_in_dim3A_395 = vector.broadcast %jit3A_394 : i32 to vector<16xi32>
    %select_n3A_396 = arith.select %and3A_391, %sub3A_393, %broadcast_in_dim3A_395 : vector<16xi1>, vector<16xi32>
    tpu.vector_store_idx %arg7[%select_n3A_396], %add3A_384 masked %and3A_391 : memref<192xi32, #tpu.memory_space<vmem>>[vector<16xi32>], vector<16xi32>, vector<16xi1>
    %get3A_397 = arith.constant 320 : index
    %get3A_398 = tpu.vector_load %arg5[%get3A_397] {strides = array<i32>} : memref<1024xi32, #tpu.memory_space<vmem>>, vector<16xi32>,
    %iota3A_399 = tpu.iota {dimensions = array<i32: 0>} : vector<16xi32>
    %add3A_400 = arith.constant 320 : i32
    %add3A_401 = vector.broadcast %add3A_400 : i32 to vector<16xi32>
    %add3A_402 = arith.addi %iota3A_399, %add3A_401 : vector<16xi32>
    %ge3A_403 = vector.broadcast %mul3A_32 : i32 to vector<16xi32>
    %ge3A_404 = arith.cmpi sge, %get3A_398, %ge3A_403 : vector<16xi32>
    %add3A_405 = arith.constant 192 : i32
    %add3A_406 = arith.addi %mul3A_32, %add3A_405 : i32
    %lt3A_407 = vector.broadcast %add3A_406 : i32 to vector<16xi32>
    %lt3A_408 = arith.cmpi slt, %get3A_398, %lt3A_407 : vector<16xi32>
    %and3A_409 = arith.andi %ge3A_404, %lt3A_408 : vector<16xi1>
    %sub3A_410 = vector.broadcast %mul3A_32 : i32 to vector<16xi32>
    %sub3A_411 = arith.subi %get3A_398, %sub3A_410 : vector<16xi32>
    %jit3A_412 = arith.constant 0 : i32
    %broadcast_in_dim3A_413 = vector.broadcast %jit3A_412 : i32 to vector<16xi32>
    %select_n3A_414 = arith.select %and3A_409, %sub3A_411, %broadcast_in_dim3A_413 : vector<16xi1>, vector<16xi32>
    tpu.vector_store_idx %arg7[%select_n3A_414], %add3A_402 masked %and3A_409 : memref<192xi32, #tpu.memory_space<vmem>>[vector<16xi32>], vector<16xi32>, vector<16xi1>
    %get3A_415 = arith.constant 336 : index
    %get3A_416 = tpu.vector_load %arg5[%get3A_415] {strides = array<i32>} : memref<1024xi32, #tpu.memory_space<vmem>>, vector<16xi32>,
    %iota3A_417 = tpu.iota {dimensions = array<i32: 0>} : vector<16xi32>
    %add3A_418 = arith.constant 336 : i32
    %add3A_419 = vector.broadcast %add3A_418 : i32 to vector<16xi32>
    %add3A_420 = arith.addi %iota3A_417, %add3A_419 : vector<16xi32>
    %ge3A_421 = vector.broadcast %mul3A_32 : i32 to vector<16xi32>
    %ge3A_422 = arith.cmpi sge, %get3A_416, %ge3A_421 : vector<16xi32>
    %add3A_423 = arith.constant 192 : i32
    %add3A_424 = arith.addi %mul3A_32, %add3A_423 : i32
    %lt3A_425 = vector.broadcast %add3A_424 : i32 to vector<16xi32>
    %lt3A_426 = arith.cmpi slt, %get3A_416, %lt3A_425 : vector<16xi32>
    %and3A_427 = arith.andi %ge3A_422, %lt3A_426 : vector<16xi1>
    %sub3A_428 = vector.broadcast %mul3A_32 : i32 to vector<16xi32>
    %sub3A_429 = arith.subi %get3A_416, %sub3A_428 : vector<16xi32>
    %jit3A_430 = arith.constant 0 : i32
    %broadcast_in_dim3A_431 = vector.broadcast %jit3A_430 : i32 to vector<16xi32>
    %select_n3A_432 = arith.select %and3A_427, %sub3A_429, %broadcast_in_dim3A_431 : vector<16xi1>, vector<16xi32>
    tpu.vector_store_idx %arg7[%select_n3A_432], %add3A_420 masked %and3A_427 : memref<192xi32, #tpu.memory_space<vmem>>[vector<16xi32>], vector<16xi32>, vector<16xi1>
    %get3A_433 = arith.constant 352 : index
    %get3A_434 = tpu.vector_load %arg5[%get3A_433] {strides = array<i32>} : memref<1024xi32, #tpu.memory_space<vmem>>, vector<16xi32>,
    %iota3A_435 = tpu.iota {dimensions = array<i32: 0>} : vector<16xi32>
    %add3A_436 = arith.constant 352 : i32
    %add3A_437 = vector.broadcast %add3A_436 : i32 to vector<16xi32>
    %add3A_438 = arith.addi %iota3A_435, %add3A_437 : vector<16xi32>
    %ge3A_439 = vector.broadcast %mul3A_32 : i32 to vector<16xi32>
    %ge3A_440 = arith.cmpi sge, %get3A_434, %ge3A_439 : vector<16xi32>
    %add3A_441 = arith.constant 192 : i32
    %add3A_442 = arith.addi %mul3A_32, %add3A_441 : i32
    %lt3A_443 = vector.broadcast %add3A_442 : i32 to vector<16xi32>
    %lt3A_444 = arith.cmpi slt, %get3A_434, %lt3A_443 : vector<16xi32>
    %and3A_445 = arith.andi %ge3A_440, %lt3A_444 : vector<16xi1>
    %sub3A_446 = vector.broadcast %mul3A_32 : i32 to vector<16xi32>
    %sub3A_447 = arith.subi %get3A_434, %sub3A_446 : vector<16xi32>
    %jit3A_448 = arith.constant 0 : i32
    %broadcast_in_dim3A_449 = vector.broadcast %jit3A_448 : i32 to vector<16xi32>
    %select_n3A_450 = arith.select %and3A_445, %sub3A_447, %broadcast_in_dim3A_449 : vector<16xi1>, vector<16xi32>
    tpu.vector_store_idx %arg7[%select_n3A_450], %add3A_438 masked %and3A_445 : memref<192xi32, #tpu.memory_space<vmem>>[vector<16xi32>], vector<16xi32>, vector<16xi1>
    %get3A_451 = arith.constant 368 : index
    %get3A_452 = tpu.vector_load %arg5[%get3A_451] {strides = array<i32>} : memref<1024xi32, #tpu.memory_space<vmem>>, vector<16xi32>,
    %iota3A_453 = tpu.iota {dimensions = array<i32: 0>} : vector<16xi32>
    %add3A_454 = arith.constant 368 : i32
    %add3A_455 = vector.broadcast %add3A_454 : i32 to vector<16xi32>
    %add3A_456 = arith.addi %iota3A_453, %add3A_455 : vector<16xi32>
    %ge3A_457 = vector.broadcast %mul3A_32 : i32 to vector<16xi32>
    %ge3A_458 = arith.cmpi sge, %get3A_452, %ge3A_457 : vector<16xi32>
    %add3A_459 = arith.constant 192 : i32
    %add3A_460 = arith.addi %mul3A_32, %add3A_459 : i32
    %lt3A_461 = vector.broadcast %add3A_460 : i32 to vector<16xi32>
    %lt3A_462 = arith.cmpi slt, %get3A_452, %lt3A_461 : vector<16xi32>
    %and3A_463 = arith.andi %ge3A_458, %lt3A_462 : vector<16xi1>
    %sub3A_464 = vector.broadcast %mul3A_32 : i32 to vector<16xi32>
    %sub3A_465 = arith.subi %get3A_452, %sub3A_464 : vector<16xi32>
    %jit3A_466 = arith.constant 0 : i32
    %broadcast_in_dim3A_467 = vector.broadcast %jit3A_466 : i32 to vector<16xi32>
    %select_n3A_468 = arith.select %and3A_463, %sub3A_465, %broadcast_in_dim3A_467 : vector<16xi1>, vector<16xi32>
    tpu.vector_store_idx %arg7[%select_n3A_468], %add3A_456 masked %and3A_463 : memref<192xi32, #tpu.memory_space<vmem>>[vector<16xi32>], vector<16xi32>, vector<16xi1>
    %get3A_469 = arith.constant 384 : index
    %get3A_470 = tpu.vector_load %arg5[%get3A_469] {strides = array<i32>} : memref<1024xi32, #tpu.memory_space<vmem>>, vector<16xi32>,
    %iota3A_471 = tpu.iota {dimensions = array<i32: 0>} : vector<16xi32>
    %add3A_472 = arith.constant 384 : i32
    %add3A_473 = vector.broadcast %add3A_472 : i32 to vector<16xi32>
    %add3A_474 = arith.addi %iota3A_471, %add3A_473 : vector<16xi32>
    %ge3A_475 = vector.broadcast %mul3A_32 : i32 to vector<16xi32>
    %ge3A_476 = arith.cmpi sge, %get3A_470, %ge3A_475 : vector<16xi32>
    %add3A_477 = arith.constant 192 : i32
    %add3A_478 = arith.addi %mul3A_32, %add3A_477 : i32
    %lt3A_479 = vector.broadcast %add3A_478 : i32 to vector<16xi32>
    %lt3A_480 = arith.cmpi slt, %get3A_470, %lt3A_479 : vector<16xi32>
    %and3A_481 = arith.andi %ge3A_476, %lt3A_480 : vector<16xi1>
    %sub3A_482 = vector.broadcast %mul3A_32 : i32 to vector<16xi32>
    %sub3A_483 = arith.subi %get3A_470, %sub3A_482 : vector<16xi32>
    %jit3A_484 = arith.constant 0 : i32
    %broadcast_in_dim3A_485 = vector.broadcast %jit3A_484 : i32 to vector<16xi32>
    %select_n3A_486 = arith.select %and3A_481, %sub3A_483, %broadcast_in_dim3A_485 : vector<16xi1>, vector<16xi32>
    tpu.vector_store_idx %arg7[%select_n3A_486], %add3A_474 masked %and3A_481 : memref<192xi32, #tpu.memory_space<vmem>>[vector<16xi32>], vector<16xi32>, vector<16xi1>
    %get3A_487 = arith.constant 400 : index
    %get3A_488 = tpu.vector_load %arg5[%get3A_487] {strides = array<i32>} : memref<1024xi32, #tpu.memory_space<vmem>>, vector<16xi32>,
    %iota3A_489 = tpu.iota {dimensions = array<i32: 0>} : vector<16xi32>
    %add3A_490 = arith.constant 400 : i32
    %add3A_491 = vector.broadcast %add3A_490 : i32 to vector<16xi32>
    %add3A_492 = arith.addi %iota3A_489, %add3A_491 : vector<16xi32>
    %ge3A_493 = vector.broadcast %mul3A_32 : i32 to vector<16xi32>
    %ge3A_494 = arith.cmpi sge, %get3A_488, %ge3A_493 : vector<16xi32>
    %add3A_495 = arith.constant 192 : i32
    %add3A_496 = arith.addi %mul3A_32, %add3A_495 : i32
    %lt3A_497 = vector.broadcast %add3A_496 : i32 to vector<16xi32>
    %lt3A_498 = arith.cmpi slt, %get3A_488, %lt3A_497 : vector<16xi32>
    %and3A_499 = arith.andi %ge3A_494, %lt3A_498 : vector<16xi1>
    %sub3A_500 = vector.broadcast %mul3A_32 : i32 to vector<16xi32>
    %sub3A_501 = arith.subi %get3A_488, %sub3A_500 : vector<16xi32>
    %jit3A_502 = arith.constant 0 : i32
    %broadcast_in_dim3A_503 = vector.broadcast %jit3A_502 : i32 to vector<16xi32>
    %select_n3A_504 = arith.select %and3A_499, %sub3A_501, %broadcast_in_dim3A_503 : vector<16xi1>, vector<16xi32>
    tpu.vector_store_idx %arg7[%select_n3A_504], %add3A_492 masked %and3A_499 : memref<192xi32, #tpu.memory_space<vmem>>[vector<16xi32>], vector<16xi32>, vector<16xi1>
    %get3A_505 = arith.constant 416 : index
    %get3A_506 = tpu.vector_load %arg5[%get3A_505] {strides = array<i32>} : memref<1024xi32, #tpu.memory_space<vmem>>, vector<16xi32>,
    %iota3A_507 = tpu.iota {dimensions = array<i32: 0>} : vector<16xi32>
    %add3A_508 = arith.constant 416 : i32
    %add3A_509 = vector.broadcast %add3A_508 : i32 to vector<16xi32>
    %add3A_510 = arith.addi %iota3A_507, %add3A_509 : vector<16xi32>
    %ge3A_511 = vector.broadcast %mul3A_32 : i32 to vector<16xi32>
    %ge3A_512 = arith.cmpi sge, %get3A_506, %ge3A_511 : vector<16xi32>
    %add3A_513 = arith.constant 192 : i32
    %add3A_514 = arith.addi %mul3A_32, %add3A_513 : i32
    %lt3A_515 = vector.broadcast %add3A_514 : i32 to vector<16xi32>
    %lt3A_516 = arith.cmpi slt, %get3A_506, %lt3A_515 : vector<16xi32>
    %and3A_517 = arith.andi %ge3A_512, %lt3A_516 : vector<16xi1>
    %sub3A_518 = vector.broadcast %mul3A_32 : i32 to vector<16xi32>
    %sub3A_519 = arith.subi %get3A_506, %sub3A_518 : vector<16xi32>
    %jit3A_520 = arith.constant 0 : i32
    %broadcast_in_dim3A_521 = vector.broadcast %jit3A_520 : i32 to vector<16xi32>
    %select_n3A_522 = arith.select %and3A_517, %sub3A_519, %broadcast_in_dim3A_521 : vector<16xi1>, vector<16xi32>
    tpu.vector_store_idx %arg7[%select_n3A_522], %add3A_510 masked %and3A_517 : memref<192xi32, #tpu.memory_space<vmem>>[vector<16xi32>], vector<16xi32>, vector<16xi1>
    %get3A_523 = arith.constant 432 : index
    %get3A_524 = tpu.vector_load %arg5[%get3A_523] {strides = array<i32>} : memref<1024xi32, #tpu.memory_space<vmem>>, vector<16xi32>,
    %iota3A_525 = tpu.iota {dimensions = array<i32: 0>} : vector<16xi32>
    %add3A_526 = arith.constant 432 : i32
    %add3A_527 = vector.broadcast %add3A_526 : i32 to vector<16xi32>
    %add3A_528 = arith.addi %iota3A_525, %add3A_527 : vector<16xi32>
    %ge3A_529 = vector.broadcast %mul3A_32 : i32 to vector<16xi32>
    %ge3A_530 = arith.cmpi sge, %get3A_524, %ge3A_529 : vector<16xi32>
    %add3A_531 = arith.constant 192 : i32
    %add3A_532 = arith.addi %mul3A_32, %add3A_531 : i32
    %lt3A_533 = vector.broadcast %add3A_532 : i32 to vector<16xi32>
    %lt3A_534 = arith.cmpi slt, %get3A_524, %lt3A_533 : vector<16xi32>
    %and3A_535 = arith.andi %ge3A_530, %lt3A_534 : vector<16xi1>
    %sub3A_536 = vector.broadcast %mul3A_32 : i32 to vector<16xi32>
    %sub3A_537 = arith.subi %get3A_524, %sub3A_536 : vector<16xi32>
    %jit3A_538 = arith.constant 0 : i32
    %broadcast_in_dim3A_539 = vector.broadcast %jit3A_538 : i32 to vector<16xi32>
    %select_n3A_540 = arith.select %and3A_535, %sub3A_537, %broadcast_in_dim3A_539 : vector<16xi1>, vector<16xi32>
    tpu.vector_store_idx %arg7[%select_n3A_540], %add3A_528 masked %and3A_535 : memref<192xi32, #tpu.memory_space<vmem>>[vector<16xi32>], vector<16xi32>, vector<16xi1>
    %get3A_541 = arith.constant 448 : index
    %get3A_542 = tpu.vector_load %arg5[%get3A_541] {strides = array<i32>} : memref<1024xi32, #tpu.memory_space<vmem>>, vector<16xi32>,
    %iota3A_543 = tpu.iota {dimensions = array<i32: 0>} : vector<16xi32>
    %add3A_544 = arith.constant 448 : i32
    %add3A_545 = vector.broadcast %add3A_544 : i32 to vector<16xi32>
    %add3A_546 = arith.addi %iota3A_543, %add3A_545 : vector<16xi32>
    %ge3A_547 = vector.broadcast %mul3A_32 : i32 to vector<16xi32>
    %ge3A_548 = arith.cmpi sge, %get3A_542, %ge3A_547 : vector<16xi32>
    %add3A_549 = arith.constant 192 : i32
    %add3A_550 = arith.addi %mul3A_32, %add3A_549 : i32
    %lt3A_551 = vector.broadcast %add3A_550 : i32 to vector<16xi32>
    %lt3A_552 = arith.cmpi slt, %get3A_542, %lt3A_551 : vector<16xi32>
    %and3A_553 = arith.andi %ge3A_548, %lt3A_552 : vector<16xi1>
    %sub3A_554 = vector.broadcast %mul3A_32 : i32 to vector<16xi32>
    %sub3A_555 = arith.subi %get3A_542, %sub3A_554 : vector<16xi32>
    %jit3A_556 = arith.constant 0 : i32
    %broadcast_in_dim3A_557 = vector.broadcast %jit3A_556 : i32 to vector<16xi32>
    %select_n3A_558 = arith.select %and3A_553, %sub3A_555, %broadcast_in_dim3A_557 : vector<16xi1>, vector<16xi32>
    tpu.vector_store_idx %arg7[%select_n3A_558], %add3A_546 masked %and3A_553 : memref<192xi32, #tpu.memory_space<vmem>>[vector<16xi32>], vector<16xi32>, vector<16xi1>
    %get3A_559 = arith.constant 464 : index
    %get3A_560 = tpu.vector_load %arg5[%get3A_559] {strides = array<i32>} : memref<1024xi32, #tpu.memory_space<vmem>>, vector<16xi32>,
    %iota3A_561 = tpu.iota {dimensions = array<i32: 0>} : vector<16xi32>
    %add3A_562 = arith.constant 464 : i32
    %add3A_563 = vector.broadcast %add3A_562 : i32 to vector<16xi32>
    %add3A_564 = arith.addi %iota3A_561, %add3A_563 : vector<16xi32>
    %ge3A_565 = vector.broadcast %mul3A_32 : i32 to vector<16xi32>
    %ge3A_566 = arith.cmpi sge, %get3A_560, %ge3A_565 : vector<16xi32>
    %add3A_567 = arith.constant 192 : i32
    %add3A_568 = arith.addi %mul3A_32, %add3A_567 : i32
    %lt3A_569 = vector.broadcast %add3A_568 : i32 to vector<16xi32>
    %lt3A_570 = arith.cmpi slt, %get3A_560, %lt3A_569 : vector<16xi32>
    %and3A_571 = arith.andi %ge3A_566, %lt3A_570 : vector<16xi1>
    %sub3A_572 = vector.broadcast %mul3A_32 : i32 to vector<16xi32>
    %sub3A_573 = arith.subi %get3A_560, %sub3A_572 : vector<16xi32>
    %jit3A_574 = arith.constant 0 : i32
    %broadcast_in_dim3A_575 = vector.broadcast %jit3A_574 : i32 to vector<16xi32>
    %select_n3A_576 = arith.select %and3A_571, %sub3A_573, %broadcast_in_dim3A_575 : vector<16xi1>, vector<16xi32>
    tpu.vector_store_idx %arg7[%select_n3A_576], %add3A_564 masked %and3A_571 : memref<192xi32, #tpu.memory_space<vmem>>[vector<16xi32>], vector<16xi32>, vector<16xi1>
    %get3A_577 = arith.constant 480 : index
    %get3A_578 = tpu.vector_load %arg5[%get3A_577] {strides = array<i32>} : memref<1024xi32, #tpu.memory_space<vmem>>, vector<16xi32>,
    %iota3A_579 = tpu.iota {dimensions = array<i32: 0>} : vector<16xi32>
    %add3A_580 = arith.constant 480 : i32
    %add3A_581 = vector.broadcast %add3A_580 : i32 to vector<16xi32>
    %add3A_582 = arith.addi %iota3A_579, %add3A_581 : vector<16xi32>
    %ge3A_583 = vector.broadcast %mul3A_32 : i32 to vector<16xi32>
    %ge3A_584 = arith.cmpi sge, %get3A_578, %ge3A_583 : vector<16xi32>
    %add3A_585 = arith.constant 192 : i32
    %add3A_586 = arith.addi %mul3A_32, %add3A_585 : i32
    %lt3A_587 = vector.broadcast %add3A_586 : i32 to vector<16xi32>
    %lt3A_588 = arith.cmpi slt, %get3A_578, %lt3A_587 : vector<16xi32>
    %and3A_589 = arith.andi %ge3A_584, %lt3A_588 : vector<16xi1>
    %sub3A_590 = vector.broadcast %mul3A_32 : i32 to vector<16xi32>
    %sub3A_591 = arith.subi %get3A_578, %sub3A_590 : vector<16xi32>
    %jit3A_592 = arith.constant 0 : i32
    %broadcast_in_dim3A_593 = vector.broadcast %jit3A_592 : i32 to vector<16xi32>
    %select_n3A_594 = arith.select %and3A_589, %sub3A_591, %broadcast_in_dim3A_593 : vector<16xi1>, vector<16xi32>
    tpu.vector_store_idx %arg7[%select_n3A_594], %add3A_582 masked %and3A_589 : memref<192xi32, #tpu.memory_space<vmem>>[vector<16xi32>], vector<16xi32>, vector<16xi1>
    %get3A_595 = arith.constant 496 : index
    %get3A_596 = tpu.vector_load %arg5[%get3A_595] {strides = array<i32>} : memref<1024xi32, #tpu.memory_space<vmem>>, vector<16xi32>,
    %iota3A_597 = tpu.iota {dimensions = array<i32: 0>} : vector<16xi32>
    %add3A_598 = arith.constant 496 : i32
    %add3A_599 = vector.broadcast %add3A_598 : i32 to vector<16xi32>
    %add3A_600 = arith.addi %iota3A_597, %add3A_599 : vector<16xi32>
    %ge3A_601 = vector.broadcast %mul3A_32 : i32 to vector<16xi32>
    %ge3A_602 = arith.cmpi sge, %get3A_596, %ge3A_601 : vector<16xi32>
    %add3A_603 = arith.constant 192 : i32
    %add3A_604 = arith.addi %mul3A_32, %add3A_603 : i32
    %lt3A_605 = vector.broadcast %add3A_604 : i32 to vector<16xi32>
    %lt3A_606 = arith.cmpi slt, %get3A_596, %lt3A_605 : vector<16xi32>
    %and3A_607 = arith.andi %ge3A_602, %lt3A_606 : vector<16xi1>
    %sub3A_608 = vector.broadcast %mul3A_32 : i32 to vector<16xi32>
    %sub3A_609 = arith.subi %get3A_596, %sub3A_608 : vector<16xi32>
    %jit3A_610 = arith.constant 0 : i32
    %broadcast_in_dim3A_611 = vector.broadcast %jit3A_610 : i32 to vector<16xi32>
    %select_n3A_612 = arith.select %and3A_607, %sub3A_609, %broadcast_in_dim3A_611 : vector<16xi1>, vector<16xi32>
    tpu.vector_store_idx %arg7[%select_n3A_612], %add3A_600 masked %and3A_607 : memref<192xi32, #tpu.memory_space<vmem>>[vector<16xi32>], vector<16xi32>, vector<16xi1>
    %get3A_613 = arith.constant 512 : index
    %get3A_614 = tpu.vector_load %arg5[%get3A_613] {strides = array<i32>} : memref<1024xi32, #tpu.memory_space<vmem>>, vector<16xi32>,
    %iota3A_615 = tpu.iota {dimensions = array<i32: 0>} : vector<16xi32>
    %add3A_616 = arith.constant 512 : i32
    %add3A_617 = vector.broadcast %add3A_616 : i32 to vector<16xi32>
    %add3A_618 = arith.addi %iota3A_615, %add3A_617 : vector<16xi32>
    %ge3A_619 = vector.broadcast %mul3A_32 : i32 to vector<16xi32>
    %ge3A_620 = arith.cmpi sge, %get3A_614, %ge3A_619 : vector<16xi32>
    %add3A_621 = arith.constant 192 : i32
    %add3A_622 = arith.addi %mul3A_32, %add3A_621 : i32
    %lt3A_623 = vector.broadcast %add3A_622 : i32 to vector<16xi32>
    %lt3A_624 = arith.cmpi slt, %get3A_614, %lt3A_623 : vector<16xi32>
    %and3A_625 = arith.andi %ge3A_620, %lt3A_624 : vector<16xi1>
    %sub3A_626 = vector.broadcast %mul3A_32 : i32 to vector<16xi32>
    %sub3A_627 = arith.subi %get3A_614, %sub3A_626 : vector<16xi32>
    %jit3A_628 = arith.constant 0 : i32
    %broadcast_in_dim3A_629 = vector.broadcast %jit3A_628 : i32 to vector<16xi32>
    %select_n3A_630 = arith.select %and3A_625, %sub3A_627, %broadcast_in_dim3A_629 : vector<16xi1>, vector<16xi32>
    tpu.vector_store_idx %arg7[%select_n3A_630], %add3A_618 masked %and3A_625 : memref<192xi32, #tpu.memory_space<vmem>>[vector<16xi32>], vector<16xi32>, vector<16xi1>
    %get3A_631 = arith.constant 528 : index
    %get3A_632 = tpu.vector_load %arg5[%get3A_631] {strides = array<i32>} : memref<1024xi32, #tpu.memory_space<vmem>>, vector<16xi32>,
    %iota3A_633 = tpu.iota {dimensions = array<i32: 0>} : vector<16xi32>
    %add3A_634 = arith.constant 528 : i32
    %add3A_635 = vector.broadcast %add3A_634 : i32 to vector<16xi32>
    %add3A_636 = arith.addi %iota3A_633, %add3A_635 : vector<16xi32>
    %ge3A_637 = vector.broadcast %mul3A_32 : i32 to vector<16xi32>
    %ge3A_638 = arith.cmpi sge, %get3A_632, %ge3A_637 : vector<16xi32>
    %add3A_639 = arith.constant 192 : i32
    %add3A_640 = arith.addi %mul3A_32, %add3A_639 : i32
    %lt3A_641 = vector.broadcast %add3A_640 : i32 to vector<16xi32>
    %lt3A_642 = arith.cmpi slt, %get3A_632, %lt3A_641 : vector<16xi32>
    %and3A_643 = arith.andi %ge3A_638, %lt3A_642 : vector<16xi1>
    %sub3A_644 = vector.broadcast %mul3A_32 : i32 to vector<16xi32>
    %sub3A_645 = arith.subi %get3A_632, %sub3A_644 : vector<16xi32>
    %jit3A_646 = arith.constant 0 : i32
    %broadcast_in_dim3A_647 = vector.broadcast %jit3A_646 : i32 to vector<16xi32>
    %select_n3A_648 = arith.select %and3A_643, %sub3A_645, %broadcast_in_dim3A_647 : vector<16xi1>, vector<16xi32>
    tpu.vector_store_idx %arg7[%select_n3A_648], %add3A_636 masked %and3A_643 : memref<192xi32, #tpu.memory_space<vmem>>[vector<16xi32>], vector<16xi32>, vector<16xi1>
    %get3A_649 = arith.constant 544 : index
    %get3A_650 = tpu.vector_load %arg5[%get3A_649] {strides = array<i32>} : memref<1024xi32, #tpu.memory_space<vmem>>, vector<16xi32>,
    %iota3A_651 = tpu.iota {dimensions = array<i32: 0>} : vector<16xi32>
    %add3A_652 = arith.constant 544 : i32
    %add3A_653 = vector.broadcast %add3A_652 : i32 to vector<16xi32>
    %add3A_654 = arith.addi %iota3A_651, %add3A_653 : vector<16xi32>
    %ge3A_655 = vector.broadcast %mul3A_32 : i32 to vector<16xi32>
    %ge3A_656 = arith.cmpi sge, %get3A_650, %ge3A_655 : vector<16xi32>
    %add3A_657 = arith.constant 192 : i32
    %add3A_658 = arith.addi %mul3A_32, %add3A_657 : i32
    %lt3A_659 = vector.broadcast %add3A_658 : i32 to vector<16xi32>
    %lt3A_660 = arith.cmpi slt, %get3A_650, %lt3A_659 : vector<16xi32>
    %and3A_661 = arith.andi %ge3A_656, %lt3A_660 : vector<16xi1>
    %sub3A_662 = vector.broadcast %mul3A_32 : i32 to vector<16xi32>
    %sub3A_663 = arith.subi %get3A_650, %sub3A_662 : vector<16xi32>
    %jit3A_664 = arith.constant 0 : i32
    %broadcast_in_dim3A_665 = vector.broadcast %jit3A_664 : i32 to vector<16xi32>
    %select_n3A_666 = arith.select %and3A_661, %sub3A_663, %broadcast_in_dim3A_665 : vector<16xi1>, vector<16xi32>
    tpu.vector_store_idx %arg7[%select_n3A_666], %add3A_654 masked %and3A_661 : memref<192xi32, #tpu.memory_space<vmem>>[vector<16xi32>], vector<16xi32>, vector<16xi1>
    %get3A_667 = arith.constant 560 : index
    %get3A_668 = tpu.vector_load %arg5[%get3A_667] {strides = array<i32>} : memref<1024xi32, #tpu.memory_space<vmem>>, vector<16xi32>,
    %iota3A_669 = tpu.iota {dimensions = array<i32: 0>} : vector<16xi32>
    %add3A_670 = arith.constant 560 : i32
    %add3A_671 = vector.broadcast %add3A_670 : i32 to vector<16xi32>
    %add3A_672 = arith.addi %iota3A_669, %add3A_671 : vector<16xi32>
    %ge3A_673 = vector.broadcast %mul3A_32 : i32 to vector<16xi32>
    %ge3A_674 = arith.cmpi sge, %get3A_668, %ge3A_673 : vector<16xi32>
    %add3A_675 = arith.constant 192 : i32
    %add3A_676 = arith.addi %mul3A_32, %add3A_675 : i32
    %lt3A_677 = vector.broadcast %add3A_676 : i32 to vector<16xi32>
    %lt3A_678 = arith.cmpi slt, %get3A_668, %lt3A_677 : vector<16xi32>
    %and3A_679 = arith.andi %ge3A_674, %lt3A_678 : vector<16xi1>
    %sub3A_680 = vector.broadcast %mul3A_32 : i32 to vector<16xi32>
    %sub3A_681 = arith.subi %get3A_668, %sub3A_680 : vector<16xi32>
    %jit3A_682 = arith.constant 0 : i32
    %broadcast_in_dim3A_683 = vector.broadcast %jit3A_682 : i32 to vector<16xi32>
    %select_n3A_684 = arith.select %and3A_679, %sub3A_681, %broadcast_in_dim3A_683 : vector<16xi1>, vector<16xi32>
    tpu.vector_store_idx %arg7[%select_n3A_684], %add3A_672 masked %and3A_679 : memref<192xi32, #tpu.memory_space<vmem>>[vector<16xi32>], vector<16xi32>, vector<16xi1>
    %get3A_685 = arith.constant 576 : index
    %get3A_686 = tpu.vector_load %arg5[%get3A_685] {strides = array<i32>} : memref<1024xi32, #tpu.memory_space<vmem>>, vector<16xi32>,
    %iota3A_687 = tpu.iota {dimensions = array<i32: 0>} : vector<16xi32>
    %add3A_688 = arith.constant 576 : i32
    %add3A_689 = vector.broadcast %add3A_688 : i32 to vector<16xi32>
    %add3A_690 = arith.addi %iota3A_687, %add3A_689 : vector<16xi32>
    %ge3A_691 = vector.broadcast %mul3A_32 : i32 to vector<16xi32>
    %ge3A_692 = arith.cmpi sge, %get3A_686, %ge3A_691 : vector<16xi32>
    %add3A_693 = arith.constant 192 : i32
    %add3A_694 = arith.addi %mul3A_32, %add3A_693 : i32
    %lt3A_695 = vector.broadcast %add3A_694 : i32 to vector<16xi32>
    %lt3A_696 = arith.cmpi slt, %get3A_686, %lt3A_695 : vector<16xi32>
    %and3A_697 = arith.andi %ge3A_692, %lt3A_696 : vector<16xi1>
    %sub3A_698 = vector.broadcast %mul3A_32 : i32 to vector<16xi32>
    %sub3A_699 = arith.subi %get3A_686, %sub3A_698 : vector<16xi32>
    %jit3A_700 = arith.constant 0 : i32
    %broadcast_in_dim3A_701 = vector.broadcast %jit3A_700 : i32 to vector<16xi32>
    %select_n3A_702 = arith.select %and3A_697, %sub3A_699, %broadcast_in_dim3A_701 : vector<16xi1>, vector<16xi32>
    tpu.vector_store_idx %arg7[%select_n3A_702], %add3A_690 masked %and3A_697 : memref<192xi32, #tpu.memory_space<vmem>>[vector<16xi32>], vector<16xi32>, vector<16xi1>
    %get3A_703 = arith.constant 592 : index
    %get3A_704 = tpu.vector_load %arg5[%get3A_703] {strides = array<i32>} : memref<1024xi32, #tpu.memory_space<vmem>>, vector<16xi32>,
    %iota3A_705 = tpu.iota {dimensions = array<i32: 0>} : vector<16xi32>
    %add3A_706 = arith.constant 592 : i32
    %add3A_707 = vector.broadcast %add3A_706 : i32 to vector<16xi32>
    %add3A_708 = arith.addi %iota3A_705, %add3A_707 : vector<16xi32>
    %ge3A_709 = vector.broadcast %mul3A_32 : i32 to vector<16xi32>
    %ge3A_710 = arith.cmpi sge, %get3A_704, %ge3A_709 : vector<16xi32>
    %add3A_711 = arith.constant 192 : i32
    %add3A_712 = arith.addi %mul3A_32, %add3A_711 : i32
    %lt3A_713 = vector.broadcast %add3A_712 : i32 to vector<16xi32>
    %lt3A_714 = arith.cmpi slt, %get3A_704, %lt3A_713 : vector<16xi32>
    %and3A_715 = arith.andi %ge3A_710, %lt3A_714 : vector<16xi1>
    %sub3A_716 = vector.broadcast %mul3A_32 : i32 to vector<16xi32>
    %sub3A_717 = arith.subi %get3A_704, %sub3A_716 : vector<16xi32>
    %jit3A_718 = arith.constant 0 : i32
    %broadcast_in_dim3A_719 = vector.broadcast %jit3A_718 : i32 to vector<16xi32>
    %select_n3A_720 = arith.select %and3A_715, %sub3A_717, %broadcast_in_dim3A_719 : vector<16xi1>, vector<16xi32>
    tpu.vector_store_idx %arg7[%select_n3A_720], %add3A_708 masked %and3A_715 : memref<192xi32, #tpu.memory_space<vmem>>[vector<16xi32>], vector<16xi32>, vector<16xi1>
    %get3A_721 = arith.constant 608 : index
    %get3A_722 = tpu.vector_load %arg5[%get3A_721] {strides = array<i32>} : memref<1024xi32, #tpu.memory_space<vmem>>, vector<16xi32>,
    %iota3A_723 = tpu.iota {dimensions = array<i32: 0>} : vector<16xi32>
    %add3A_724 = arith.constant 608 : i32
    %add3A_725 = vector.broadcast %add3A_724 : i32 to vector<16xi32>
    %add3A_726 = arith.addi %iota3A_723, %add3A_725 : vector<16xi32>
    %ge3A_727 = vector.broadcast %mul3A_32 : i32 to vector<16xi32>
    %ge3A_728 = arith.cmpi sge, %get3A_722, %ge3A_727 : vector<16xi32>
    %add3A_729 = arith.constant 192 : i32
    %add3A_730 = arith.addi %mul3A_32, %add3A_729 : i32
    %lt3A_731 = vector.broadcast %add3A_730 : i32 to vector<16xi32>
    %lt3A_732 = arith.cmpi slt, %get3A_722, %lt3A_731 : vector<16xi32>
    %and3A_733 = arith.andi %ge3A_728, %lt3A_732 : vector<16xi1>
    %sub3A_734 = vector.broadcast %mul3A_32 : i32 to vector<16xi32>
    %sub3A_735 = arith.subi %get3A_722, %sub3A_734 : vector<16xi32>
    %jit3A_736 = arith.constant 0 : i32
    %broadcast_in_dim3A_737 = vector.broadcast %jit3A_736 : i32 to vector<16xi32>
    %select_n3A_738 = arith.select %and3A_733, %sub3A_735, %broadcast_in_dim3A_737 : vector<16xi1>, vector<16xi32>
    tpu.vector_store_idx %arg7[%select_n3A_738], %add3A_726 masked %and3A_733 : memref<192xi32, #tpu.memory_space<vmem>>[vector<16xi32>], vector<16xi32>, vector<16xi1>
    %get3A_739 = arith.constant 624 : index
    %get3A_740 = tpu.vector_load %arg5[%get3A_739] {strides = array<i32>} : memref<1024xi32, #tpu.memory_space<vmem>>, vector<16xi32>,
    %iota3A_741 = tpu.iota {dimensions = array<i32: 0>} : vector<16xi32>
    %add3A_742 = arith.constant 624 : i32
    %add3A_743 = vector.broadcast %add3A_742 : i32 to vector<16xi32>
    %add3A_744 = arith.addi %iota3A_741, %add3A_743 : vector<16xi32>
    %ge3A_745 = vector.broadcast %mul3A_32 : i32 to vector<16xi32>
    %ge3A_746 = arith.cmpi sge, %get3A_740, %ge3A_745 : vector<16xi32>
    %add3A_747 = arith.constant 192 : i32
    %add3A_748 = arith.addi %mul3A_32, %add3A_747 : i32
    %lt3A_749 = vector.broadcast %add3A_748 : i32 to vector<16xi32>
    %lt3A_750 = arith.cmpi slt, %get3A_740, %lt3A_749 : vector<16xi32>
    %and3A_751 = arith.andi %ge3A_746, %lt3A_750 : vector<16xi1>
    %sub3A_752 = vector.broadcast %mul3A_32 : i32 to vector<16xi32>
    %sub3A_753 = arith.subi %get3A_740, %sub3A_752 : vector<16xi32>
    %jit3A_754 = arith.constant 0 : i32
    %broadcast_in_dim3A_755 = vector.broadcast %jit3A_754 : i32 to vector<16xi32>
    %select_n3A_756 = arith.select %and3A_751, %sub3A_753, %broadcast_in_dim3A_755 : vector<16xi1>, vector<16xi32>
    tpu.vector_store_idx %arg7[%select_n3A_756], %add3A_744 masked %and3A_751 : memref<192xi32, #tpu.memory_space<vmem>>[vector<16xi32>], vector<16xi32>, vector<16xi1>
    %get3A_757 = arith.constant 640 : index
    %get3A_758 = tpu.vector_load %arg5[%get3A_757] {strides = array<i32>} : memref<1024xi32, #tpu.memory_space<vmem>>, vector<16xi32>,
    %iota3A_759 = tpu.iota {dimensions = array<i32: 0>} : vector<16xi32>
    %add3A_760 = arith.constant 640 : i32
    %add3A_761 = vector.broadcast %add3A_760 : i32 to vector<16xi32>
    %add3A_762 = arith.addi %iota3A_759, %add3A_761 : vector<16xi32>
    %ge3A_763 = vector.broadcast %mul3A_32 : i32 to vector<16xi32>
    %ge3A_764 = arith.cmpi sge, %get3A_758, %ge3A_763 : vector<16xi32>
    %add3A_765 = arith.constant 192 : i32
    %add3A_766 = arith.addi %mul3A_32, %add3A_765 : i32
    %lt3A_767 = vector.broadcast %add3A_766 : i32 to vector<16xi32>
    %lt3A_768 = arith.cmpi slt, %get3A_758, %lt3A_767 : vector<16xi32>
    %and3A_769 = arith.andi %ge3A_764, %lt3A_768 : vector<16xi1>
    %sub3A_770 = vector.broadcast %mul3A_32 : i32 to vector<16xi32>
    %sub3A_771 = arith.subi %get3A_758, %sub3A_770 : vector<16xi32>
    %jit3A_772 = arith.constant 0 : i32
    %broadcast_in_dim3A_773 = vector.broadcast %jit3A_772 : i32 to vector<16xi32>
    %select_n3A_774 = arith.select %and3A_769, %sub3A_771, %broadcast_in_dim3A_773 : vector<16xi1>, vector<16xi32>
    tpu.vector_store_idx %arg7[%select_n3A_774], %add3A_762 masked %and3A_769 : memref<192xi32, #tpu.memory_space<vmem>>[vector<16xi32>], vector<16xi32>, vector<16xi1>
    %get3A_775 = arith.constant 656 : index
    %get3A_776 = tpu.vector_load %arg5[%get3A_775] {strides = array<i32>} : memref<1024xi32, #tpu.memory_space<vmem>>, vector<16xi32>,
    %iota3A_777 = tpu.iota {dimensions = array<i32: 0>} : vector<16xi32>
    %add3A_778 = arith.constant 656 : i32
    %add3A_779 = vector.broadcast %add3A_778 : i32 to vector<16xi32>
    %add3A_780 = arith.addi %iota3A_777, %add3A_779 : vector<16xi32>
    %ge3A_781 = vector.broadcast %mul3A_32 : i32 to vector<16xi32>
    %ge3A_782 = arith.cmpi sge, %get3A_776, %ge3A_781 : vector<16xi32>
    %add3A_783 = arith.constant 192 : i32
    %add3A_784 = arith.addi %mul3A_32, %add3A_783 : i32
    %lt3A_785 = vector.broadcast %add3A_784 : i32 to vector<16xi32>
    %lt3A_786 = arith.cmpi slt, %get3A_776, %lt3A_785 : vector<16xi32>
    %and3A_787 = arith.andi %ge3A_782, %lt3A_786 : vector<16xi1>
    %sub3A_788 = vector.broadcast %mul3A_32 : i32 to vector<16xi32>
    %sub3A_789 = arith.subi %get3A_776, %sub3A_788 : vector<16xi32>
    %jit3A_790 = arith.constant 0 : i32
    %broadcast_in_dim3A_791 = vector.broadcast %jit3A_790 : i32 to vector<16xi32>
    %select_n3A_792 = arith.select %and3A_787, %sub3A_789, %broadcast_in_dim3A_791 : vector<16xi1>, vector<16xi32>
    tpu.vector_store_idx %arg7[%select_n3A_792], %add3A_780 masked %and3A_787 : memref<192xi32, #tpu.memory_space<vmem>>[vector<16xi32>], vector<16xi32>, vector<16xi1>
    %get3A_793 = arith.constant 672 : index
    %get3A_794 = tpu.vector_load %arg5[%get3A_793] {strides = array<i32>} : memref<1024xi32, #tpu.memory_space<vmem>>, vector<16xi32>,
    %iota3A_795 = tpu.iota {dimensions = array<i32: 0>} : vector<16xi32>
    %add3A_796 = arith.constant 672 : i32
    %add3A_797 = vector.broadcast %add3A_796 : i32 to vector<16xi32>
    %add3A_798 = arith.addi %iota3A_795, %add3A_797 : vector<16xi32>
    %ge3A_799 = vector.broadcast %mul3A_32 : i32 to vector<16xi32>
    %ge3A_800 = arith.cmpi sge, %get3A_794, %ge3A_799 : vector<16xi32>
    %add3A_801 = arith.constant 192 : i32
    %add3A_802 = arith.addi %mul3A_32, %add3A_801 : i32
    %lt3A_803 = vector.broadcast %add3A_802 : i32 to vector<16xi32>
    %lt3A_804 = arith.cmpi slt, %get3A_794, %lt3A_803 : vector<16xi32>
    %and3A_805 = arith.andi %ge3A_800, %lt3A_804 : vector<16xi1>
    %sub3A_806 = vector.broadcast %mul3A_32 : i32 to vector<16xi32>
    %sub3A_807 = arith.subi %get3A_794, %sub3A_806 : vector<16xi32>
    %jit3A_808 = arith.constant 0 : i32
    %broadcast_in_dim3A_809 = vector.broadcast %jit3A_808 : i32 to vector<16xi32>
    %select_n3A_810 = arith.select %and3A_805, %sub3A_807, %broadcast_in_dim3A_809 : vector<16xi1>, vector<16xi32>
    tpu.vector_store_idx %arg7[%select_n3A_810], %add3A_798 masked %and3A_805 : memref<192xi32, #tpu.memory_space<vmem>>[vector<16xi32>], vector<16xi32>, vector<16xi1>
    %get3A_811 = arith.constant 688 : index
    %get3A_812 = tpu.vector_load %arg5[%get3A_811] {strides = array<i32>} : memref<1024xi32, #tpu.memory_space<vmem>>, vector<16xi32>,
    %iota3A_813 = tpu.iota {dimensions = array<i32: 0>} : vector<16xi32>
    %add3A_814 = arith.constant 688 : i32
    %add3A_815 = vector.broadcast %add3A_814 : i32 to vector<16xi32>
    %add3A_816 = arith.addi %iota3A_813, %add3A_815 : vector<16xi32>
    %ge3A_817 = vector.broadcast %mul3A_32 : i32 to vector<16xi32>
    %ge3A_818 = arith.cmpi sge, %get3A_812, %ge3A_817 : vector<16xi32>
    %add3A_819 = arith.constant 192 : i32
    %add3A_820 = arith.addi %mul3A_32, %add3A_819 : i32
    %lt3A_821 = vector.broadcast %add3A_820 : i32 to vector<16xi32>
    %lt3A_822 = arith.cmpi slt, %get3A_812, %lt3A_821 : vector<16xi32>
    %and3A_823 = arith.andi %ge3A_818, %lt3A_822 : vector<16xi1>
    %sub3A_824 = vector.broadcast %mul3A_32 : i32 to vector<16xi32>
    %sub3A_825 = arith.subi %get3A_812, %sub3A_824 : vector<16xi32>
    %jit3A_826 = arith.constant 0 : i32
    %broadcast_in_dim3A_827 = vector.broadcast %jit3A_826 : i32 to vector<16xi32>
    %select_n3A_828 = arith.select %and3A_823, %sub3A_825, %broadcast_in_dim3A_827 : vector<16xi1>, vector<16xi32>
    tpu.vector_store_idx %arg7[%select_n3A_828], %add3A_816 masked %and3A_823 : memref<192xi32, #tpu.memory_space<vmem>>[vector<16xi32>], vector<16xi32>, vector<16xi1>
    %get3A_829 = arith.constant 704 : index
    %get3A_830 = tpu.vector_load %arg5[%get3A_829] {strides = array<i32>} : memref<1024xi32, #tpu.memory_space<vmem>>, vector<16xi32>,
    %iota3A_831 = tpu.iota {dimensions = array<i32: 0>} : vector<16xi32>
    %add3A_832 = arith.constant 704 : i32
    %add3A_833 = vector.broadcast %add3A_832 : i32 to vector<16xi32>
    %add3A_834 = arith.addi %iota3A_831, %add3A_833 : vector<16xi32>
    %ge3A_835 = vector.broadcast %mul3A_32 : i32 to vector<16xi32>
    %ge3A_836 = arith.cmpi sge, %get3A_830, %ge3A_835 : vector<16xi32>
    %add3A_837 = arith.constant 192 : i32
    %add3A_838 = arith.addi %mul3A_32, %add3A_837 : i32
    %lt3A_839 = vector.broadcast %add3A_838 : i32 to vector<16xi32>
    %lt3A_840 = arith.cmpi slt, %get3A_830, %lt3A_839 : vector<16xi32>
    %and3A_841 = arith.andi %ge3A_836, %lt3A_840 : vector<16xi1>
    %sub3A_842 = vector.broadcast %mul3A_32 : i32 to vector<16xi32>
    %sub3A_843 = arith.subi %get3A_830, %sub3A_842 : vector<16xi32>
    %jit3A_844 = arith.constant 0 : i32
    %broadcast_in_dim3A_845 = vector.broadcast %jit3A_844 : i32 to vector<16xi32>
    %select_n3A_846 = arith.select %and3A_841, %sub3A_843, %broadcast_in_dim3A_845 : vector<16xi1>, vector<16xi32>
    tpu.vector_store_idx %arg7[%select_n3A_846], %add3A_834 masked %and3A_841 : memref<192xi32, #tpu.memory_space<vmem>>[vector<16xi32>], vector<16xi32>, vector<16xi1>
    %get3A_847 = arith.constant 720 : index
    %get3A_848 = tpu.vector_load %arg5[%get3A_847] {strides = array<i32>} : memref<1024xi32, #tpu.memory_space<vmem>>, vector<16xi32>,
    %iota3A_849 = tpu.iota {dimensions = array<i32: 0>} : vector<16xi32>
    %add3A_850 = arith.constant 720 : i32
    %add3A_851 = vector.broadcast %add3A_850 : i32 to vector<16xi32>
    %add3A_852 = arith.addi %iota3A_849, %add3A_851 : vector<16xi32>
    %ge3A_853 = vector.broadcast %mul3A_32 : i32 to vector<16xi32>
    %ge3A_854 = arith.cmpi sge, %get3A_848, %ge3A_853 : vector<16xi32>
    %add3A_855 = arith.constant 192 : i32
    %add3A_856 = arith.addi %mul3A_32, %add3A_855 : i32
    %lt3A_857 = vector.broadcast %add3A_856 : i32 to vector<16xi32>
    %lt3A_858 = arith.cmpi slt, %get3A_848, %lt3A_857 : vector<16xi32>
    %and3A_859 = arith.andi %ge3A_854, %lt3A_858 : vector<16xi1>
    %sub3A_860 = vector.broadcast %mul3A_32 : i32 to vector<16xi32>
    %sub3A_861 = arith.subi %get3A_848, %sub3A_860 : vector<16xi32>
    %jit3A_862 = arith.constant 0 : i32
    %broadcast_in_dim3A_863 = vector.broadcast %jit3A_862 : i32 to vector<16xi32>
    %select_n3A_864 = arith.select %and3A_859, %sub3A_861, %broadcast_in_dim3A_863 : vector<16xi1>, vector<16xi32>
    tpu.vector_store_idx %arg7[%select_n3A_864], %add3A_852 masked %and3A_859 : memref<192xi32, #tpu.memory_space<vmem>>[vector<16xi32>], vector<16xi32>, vector<16xi1>
    %get3A_865 = arith.constant 736 : index
    %get3A_866 = tpu.vector_load %arg5[%get3A_865] {strides = array<i32>} : memref<1024xi32, #tpu.memory_space<vmem>>, vector<16xi32>,
    %iota3A_867 = tpu.iota {dimensions = array<i32: 0>} : vector<16xi32>
    %add3A_868 = arith.constant 736 : i32
    %add3A_869 = vector.broadcast %add3A_868 : i32 to vector<16xi32>
    %add3A_870 = arith.addi %iota3A_867, %add3A_869 : vector<16xi32>
    %ge3A_871 = vector.broadcast %mul3A_32 : i32 to vector<16xi32>
    %ge3A_872 = arith.cmpi sge, %get3A_866, %ge3A_871 : vector<16xi32>
    %add3A_873 = arith.constant 192 : i32
    %add3A_874 = arith.addi %mul3A_32, %add3A_873 : i32
    %lt3A_875 = vector.broadcast %add3A_874 : i32 to vector<16xi32>
    %lt3A_876 = arith.cmpi slt, %get3A_866, %lt3A_875 : vector<16xi32>
    %and3A_877 = arith.andi %ge3A_872, %lt3A_876 : vector<16xi1>
    %sub3A_878 = vector.broadcast %mul3A_32 : i32 to vector<16xi32>
    %sub3A_879 = arith.subi %get3A_866, %sub3A_878 : vector<16xi32>
    %jit3A_880 = arith.constant 0 : i32
    %broadcast_in_dim3A_881 = vector.broadcast %jit3A_880 : i32 to vector<16xi32>
    %select_n3A_882 = arith.select %and3A_877, %sub3A_879, %broadcast_in_dim3A_881 : vector<16xi1>, vector<16xi32>
    tpu.vector_store_idx %arg7[%select_n3A_882], %add3A_870 masked %and3A_877 : memref<192xi32, #tpu.memory_space<vmem>>[vector<16xi32>], vector<16xi32>, vector<16xi1>
    %get3A_883 = arith.constant 752 : index
    %get3A_884 = tpu.vector_load %arg5[%get3A_883] {strides = array<i32>} : memref<1024xi32, #tpu.memory_space<vmem>>, vector<16xi32>,
    %iota3A_885 = tpu.iota {dimensions = array<i32: 0>} : vector<16xi32>
    %add3A_886 = arith.constant 752 : i32
    %add3A_887 = vector.broadcast %add3A_886 : i32 to vector<16xi32>
    %add3A_888 = arith.addi %iota3A_885, %add3A_887 : vector<16xi32>
    %ge3A_889 = vector.broadcast %mul3A_32 : i32 to vector<16xi32>
    %ge3A_890 = arith.cmpi sge, %get3A_884, %ge3A_889 : vector<16xi32>
    %add3A_891 = arith.constant 192 : i32
    %add3A_892 = arith.addi %mul3A_32, %add3A_891 : i32
    %lt3A_893 = vector.broadcast %add3A_892 : i32 to vector<16xi32>
    %lt3A_894 = arith.cmpi slt, %get3A_884, %lt3A_893 : vector<16xi32>
    %and3A_895 = arith.andi %ge3A_890, %lt3A_894 : vector<16xi1>
    %sub3A_896 = vector.broadcast %mul3A_32 : i32 to vector<16xi32>
    %sub3A_897 = arith.subi %get3A_884, %sub3A_896 : vector<16xi32>
    %jit3A_898 = arith.constant 0 : i32
    %broadcast_in_dim3A_899 = vector.broadcast %jit3A_898 : i32 to vector<16xi32>
    %select_n3A_900 = arith.select %and3A_895, %sub3A_897, %broadcast_in_dim3A_899 : vector<16xi1>, vector<16xi32>
    tpu.vector_store_idx %arg7[%select_n3A_900], %add3A_888 masked %and3A_895 : memref<192xi32, #tpu.memory_space<vmem>>[vector<16xi32>], vector<16xi32>, vector<16xi1>
    %get3A_901 = arith.constant 768 : index
    %get3A_902 = tpu.vector_load %arg5[%get3A_901] {strides = array<i32>} : memref<1024xi32, #tpu.memory_space<vmem>>, vector<16xi32>,
    %iota3A_903 = tpu.iota {dimensions = array<i32: 0>} : vector<16xi32>
    %add3A_904 = arith.constant 768 : i32
    %add3A_905 = vector.broadcast %add3A_904 : i32 to vector<16xi32>
    %add3A_906 = arith.addi %iota3A_903, %add3A_905 : vector<16xi32>
    %ge3A_907 = vector.broadcast %mul3A_32 : i32 to vector<16xi32>
    %ge3A_908 = arith.cmpi sge, %get3A_902, %ge3A_907 : vector<16xi32>
    %add3A_909 = arith.constant 192 : i32
    %add3A_910 = arith.addi %mul3A_32, %add3A_909 : i32
    %lt3A_911 = vector.broadcast %add3A_910 : i32 to vector<16xi32>
    %lt3A_912 = arith.cmpi slt, %get3A_902, %lt3A_911 : vector<16xi32>
    %and3A_913 = arith.andi %ge3A_908, %lt3A_912 : vector<16xi1>
    %sub3A_914 = vector.broadcast %mul3A_32 : i32 to vector<16xi32>
    %sub3A_915 = arith.subi %get3A_902, %sub3A_914 : vector<16xi32>
    %jit3A_916 = arith.constant 0 : i32
    %broadcast_in_dim3A_917 = vector.broadcast %jit3A_916 : i32 to vector<16xi32>
    %select_n3A_918 = arith.select %and3A_913, %sub3A_915, %broadcast_in_dim3A_917 : vector<16xi1>, vector<16xi32>
    tpu.vector_store_idx %arg7[%select_n3A_918], %add3A_906 masked %and3A_913 : memref<192xi32, #tpu.memory_space<vmem>>[vector<16xi32>], vector<16xi32>, vector<16xi1>
    %get3A_919 = arith.constant 784 : index
    %get3A_920 = tpu.vector_load %arg5[%get3A_919] {strides = array<i32>} : memref<1024xi32, #tpu.memory_space<vmem>>, vector<16xi32>,
    %iota3A_921 = tpu.iota {dimensions = array<i32: 0>} : vector<16xi32>
    %add3A_922 = arith.constant 784 : i32
    %add3A_923 = vector.broadcast %add3A_922 : i32 to vector<16xi32>
    %add3A_924 = arith.addi %iota3A_921, %add3A_923 : vector<16xi32>
    %ge3A_925 = vector.broadcast %mul3A_32 : i32 to vector<16xi32>
    %ge3A_926 = arith.cmpi sge, %get3A_920, %ge3A_925 : vector<16xi32>
    %add3A_927 = arith.constant 192 : i32
    %add3A_928 = arith.addi %mul3A_32, %add3A_927 : i32
    %lt3A_929 = vector.broadcast %add3A_928 : i32 to vector<16xi32>
    %lt3A_930 = arith.cmpi slt, %get3A_920, %lt3A_929 : vector<16xi32>
    %and3A_931 = arith.andi %ge3A_926, %lt3A_930 : vector<16xi1>
    %sub3A_932 = vector.broadcast %mul3A_32 : i32 to vector<16xi32>
    %sub3A_933 = arith.subi %get3A_920, %sub3A_932 : vector<16xi32>
    %jit3A_934 = arith.constant 0 : i32
    %broadcast_in_dim3A_935 = vector.broadcast %jit3A_934 : i32 to vector<16xi32>
    %select_n3A_936 = arith.select %and3A_931, %sub3A_933, %broadcast_in_dim3A_935 : vector<16xi1>, vector<16xi32>
    tpu.vector_store_idx %arg7[%select_n3A_936], %add3A_924 masked %and3A_931 : memref<192xi32, #tpu.memory_space<vmem>>[vector<16xi32>], vector<16xi32>, vector<16xi1>
    %get3A_937 = arith.constant 800 : index
    %get3A_938 = tpu.vector_load %arg5[%get3A_937] {strides = array<i32>} : memref<1024xi32, #tpu.memory_space<vmem>>, vector<16xi32>,
    %iota3A_939 = tpu.iota {dimensions = array<i32: 0>} : vector<16xi32>
    %add3A_940 = arith.constant 800 : i32
    %add3A_941 = vector.broadcast %add3A_940 : i32 to vector<16xi32>
    %add3A_942 = arith.addi %iota3A_939, %add3A_941 : vector<16xi32>
    %ge3A_943 = vector.broadcast %mul3A_32 : i32 to vector<16xi32>
    %ge3A_944 = arith.cmpi sge, %get3A_938, %ge3A_943 : vector<16xi32>
    %add3A_945 = arith.constant 192 : i32
    %add3A_946 = arith.addi %mul3A_32, %add3A_945 : i32
    %lt3A_947 = vector.broadcast %add3A_946 : i32 to vector<16xi32>
    %lt3A_948 = arith.cmpi slt, %get3A_938, %lt3A_947 : vector<16xi32>
    %and3A_949 = arith.andi %ge3A_944, %lt3A_948 : vector<16xi1>
    %sub3A_950 = vector.broadcast %mul3A_32 : i32 to vector<16xi32>
    %sub3A_951 = arith.subi %get3A_938, %sub3A_950 : vector<16xi32>
    %jit3A_952 = arith.constant 0 : i32
    %broadcast_in_dim3A_953 = vector.broadcast %jit3A_952 : i32 to vector<16xi32>
    %select_n3A_954 = arith.select %and3A_949, %sub3A_951, %broadcast_in_dim3A_953 : vector<16xi1>, vector<16xi32>
    tpu.vector_store_idx %arg7[%select_n3A_954], %add3A_942 masked %and3A_949 : memref<192xi32, #tpu.memory_space<vmem>>[vector<16xi32>], vector<16xi32>, vector<16xi1>
    %get3A_955 = arith.constant 816 : index
    %get3A_956 = tpu.vector_load %arg5[%get3A_955] {strides = array<i32>} : memref<1024xi32, #tpu.memory_space<vmem>>, vector<16xi32>,
    %iota3A_957 = tpu.iota {dimensions = array<i32: 0>} : vector<16xi32>
    %add3A_958 = arith.constant 816 : i32
    %add3A_959 = vector.broadcast %add3A_958 : i32 to vector<16xi32>
    %add3A_960 = arith.addi %iota3A_957, %add3A_959 : vector<16xi32>
    %ge3A_961 = vector.broadcast %mul3A_32 : i32 to vector<16xi32>
    %ge3A_962 = arith.cmpi sge, %get3A_956, %ge3A_961 : vector<16xi32>
    %add3A_963 = arith.constant 192 : i32
    %add3A_964 = arith.addi %mul3A_32, %add3A_963 : i32
    %lt3A_965 = vector.broadcast %add3A_964 : i32 to vector<16xi32>
    %lt3A_966 = arith.cmpi slt, %get3A_956, %lt3A_965 : vector<16xi32>
    %and3A_967 = arith.andi %ge3A_962, %lt3A_966 : vector<16xi1>
    %sub3A_968 = vector.broadcast %mul3A_32 : i32 to vector<16xi32>
    %sub3A_969 = arith.subi %get3A_956, %sub3A_968 : vector<16xi32>
    %jit3A_970 = arith.constant 0 : i32
    %broadcast_in_dim3A_971 = vector.broadcast %jit3A_970 : i32 to vector<16xi32>
    %select_n3A_972 = arith.select %and3A_967, %sub3A_969, %broadcast_in_dim3A_971 : vector<16xi1>, vector<16xi32>
    tpu.vector_store_idx %arg7[%select_n3A_972], %add3A_960 masked %and3A_967 : memref<192xi32, #tpu.memory_space<vmem>>[vector<16xi32>], vector<16xi32>, vector<16xi1>
    %get3A_973 = arith.constant 832 : index
    %get3A_974 = tpu.vector_load %arg5[%get3A_973] {strides = array<i32>} : memref<1024xi32, #tpu.memory_space<vmem>>, vector<16xi32>,
    %iota3A_975 = tpu.iota {dimensions = array<i32: 0>} : vector<16xi32>
    %add3A_976 = arith.constant 832 : i32
    %add3A_977 = vector.broadcast %add3A_976 : i32 to vector<16xi32>
    %add3A_978 = arith.addi %iota3A_975, %add3A_977 : vector<16xi32>
    %ge3A_979 = vector.broadcast %mul3A_32 : i32 to vector<16xi32>
    %ge3A_980 = arith.cmpi sge, %get3A_974, %ge3A_979 : vector<16xi32>
    %add3A_981 = arith.constant 192 : i32
    %add3A_982 = arith.addi %mul3A_32, %add3A_981 : i32
    %lt3A_983 = vector.broadcast %add3A_982 : i32 to vector<16xi32>
    %lt3A_984 = arith.cmpi slt, %get3A_974, %lt3A_983 : vector<16xi32>
    %and3A_985 = arith.andi %ge3A_980, %lt3A_984 : vector<16xi1>
    %sub3A_986 = vector.broadcast %mul3A_32 : i32 to vector<16xi32>
    %sub3A_987 = arith.subi %get3A_974, %sub3A_986 : vector<16xi32>
    %jit3A_988 = arith.constant 0 : i32
    %broadcast_in_dim3A_989 = vector.broadcast %jit3A_988 : i32 to vector<16xi32>
    %select_n3A_990 = arith.select %and3A_985, %sub3A_987, %broadcast_in_dim3A_989 : vector<16xi1>, vector<16xi32>
    tpu.vector_store_idx %arg7[%select_n3A_990], %add3A_978 masked %and3A_985 : memref<192xi32, #tpu.memory_space<vmem>>[vector<16xi32>], vector<16xi32>, vector<16xi1>
    %get3A_991 = arith.constant 848 : index
    %get3A_992 = tpu.vector_load %arg5[%get3A_991] {strides = array<i32>} : memref<1024xi32, #tpu.memory_space<vmem>>, vector<16xi32>,
    %iota3A_993 = tpu.iota {dimensions = array<i32: 0>} : vector<16xi32>
    %add3A_994 = arith.constant 848 : i32
    %add3A_995 = vector.broadcast %add3A_994 : i32 to vector<16xi32>
    %add3A_996 = arith.addi %iota3A_993, %add3A_995 : vector<16xi32>
    %ge3A_997 = vector.broadcast %mul3A_32 : i32 to vector<16xi32>
    %ge3A_998 = arith.cmpi sge, %get3A_992, %ge3A_997 : vector<16xi32>
    %add3A_999 = arith.constant 192 : i32
    %add3A_1000 = arith.addi %mul3A_32, %add3A_999 : i32
    %lt3A_1001 = vector.broadcast %add3A_1000 : i32 to vector<16xi32>
    %lt3A_1002 = arith.cmpi slt, %get3A_992, %lt3A_1001 : vector<16xi32>
    %and3A_1003 = arith.andi %ge3A_998, %lt3A_1002 : vector<16xi1>
    %sub3A_1004 = vector.broadcast %mul3A_32 : i32 to vector<16xi32>
    %sub3A_1005 = arith.subi %get3A_992, %sub3A_1004 : vector<16xi32>
    %jit3A_1006 = arith.constant 0 : i32
    %broadcast_in_dim3A_1007 = vector.broadcast %jit3A_1006 : i32 to vector<16xi32>
    %select_n3A_1008 = arith.select %and3A_1003, %sub3A_1005, %broadcast_in_dim3A_1007 : vector<16xi1>, vector<16xi32>
    tpu.vector_store_idx %arg7[%select_n3A_1008], %add3A_996 masked %and3A_1003 : memref<192xi32, #tpu.memory_space<vmem>>[vector<16xi32>], vector<16xi32>, vector<16xi1>
    %get3A_1009 = arith.constant 864 : index
    %get3A_1010 = tpu.vector_load %arg5[%get3A_1009] {strides = array<i32>} : memref<1024xi32, #tpu.memory_space<vmem>>, vector<16xi32>,
    %iota3A_1011 = tpu.iota {dimensions = array<i32: 0>} : vector<16xi32>
    %add3A_1012 = arith.constant 864 : i32
    %add3A_1013 = vector.broadcast %add3A_1012 : i32 to vector<16xi32>
    %add3A_1014 = arith.addi %iota3A_1011, %add3A_1013 : vector<16xi32>
    %ge3A_1015 = vector.broadcast %mul3A_32 : i32 to vector<16xi32>
    %ge3A_1016 = arith.cmpi sge, %get3A_1010, %ge3A_1015 : vector<16xi32>
    %add3A_1017 = arith.constant 192 : i32
    %add3A_1018 = arith.addi %mul3A_32, %add3A_1017 : i32
    %lt3A_1019 = vector.broadcast %add3A_1018 : i32 to vector<16xi32>
    %lt3A_1020 = arith.cmpi slt, %get3A_1010, %lt3A_1019 : vector<16xi32>
    %and3A_1021 = arith.andi %ge3A_1016, %lt3A_1020 : vector<16xi1>
    %sub3A_1022 = vector.broadcast %mul3A_32 : i32 to vector<16xi32>
    %sub3A_1023 = arith.subi %get3A_1010, %sub3A_1022 : vector<16xi32>
    %jit3A_1024 = arith.constant 0 : i32
    %broadcast_in_dim3A_1025 = vector.broadcast %jit3A_1024 : i32 to vector<16xi32>
    %select_n3A_1026 = arith.select %and3A_1021, %sub3A_1023, %broadcast_in_dim3A_1025 : vector<16xi1>, vector<16xi32>
    tpu.vector_store_idx %arg7[%select_n3A_1026], %add3A_1014 masked %and3A_1021 : memref<192xi32, #tpu.memory_space<vmem>>[vector<16xi32>], vector<16xi32>, vector<16xi1>
    %get3A_1027 = arith.constant 880 : index
    %get3A_1028 = tpu.vector_load %arg5[%get3A_1027] {strides = array<i32>} : memref<1024xi32, #tpu.memory_space<vmem>>, vector<16xi32>,
    %iota3A_1029 = tpu.iota {dimensions = array<i32: 0>} : vector<16xi32>
    %add3A_1030 = arith.constant 880 : i32
    %add3A_1031 = vector.broadcast %add3A_1030 : i32 to vector<16xi32>
    %add3A_1032 = arith.addi %iota3A_1029, %add3A_1031 : vector<16xi32>
    %ge3A_1033 = vector.broadcast %mul3A_32 : i32 to vector<16xi32>
    %ge3A_1034 = arith.cmpi sge, %get3A_1028, %ge3A_1033 : vector<16xi32>
    %add3A_1035 = arith.constant 192 : i32
    %add3A_1036 = arith.addi %mul3A_32, %add3A_1035 : i32
    %lt3A_1037 = vector.broadcast %add3A_1036 : i32 to vector<16xi32>
    %lt3A_1038 = arith.cmpi slt, %get3A_1028, %lt3A_1037 : vector<16xi32>
    %and3A_1039 = arith.andi %ge3A_1034, %lt3A_1038 : vector<16xi1>
    %sub3A_1040 = vector.broadcast %mul3A_32 : i32 to vector<16xi32>
    %sub3A_1041 = arith.subi %get3A_1028, %sub3A_1040 : vector<16xi32>
    %jit3A_1042 = arith.constant 0 : i32
    %broadcast_in_dim3A_1043 = vector.broadcast %jit3A_1042 : i32 to vector<16xi32>
    %select_n3A_1044 = arith.select %and3A_1039, %sub3A_1041, %broadcast_in_dim3A_1043 : vector<16xi1>, vector<16xi32>
    tpu.vector_store_idx %arg7[%select_n3A_1044], %add3A_1032 masked %and3A_1039 : memref<192xi32, #tpu.memory_space<vmem>>[vector<16xi32>], vector<16xi32>, vector<16xi1>
    %get3A_1045 = arith.constant 896 : index
    %get3A_1046 = tpu.vector_load %arg5[%get3A_1045] {strides = array<i32>} : memref<1024xi32, #tpu.memory_space<vmem>>, vector<16xi32>,
    %iota3A_1047 = tpu.iota {dimensions = array<i32: 0>} : vector<16xi32>
    %add3A_1048 = arith.constant 896 : i32
    %add3A_1049 = vector.broadcast %add3A_1048 : i32 to vector<16xi32>
    %add3A_1050 = arith.addi %iota3A_1047, %add3A_1049 : vector<16xi32>
    %ge3A_1051 = vector.broadcast %mul3A_32 : i32 to vector<16xi32>
    %ge3A_1052 = arith.cmpi sge, %get3A_1046, %ge3A_1051 : vector<16xi32>
    %add3A_1053 = arith.constant 192 : i32
    %add3A_1054 = arith.addi %mul3A_32, %add3A_1053 : i32
    %lt3A_1055 = vector.broadcast %add3A_1054 : i32 to vector<16xi32>
    %lt3A_1056 = arith.cmpi slt, %get3A_1046, %lt3A_1055 : vector<16xi32>
    %and3A_1057 = arith.andi %ge3A_1052, %lt3A_1056 : vector<16xi1>
    %sub3A_1058 = vector.broadcast %mul3A_32 : i32 to vector<16xi32>
    %sub3A_1059 = arith.subi %get3A_1046, %sub3A_1058 : vector<16xi32>
    %jit3A_1060 = arith.constant 0 : i32
    %broadcast_in_dim3A_1061 = vector.broadcast %jit3A_1060 : i32 to vector<16xi32>
    %select_n3A_1062 = arith.select %and3A_1057, %sub3A_1059, %broadcast_in_dim3A_1061 : vector<16xi1>, vector<16xi32>
    tpu.vector_store_idx %arg7[%select_n3A_1062], %add3A_1050 masked %and3A_1057 : memref<192xi32, #tpu.memory_space<vmem>>[vector<16xi32>], vector<16xi32>, vector<16xi1>
    %get3A_1063 = arith.constant 912 : index
    %get3A_1064 = tpu.vector_load %arg5[%get3A_1063] {strides = array<i32>} : memref<1024xi32, #tpu.memory_space<vmem>>, vector<16xi32>,
    %iota3A_1065 = tpu.iota {dimensions = array<i32: 0>} : vector<16xi32>
    %add3A_1066 = arith.constant 912 : i32
    %add3A_1067 = vector.broadcast %add3A_1066 : i32 to vector<16xi32>
    %add3A_1068 = arith.addi %iota3A_1065, %add3A_1067 : vector<16xi32>
    %ge3A_1069 = vector.broadcast %mul3A_32 : i32 to vector<16xi32>
    %ge3A_1070 = arith.cmpi sge, %get3A_1064, %ge3A_1069 : vector<16xi32>
    %add3A_1071 = arith.constant 192 : i32
    %add3A_1072 = arith.addi %mul3A_32, %add3A_1071 : i32
    %lt3A_1073 = vector.broadcast %add3A_1072 : i32 to vector<16xi32>
    %lt3A_1074 = arith.cmpi slt, %get3A_1064, %lt3A_1073 : vector<16xi32>
    %and3A_1075 = arith.andi %ge3A_1070, %lt3A_1074 : vector<16xi1>
    %sub3A_1076 = vector.broadcast %mul3A_32 : i32 to vector<16xi32>
    %sub3A_1077 = arith.subi %get3A_1064, %sub3A_1076 : vector<16xi32>
    %jit3A_1078 = arith.constant 0 : i32
    %broadcast_in_dim3A_1079 = vector.broadcast %jit3A_1078 : i32 to vector<16xi32>
    %select_n3A_1080 = arith.select %and3A_1075, %sub3A_1077, %broadcast_in_dim3A_1079 : vector<16xi1>, vector<16xi32>
    tpu.vector_store_idx %arg7[%select_n3A_1080], %add3A_1068 masked %and3A_1075 : memref<192xi32, #tpu.memory_space<vmem>>[vector<16xi32>], vector<16xi32>, vector<16xi1>
    %get3A_1081 = arith.constant 928 : index
    %get3A_1082 = tpu.vector_load %arg5[%get3A_1081] {strides = array<i32>} : memref<1024xi32, #tpu.memory_space<vmem>>, vector<16xi32>,
    %iota3A_1083 = tpu.iota {dimensions = array<i32: 0>} : vector<16xi32>
    %add3A_1084 = arith.constant 928 : i32
    %add3A_1085 = vector.broadcast %add3A_1084 : i32 to vector<16xi32>
    %add3A_1086 = arith.addi %iota3A_1083, %add3A_1085 : vector<16xi32>
    %ge3A_1087 = vector.broadcast %mul3A_32 : i32 to vector<16xi32>
    %ge3A_1088 = arith.cmpi sge, %get3A_1082, %ge3A_1087 : vector<16xi32>
    %add3A_1089 = arith.constant 192 : i32
    %add3A_1090 = arith.addi %mul3A_32, %add3A_1089 : i32
    %lt3A_1091 = vector.broadcast %add3A_1090 : i32 to vector<16xi32>
    %lt3A_1092 = arith.cmpi slt, %get3A_1082, %lt3A_1091 : vector<16xi32>
    %and3A_1093 = arith.andi %ge3A_1088, %lt3A_1092 : vector<16xi1>
    %sub3A_1094 = vector.broadcast %mul3A_32 : i32 to vector<16xi32>
    %sub3A_1095 = arith.subi %get3A_1082, %sub3A_1094 : vector<16xi32>
    %jit3A_1096 = arith.constant 0 : i32
    %broadcast_in_dim3A_1097 = vector.broadcast %jit3A_1096 : i32 to vector<16xi32>
    %select_n3A_1098 = arith.select %and3A_1093, %sub3A_1095, %broadcast_in_dim3A_1097 : vector<16xi1>, vector<16xi32>
    tpu.vector_store_idx %arg7[%select_n3A_1098], %add3A_1086 masked %and3A_1093 : memref<192xi32, #tpu.memory_space<vmem>>[vector<16xi32>], vector<16xi32>, vector<16xi1>
    %get3A_1099 = arith.constant 944 : index
    %get3A_1100 = tpu.vector_load %arg5[%get3A_1099] {strides = array<i32>} : memref<1024xi32, #tpu.memory_space<vmem>>, vector<16xi32>,
    %iota3A_1101 = tpu.iota {dimensions = array<i32: 0>} : vector<16xi32>
    %add3A_1102 = arith.constant 944 : i32
    %add3A_1103 = vector.broadcast %add3A_1102 : i32 to vector<16xi32>
    %add3A_1104 = arith.addi %iota3A_1101, %add3A_1103 : vector<16xi32>
    %ge3A_1105 = vector.broadcast %mul3A_32 : i32 to vector<16xi32>
    %ge3A_1106 = arith.cmpi sge, %get3A_1100, %ge3A_1105 : vector<16xi32>
    %add3A_1107 = arith.constant 192 : i32
    %add3A_1108 = arith.addi %mul3A_32, %add3A_1107 : i32
    %lt3A_1109 = vector.broadcast %add3A_1108 : i32 to vector<16xi32>
    %lt3A_1110 = arith.cmpi slt, %get3A_1100, %lt3A_1109 : vector<16xi32>
    %and3A_1111 = arith.andi %ge3A_1106, %lt3A_1110 : vector<16xi1>
    %sub3A_1112 = vector.broadcast %mul3A_32 : i32 to vector<16xi32>
    %sub3A_1113 = arith.subi %get3A_1100, %sub3A_1112 : vector<16xi32>
    %jit3A_1114 = arith.constant 0 : i32
    %broadcast_in_dim3A_1115 = vector.broadcast %jit3A_1114 : i32 to vector<16xi32>
    %select_n3A_1116 = arith.select %and3A_1111, %sub3A_1113, %broadcast_in_dim3A_1115 : vector<16xi1>, vector<16xi32>
    tpu.vector_store_idx %arg7[%select_n3A_1116], %add3A_1104 masked %and3A_1111 : memref<192xi32, #tpu.memory_space<vmem>>[vector<16xi32>], vector<16xi32>, vector<16xi1>
    %get3A_1117 = arith.constant 960 : index
    %get3A_1118 = tpu.vector_load %arg5[%get3A_1117] {strides = array<i32>} : memref<1024xi32, #tpu.memory_space<vmem>>, vector<16xi32>,
    %iota3A_1119 = tpu.iota {dimensions = array<i32: 0>} : vector<16xi32>
    %add3A_1120 = arith.constant 960 : i32
    %add3A_1121 = vector.broadcast %add3A_1120 : i32 to vector<16xi32>
    %add3A_1122 = arith.addi %iota3A_1119, %add3A_1121 : vector<16xi32>
    %ge3A_1123 = vector.broadcast %mul3A_32 : i32 to vector<16xi32>
    %ge3A_1124 = arith.cmpi sge, %get3A_1118, %ge3A_1123 : vector<16xi32>
    %add3A_1125 = arith.constant 192 : i32
    %add3A_1126 = arith.addi %mul3A_32, %add3A_1125 : i32
    %lt3A_1127 = vector.broadcast %add3A_1126 : i32 to vector<16xi32>
    %lt3A_1128 = arith.cmpi slt, %get3A_1118, %lt3A_1127 : vector<16xi32>
    %and3A_1129 = arith.andi %ge3A_1124, %lt3A_1128 : vector<16xi1>
    %sub3A_1130 = vector.broadcast %mul3A_32 : i32 to vector<16xi32>
    %sub3A_1131 = arith.subi %get3A_1118, %sub3A_1130 : vector<16xi32>
    %jit3A_1132 = arith.constant 0 : i32
    %broadcast_in_dim3A_1133 = vector.broadcast %jit3A_1132 : i32 to vector<16xi32>
    %select_n3A_1134 = arith.select %and3A_1129, %sub3A_1131, %broadcast_in_dim3A_1133 : vector<16xi1>, vector<16xi32>
    tpu.vector_store_idx %arg7[%select_n3A_1134], %add3A_1122 masked %and3A_1129 : memref<192xi32, #tpu.memory_space<vmem>>[vector<16xi32>], vector<16xi32>, vector<16xi1>
    %get3A_1135 = arith.constant 976 : index
    %get3A_1136 = tpu.vector_load %arg5[%get3A_1135] {strides = array<i32>} : memref<1024xi32, #tpu.memory_space<vmem>>, vector<16xi32>,
    %iota3A_1137 = tpu.iota {dimensions = array<i32: 0>} : vector<16xi32>
    %add3A_1138 = arith.constant 976 : i32
    %add3A_1139 = vector.broadcast %add3A_1138 : i32 to vector<16xi32>
    %add3A_1140 = arith.addi %iota3A_1137, %add3A_1139 : vector<16xi32>
    %ge3A_1141 = vector.broadcast %mul3A_32 : i32 to vector<16xi32>
    %ge3A_1142 = arith.cmpi sge, %get3A_1136, %ge3A_1141 : vector<16xi32>
    %add3A_1143 = arith.constant 192 : i32
    %add3A_1144 = arith.addi %mul3A_32, %add3A_1143 : i32
    %lt3A_1145 = vector.broadcast %add3A_1144 : i32 to vector<16xi32>
    %lt3A_1146 = arith.cmpi slt, %get3A_1136, %lt3A_1145 : vector<16xi32>
    %and3A_1147 = arith.andi %ge3A_1142, %lt3A_1146 : vector<16xi1>
    %sub3A_1148 = vector.broadcast %mul3A_32 : i32 to vector<16xi32>
    %sub3A_1149 = arith.subi %get3A_1136, %sub3A_1148 : vector<16xi32>
    %jit3A_1150 = arith.constant 0 : i32
    %broadcast_in_dim3A_1151 = vector.broadcast %jit3A_1150 : i32 to vector<16xi32>
    %select_n3A_1152 = arith.select %and3A_1147, %sub3A_1149, %broadcast_in_dim3A_1151 : vector<16xi1>, vector<16xi32>
    tpu.vector_store_idx %arg7[%select_n3A_1152], %add3A_1140 masked %and3A_1147 : memref<192xi32, #tpu.memory_space<vmem>>[vector<16xi32>], vector<16xi32>, vector<16xi1>
    %get3A_1153 = arith.constant 992 : index
    %get3A_1154 = tpu.vector_load %arg5[%get3A_1153] {strides = array<i32>} : memref<1024xi32, #tpu.memory_space<vmem>>, vector<16xi32>,
    %iota3A_1155 = tpu.iota {dimensions = array<i32: 0>} : vector<16xi32>
    %add3A_1156 = arith.constant 992 : i32
    %add3A_1157 = vector.broadcast %add3A_1156 : i32 to vector<16xi32>
    %add3A_1158 = arith.addi %iota3A_1155, %add3A_1157 : vector<16xi32>
    %ge3A_1159 = vector.broadcast %mul3A_32 : i32 to vector<16xi32>
    %ge3A_1160 = arith.cmpi sge, %get3A_1154, %ge3A_1159 : vector<16xi32>
    %add3A_1161 = arith.constant 192 : i32
    %add3A_1162 = arith.addi %mul3A_32, %add3A_1161 : i32
    %lt3A_1163 = vector.broadcast %add3A_1162 : i32 to vector<16xi32>
    %lt3A_1164 = arith.cmpi slt, %get3A_1154, %lt3A_1163 : vector<16xi32>
    %and3A_1165 = arith.andi %ge3A_1160, %lt3A_1164 : vector<16xi1>
    %sub3A_1166 = vector.broadcast %mul3A_32 : i32 to vector<16xi32>
    %sub3A_1167 = arith.subi %get3A_1154, %sub3A_1166 : vector<16xi32>
    %jit3A_1168 = arith.constant 0 : i32
    %broadcast_in_dim3A_1169 = vector.broadcast %jit3A_1168 : i32 to vector<16xi32>
    %select_n3A_1170 = arith.select %and3A_1165, %sub3A_1167, %broadcast_in_dim3A_1169 : vector<16xi1>, vector<16xi32>
    tpu.vector_store_idx %arg7[%select_n3A_1170], %add3A_1158 masked %and3A_1165 : memref<192xi32, #tpu.memory_space<vmem>>[vector<16xi32>], vector<16xi32>, vector<16xi1>
    %get3A_1171 = arith.constant 1008 : index
    %get3A_1172 = tpu.vector_load %arg5[%get3A_1171] {strides = array<i32>} : memref<1024xi32, #tpu.memory_space<vmem>>, vector<16xi32>,
    %iota3A_1173 = tpu.iota {dimensions = array<i32: 0>} : vector<16xi32>
    %add3A_1174 = arith.constant 1008 : i32
    %add3A_1175 = vector.broadcast %add3A_1174 : i32 to vector<16xi32>
    %add3A_1176 = arith.addi %iota3A_1173, %add3A_1175 : vector<16xi32>
    %ge3A_1177 = vector.broadcast %mul3A_32 : i32 to vector<16xi32>
    %ge3A_1178 = arith.cmpi sge, %get3A_1172, %ge3A_1177 : vector<16xi32>
    %add3A_1179 = arith.constant 192 : i32
    %add3A_1180 = arith.addi %mul3A_32, %add3A_1179 : i32
    %lt3A_1181 = vector.broadcast %add3A_1180 : i32 to vector<16xi32>
    %lt3A_1182 = arith.cmpi slt, %get3A_1172, %lt3A_1181 : vector<16xi32>
    %and3A_1183 = arith.andi %ge3A_1178, %lt3A_1182 : vector<16xi1>
    %sub3A_1184 = vector.broadcast %mul3A_32 : i32 to vector<16xi32>
    %sub3A_1185 = arith.subi %get3A_1172, %sub3A_1184 : vector<16xi32>
    %jit3A_1186 = arith.constant 0 : i32
    %broadcast_in_dim3A_1187 = vector.broadcast %jit3A_1186 : i32 to vector<16xi32>
    %select_n3A_1188 = arith.select %and3A_1183, %sub3A_1185, %broadcast_in_dim3A_1187 : vector<16xi1>, vector<16xi32>
    tpu.vector_store_idx %arg7[%select_n3A_1188], %add3A_1176 masked %and3A_1183 : memref<192xi32, #tpu.memory_space<vmem>>[vector<16xi32>], vector<16xi32>, vector<16xi1>
    %get3A_1189 = arith.constant 0 : index
    %get3A_1190 = tpu.vector_load %arg6[%get3A_1189] {strides = array<i32>} : memref<256xi32, #tpu.memory_space<vmem>>, vector<16xi32>,
    %lt3A_1191 = arith.constant 768 : i32
    %lt3A_1192 = vector.broadcast %lt3A_1191 : i32 to vector<16xi32>
    %lt3A_1193 = arith.cmpi slt, %get3A_1190, %lt3A_1192 : vector<16xi32>
    %broadcast_in_dim3A_1194 = arith.constant 0.000000e+00 : f32
    %broadcast_in_dim3A_1195 = vector.broadcast %broadcast_in_dim3A_1194 : f32 to vector<16xf32>
    %broadcast_in_dim3A_1196 = arith.constant 1.000000e+00 : f32
    %broadcast_in_dim3A_1197 = vector.broadcast %broadcast_in_dim3A_1196 : f32 to vector<16xf32>
    %select_n3A_1198 = arith.select %lt3A_1193, %broadcast_in_dim3A_1195, %broadcast_in_dim3A_1197 : vector<16xi1>, vector<16xf32>
    %swap3A = arith.constant 0 : index
    %swap3A_1199 = tpu.vector_load %arg8[%swap3A] {strides = array<i32>} : memref<256xf32, #tpu.memory_space<vmem>>, vector<16xf32>,
    tpu.vector_store %arg8[%swap3A], %select_n3A_1198 {strides = array<i32>} : memref<256xf32, #tpu.memory_space<vmem>>, vector<16xf32>,
    %get3A_1200 = arith.constant 16 : index
    %get3A_1201 = tpu.vector_load %arg6[%get3A_1200] {strides = array<i32>} : memref<256xi32, #tpu.memory_space<vmem>>, vector<16xi32>,
    %lt3A_1202 = arith.constant 768 : i32
    %lt3A_1203 = vector.broadcast %lt3A_1202 : i32 to vector<16xi32>
    %lt3A_1204 = arith.cmpi slt, %get3A_1201, %lt3A_1203 : vector<16xi32>
    %broadcast_in_dim3A_1205 = arith.constant 0.000000e+00 : f32
    %broadcast_in_dim3A_1206 = vector.broadcast %broadcast_in_dim3A_1205 : f32 to vector<16xf32>
    %broadcast_in_dim3A_1207 = arith.constant 1.000000e+00 : f32
    %broadcast_in_dim3A_1208 = vector.broadcast %broadcast_in_dim3A_1207 : f32 to vector<16xf32>
    %select_n3A_1209 = arith.select %lt3A_1204, %broadcast_in_dim3A_1206, %broadcast_in_dim3A_1208 : vector<16xi1>, vector<16xf32>
    %swap3A_1210 = arith.constant 16 : index
    %swap3A_1211 = tpu.vector_load %arg8[%swap3A_1210] {strides = array<i32>} : memref<256xf32, #tpu.memory_space<vmem>>, vector<16xf32>,
    tpu.vector_store %arg8[%swap3A_1210], %select_n3A_1209 {strides = array<i32>} : memref<256xf32, #tpu.memory_space<vmem>>, vector<16xf32>,
    %get3A_1212 = arith.constant 32 : index
    %get3A_1213 = tpu.vector_load %arg6[%get3A_1212] {strides = array<i32>} : memref<256xi32, #tpu.memory_space<vmem>>, vector<16xi32>,
    %lt3A_1214 = arith.constant 768 : i32
    %lt3A_1215 = vector.broadcast %lt3A_1214 : i32 to vector<16xi32>
    %lt3A_1216 = arith.cmpi slt, %get3A_1213, %lt3A_1215 : vector<16xi32>
    %broadcast_in_dim3A_1217 = arith.constant 0.000000e+00 : f32
    %broadcast_in_dim3A_1218 = vector.broadcast %broadcast_in_dim3A_1217 : f32 to vector<16xf32>
    %broadcast_in_dim3A_1219 = arith.constant 1.000000e+00 : f32
    %broadcast_in_dim3A_1220 = vector.broadcast %broadcast_in_dim3A_1219 : f32 to vector<16xf32>
    %select_n3A_1221 = arith.select %lt3A_1216, %broadcast_in_dim3A_1218, %broadcast_in_dim3A_1220 : vector<16xi1>, vector<16xf32>
    %swap3A_1222 = arith.constant 32 : index
    %swap3A_1223 = tpu.vector_load %arg8[%swap3A_1222] {strides = array<i32>} : memref<256xf32, #tpu.memory_space<vmem>>, vector<16xf32>,
    tpu.vector_store %arg8[%swap3A_1222], %select_n3A_1221 {strides = array<i32>} : memref<256xf32, #tpu.memory_space<vmem>>, vector<16xf32>,
    %get3A_1224 = arith.constant 48 : index
    %get3A_1225 = tpu.vector_load %arg6[%get3A_1224] {strides = array<i32>} : memref<256xi32, #tpu.memory_space<vmem>>, vector<16xi32>,
    %lt3A_1226 = arith.constant 768 : i32
    %lt3A_1227 = vector.broadcast %lt3A_1226 : i32 to vector<16xi32>
    %lt3A_1228 = arith.cmpi slt, %get3A_1225, %lt3A_1227 : vector<16xi32>
    %broadcast_in_dim3A_1229 = arith.constant 0.000000e+00 : f32
    %broadcast_in_dim3A_1230 = vector.broadcast %broadcast_in_dim3A_1229 : f32 to vector<16xf32>
    %broadcast_in_dim3A_1231 = arith.constant 1.000000e+00 : f32
    %broadcast_in_dim3A_1232 = vector.broadcast %broadcast_in_dim3A_1231 : f32 to vector<16xf32>
    %select_n3A_1233 = arith.select %lt3A_1228, %broadcast_in_dim3A_1230, %broadcast_in_dim3A_1232 : vector<16xi1>, vector<16xf32>
    %swap3A_1234 = arith.constant 48 : index
    %swap3A_1235 = tpu.vector_load %arg8[%swap3A_1234] {strides = array<i32>} : memref<256xf32, #tpu.memory_space<vmem>>, vector<16xf32>,
    tpu.vector_store %arg8[%swap3A_1234], %select_n3A_1233 {strides = array<i32>} : memref<256xf32, #tpu.memory_space<vmem>>, vector<16xf32>,
    %get3A_1236 = arith.constant 64 : index
    %get3A_1237 = tpu.vector_load %arg6[%get3A_1236] {strides = array<i32>} : memref<256xi32, #tpu.memory_space<vmem>>, vector<16xi32>,
    %lt3A_1238 = arith.constant 768 : i32
    %lt3A_1239 = vector.broadcast %lt3A_1238 : i32 to vector<16xi32>
    %lt3A_1240 = arith.cmpi slt, %get3A_1237, %lt3A_1239 : vector<16xi32>
    %broadcast_in_dim3A_1241 = arith.constant 0.000000e+00 : f32
    %broadcast_in_dim3A_1242 = vector.broadcast %broadcast_in_dim3A_1241 : f32 to vector<16xf32>
    %broadcast_in_dim3A_1243 = arith.constant 1.000000e+00 : f32
    %broadcast_in_dim3A_1244 = vector.broadcast %broadcast_in_dim3A_1243 : f32 to vector<16xf32>
    %select_n3A_1245 = arith.select %lt3A_1240, %broadcast_in_dim3A_1242, %broadcast_in_dim3A_1244 : vector<16xi1>, vector<16xf32>
    %swap3A_1246 = arith.constant 64 : index
    %swap3A_1247 = tpu.vector_load %arg8[%swap3A_1246] {strides = array<i32>} : memref<256xf32, #tpu.memory_space<vmem>>, vector<16xf32>,
    tpu.vector_store %arg8[%swap3A_1246], %select_n3A_1245 {strides = array<i32>} : memref<256xf32, #tpu.memory_space<vmem>>, vector<16xf32>,
    %get3A_1248 = arith.constant 80 : index
    %get3A_1249 = tpu.vector_load %arg6[%get3A_1248] {strides = array<i32>} : memref<256xi32, #tpu.memory_space<vmem>>, vector<16xi32>,
    %lt3A_1250 = arith.constant 768 : i32
    %lt3A_1251 = vector.broadcast %lt3A_1250 : i32 to vector<16xi32>
    %lt3A_1252 = arith.cmpi slt, %get3A_1249, %lt3A_1251 : vector<16xi32>
    %broadcast_in_dim3A_1253 = arith.constant 0.000000e+00 : f32
    %broadcast_in_dim3A_1254 = vector.broadcast %broadcast_in_dim3A_1253 : f32 to vector<16xf32>
    %broadcast_in_dim3A_1255 = arith.constant 1.000000e+00 : f32
    %broadcast_in_dim3A_1256 = vector.broadcast %broadcast_in_dim3A_1255 : f32 to vector<16xf32>
    %select_n3A_1257 = arith.select %lt3A_1252, %broadcast_in_dim3A_1254, %broadcast_in_dim3A_1256 : vector<16xi1>, vector<16xf32>
    %swap3A_1258 = arith.constant 80 : index
    %swap3A_1259 = tpu.vector_load %arg8[%swap3A_1258] {strides = array<i32>} : memref<256xf32, #tpu.memory_space<vmem>>, vector<16xf32>,
    tpu.vector_store %arg8[%swap3A_1258], %select_n3A_1257 {strides = array<i32>} : memref<256xf32, #tpu.memory_space<vmem>>, vector<16xf32>,
    %get3A_1260 = arith.constant 96 : index
    %get3A_1261 = tpu.vector_load %arg6[%get3A_1260] {strides = array<i32>} : memref<256xi32, #tpu.memory_space<vmem>>, vector<16xi32>,
    %lt3A_1262 = arith.constant 768 : i32
    %lt3A_1263 = vector.broadcast %lt3A_1262 : i32 to vector<16xi32>
    %lt3A_1264 = arith.cmpi slt, %get3A_1261, %lt3A_1263 : vector<16xi32>
    %broadcast_in_dim3A_1265 = arith.constant 0.000000e+00 : f32
    %broadcast_in_dim3A_1266 = vector.broadcast %broadcast_in_dim3A_1265 : f32 to vector<16xf32>
    %broadcast_in_dim3A_1267 = arith.constant 1.000000e+00 : f32
    %broadcast_in_dim3A_1268 = vector.broadcast %broadcast_in_dim3A_1267 : f32 to vector<16xf32>
    %select_n3A_1269 = arith.select %lt3A_1264, %broadcast_in_dim3A_1266, %broadcast_in_dim3A_1268 : vector<16xi1>, vector<16xf32>
    %swap3A_1270 = arith.constant 96 : index
    %swap3A_1271 = tpu.vector_load %arg8[%swap3A_1270] {strides = array<i32>} : memref<256xf32, #tpu.memory_space<vmem>>, vector<16xf32>,
    tpu.vector_store %arg8[%swap3A_1270], %select_n3A_1269 {strides = array<i32>} : memref<256xf32, #tpu.memory_space<vmem>>, vector<16xf32>,
    %get3A_1272 = arith.constant 112 : index
    %get3A_1273 = tpu.vector_load %arg6[%get3A_1272] {strides = array<i32>} : memref<256xi32, #tpu.memory_space<vmem>>, vector<16xi32>,
    %lt3A_1274 = arith.constant 768 : i32
    %lt3A_1275 = vector.broadcast %lt3A_1274 : i32 to vector<16xi32>
    %lt3A_1276 = arith.cmpi slt, %get3A_1273, %lt3A_1275 : vector<16xi32>
    %broadcast_in_dim3A_1277 = arith.constant 0.000000e+00 : f32
    %broadcast_in_dim3A_1278 = vector.broadcast %broadcast_in_dim3A_1277 : f32 to vector<16xf32>
    %broadcast_in_dim3A_1279 = arith.constant 1.000000e+00 : f32
    %broadcast_in_dim3A_1280 = vector.broadcast %broadcast_in_dim3A_1279 : f32 to vector<16xf32>
    %select_n3A_1281 = arith.select %lt3A_1276, %broadcast_in_dim3A_1278, %broadcast_in_dim3A_1280 : vector<16xi1>, vector<16xf32>
    %swap3A_1282 = arith.constant 112 : index
    %swap3A_1283 = tpu.vector_load %arg8[%swap3A_1282] {strides = array<i32>} : memref<256xf32, #tpu.memory_space<vmem>>, vector<16xf32>,
    tpu.vector_store %arg8[%swap3A_1282], %select_n3A_1281 {strides = array<i32>} : memref<256xf32, #tpu.memory_space<vmem>>, vector<16xf32>,
    %get3A_1284 = arith.constant 128 : index
    %get3A_1285 = tpu.vector_load %arg6[%get3A_1284] {strides = array<i32>} : memref<256xi32, #tpu.memory_space<vmem>>, vector<16xi32>,
    %lt3A_1286 = arith.constant 768 : i32
    %lt3A_1287 = vector.broadcast %lt3A_1286 : i32 to vector<16xi32>
    %lt3A_1288 = arith.cmpi slt, %get3A_1285, %lt3A_1287 : vector<16xi32>
    %broadcast_in_dim3A_1289 = arith.constant 0.000000e+00 : f32
    %broadcast_in_dim3A_1290 = vector.broadcast %broadcast_in_dim3A_1289 : f32 to vector<16xf32>
    %broadcast_in_dim3A_1291 = arith.constant 1.000000e+00 : f32
    %broadcast_in_dim3A_1292 = vector.broadcast %broadcast_in_dim3A_1291 : f32 to vector<16xf32>
    %select_n3A_1293 = arith.select %lt3A_1288, %broadcast_in_dim3A_1290, %broadcast_in_dim3A_1292 : vector<16xi1>, vector<16xf32>
    %swap3A_1294 = arith.constant 128 : index
    %swap3A_1295 = tpu.vector_load %arg8[%swap3A_1294] {strides = array<i32>} : memref<256xf32, #tpu.memory_space<vmem>>, vector<16xf32>,
    tpu.vector_store %arg8[%swap3A_1294], %select_n3A_1293 {strides = array<i32>} : memref<256xf32, #tpu.memory_space<vmem>>, vector<16xf32>,
    %get3A_1296 = arith.constant 144 : index
    %get3A_1297 = tpu.vector_load %arg6[%get3A_1296] {strides = array<i32>} : memref<256xi32, #tpu.memory_space<vmem>>, vector<16xi32>,
    %lt3A_1298 = arith.constant 768 : i32
    %lt3A_1299 = vector.broadcast %lt3A_1298 : i32 to vector<16xi32>
    %lt3A_1300 = arith.cmpi slt, %get3A_1297, %lt3A_1299 : vector<16xi32>
    %broadcast_in_dim3A_1301 = arith.constant 0.000000e+00 : f32
    %broadcast_in_dim3A_1302 = vector.broadcast %broadcast_in_dim3A_1301 : f32 to vector<16xf32>
    %broadcast_in_dim3A_1303 = arith.constant 1.000000e+00 : f32
    %broadcast_in_dim3A_1304 = vector.broadcast %broadcast_in_dim3A_1303 : f32 to vector<16xf32>
    %select_n3A_1305 = arith.select %lt3A_1300, %broadcast_in_dim3A_1302, %broadcast_in_dim3A_1304 : vector<16xi1>, vector<16xf32>
    %swap3A_1306 = arith.constant 144 : index
    %swap3A_1307 = tpu.vector_load %arg8[%swap3A_1306] {strides = array<i32>} : memref<256xf32, #tpu.memory_space<vmem>>, vector<16xf32>,
    tpu.vector_store %arg8[%swap3A_1306], %select_n3A_1305 {strides = array<i32>} : memref<256xf32, #tpu.memory_space<vmem>>, vector<16xf32>,
    %get3A_1308 = arith.constant 160 : index
    %get3A_1309 = tpu.vector_load %arg6[%get3A_1308] {strides = array<i32>} : memref<256xi32, #tpu.memory_space<vmem>>, vector<16xi32>,
    %lt3A_1310 = arith.constant 768 : i32
    %lt3A_1311 = vector.broadcast %lt3A_1310 : i32 to vector<16xi32>
    %lt3A_1312 = arith.cmpi slt, %get3A_1309, %lt3A_1311 : vector<16xi32>
    %broadcast_in_dim3A_1313 = arith.constant 0.000000e+00 : f32
    %broadcast_in_dim3A_1314 = vector.broadcast %broadcast_in_dim3A_1313 : f32 to vector<16xf32>
    %broadcast_in_dim3A_1315 = arith.constant 1.000000e+00 : f32
    %broadcast_in_dim3A_1316 = vector.broadcast %broadcast_in_dim3A_1315 : f32 to vector<16xf32>
    %select_n3A_1317 = arith.select %lt3A_1312, %broadcast_in_dim3A_1314, %broadcast_in_dim3A_1316 : vector<16xi1>, vector<16xf32>
    %swap3A_1318 = arith.constant 160 : index
    %swap3A_1319 = tpu.vector_load %arg8[%swap3A_1318] {strides = array<i32>} : memref<256xf32, #tpu.memory_space<vmem>>, vector<16xf32>,
    tpu.vector_store %arg8[%swap3A_1318], %select_n3A_1317 {strides = array<i32>} : memref<256xf32, #tpu.memory_space<vmem>>, vector<16xf32>,
    %get3A_1320 = arith.constant 176 : index
    %get3A_1321 = tpu.vector_load %arg6[%get3A_1320] {strides = array<i32>} : memref<256xi32, #tpu.memory_space<vmem>>, vector<16xi32>,
    %lt3A_1322 = arith.constant 768 : i32
    %lt3A_1323 = vector.broadcast %lt3A_1322 : i32 to vector<16xi32>
    %lt3A_1324 = arith.cmpi slt, %get3A_1321, %lt3A_1323 : vector<16xi32>
    %broadcast_in_dim3A_1325 = arith.constant 0.000000e+00 : f32
    %broadcast_in_dim3A_1326 = vector.broadcast %broadcast_in_dim3A_1325 : f32 to vector<16xf32>
    %broadcast_in_dim3A_1327 = arith.constant 1.000000e+00 : f32
    %broadcast_in_dim3A_1328 = vector.broadcast %broadcast_in_dim3A_1327 : f32 to vector<16xf32>
    %select_n3A_1329 = arith.select %lt3A_1324, %broadcast_in_dim3A_1326, %broadcast_in_dim3A_1328 : vector<16xi1>, vector<16xf32>
    %swap3A_1330 = arith.constant 176 : index
    %swap3A_1331 = tpu.vector_load %arg8[%swap3A_1330] {strides = array<i32>} : memref<256xf32, #tpu.memory_space<vmem>>, vector<16xf32>,
    tpu.vector_store %arg8[%swap3A_1330], %select_n3A_1329 {strides = array<i32>} : memref<256xf32, #tpu.memory_space<vmem>>, vector<16xf32>,
    %get3A_1332 = arith.constant 192 : index
    %get3A_1333 = tpu.vector_load %arg6[%get3A_1332] {strides = array<i32>} : memref<256xi32, #tpu.memory_space<vmem>>, vector<16xi32>,
    %lt3A_1334 = arith.constant 768 : i32
    %lt3A_1335 = vector.broadcast %lt3A_1334 : i32 to vector<16xi32>
    %lt3A_1336 = arith.cmpi slt, %get3A_1333, %lt3A_1335 : vector<16xi32>
    %broadcast_in_dim3A_1337 = arith.constant 0.000000e+00 : f32
    %broadcast_in_dim3A_1338 = vector.broadcast %broadcast_in_dim3A_1337 : f32 to vector<16xf32>
    %broadcast_in_dim3A_1339 = arith.constant 1.000000e+00 : f32
    %broadcast_in_dim3A_1340 = vector.broadcast %broadcast_in_dim3A_1339 : f32 to vector<16xf32>
    %select_n3A_1341 = arith.select %lt3A_1336, %broadcast_in_dim3A_1338, %broadcast_in_dim3A_1340 : vector<16xi1>, vector<16xf32>
    %swap3A_1342 = arith.constant 192 : index
    %swap3A_1343 = tpu.vector_load %arg8[%swap3A_1342] {strides = array<i32>} : memref<256xf32, #tpu.memory_space<vmem>>, vector<16xf32>,
    tpu.vector_store %arg8[%swap3A_1342], %select_n3A_1341 {strides = array<i32>} : memref<256xf32, #tpu.memory_space<vmem>>, vector<16xf32>,
    %get3A_1344 = arith.constant 208 : index
    %get3A_1345 = tpu.vector_load %arg6[%get3A_1344] {strides = array<i32>} : memref<256xi32, #tpu.memory_space<vmem>>, vector<16xi32>,
    %lt3A_1346 = arith.constant 768 : i32
    %lt3A_1347 = vector.broadcast %lt3A_1346 : i32 to vector<16xi32>
    %lt3A_1348 = arith.cmpi slt, %get3A_1345, %lt3A_1347 : vector<16xi32>
    %broadcast_in_dim3A_1349 = arith.constant 0.000000e+00 : f32
    %broadcast_in_dim3A_1350 = vector.broadcast %broadcast_in_dim3A_1349 : f32 to vector<16xf32>
    %broadcast_in_dim3A_1351 = arith.constant 1.000000e+00 : f32
    %broadcast_in_dim3A_1352 = vector.broadcast %broadcast_in_dim3A_1351 : f32 to vector<16xf32>
    %select_n3A_1353 = arith.select %lt3A_1348, %broadcast_in_dim3A_1350, %broadcast_in_dim3A_1352 : vector<16xi1>, vector<16xf32>
    %swap3A_1354 = arith.constant 208 : index
    %swap3A_1355 = tpu.vector_load %arg8[%swap3A_1354] {strides = array<i32>} : memref<256xf32, #tpu.memory_space<vmem>>, vector<16xf32>,
    tpu.vector_store %arg8[%swap3A_1354], %select_n3A_1353 {strides = array<i32>} : memref<256xf32, #tpu.memory_space<vmem>>, vector<16xf32>,
    %get3A_1356 = arith.constant 224 : index
    %get3A_1357 = tpu.vector_load %arg6[%get3A_1356] {strides = array<i32>} : memref<256xi32, #tpu.memory_space<vmem>>, vector<16xi32>,
    %lt3A_1358 = arith.constant 768 : i32
    %lt3A_1359 = vector.broadcast %lt3A_1358 : i32 to vector<16xi32>
    %lt3A_1360 = arith.cmpi slt, %get3A_1357, %lt3A_1359 : vector<16xi32>
    %broadcast_in_dim3A_1361 = arith.constant 0.000000e+00 : f32
    %broadcast_in_dim3A_1362 = vector.broadcast %broadcast_in_dim3A_1361 : f32 to vector<16xf32>
    %broadcast_in_dim3A_1363 = arith.constant 1.000000e+00 : f32
    %broadcast_in_dim3A_1364 = vector.broadcast %broadcast_in_dim3A_1363 : f32 to vector<16xf32>
    %select_n3A_1365 = arith.select %lt3A_1360, %broadcast_in_dim3A_1362, %broadcast_in_dim3A_1364 : vector<16xi1>, vector<16xf32>
    %swap3A_1366 = arith.constant 224 : index
    %swap3A_1367 = tpu.vector_load %arg8[%swap3A_1366] {strides = array<i32>} : memref<256xf32, #tpu.memory_space<vmem>>, vector<16xf32>,
    tpu.vector_store %arg8[%swap3A_1366], %select_n3A_1365 {strides = array<i32>} : memref<256xf32, #tpu.memory_space<vmem>>, vector<16xf32>,
    %get3A_1368 = arith.constant 240 : index
    %get3A_1369 = tpu.vector_load %arg6[%get3A_1368] {strides = array<i32>} : memref<256xi32, #tpu.memory_space<vmem>>, vector<16xi32>,
    %lt3A_1370 = arith.constant 768 : i32
    %lt3A_1371 = vector.broadcast %lt3A_1370 : i32 to vector<16xi32>
    %lt3A_1372 = arith.cmpi slt, %get3A_1369, %lt3A_1371 : vector<16xi32>
    %broadcast_in_dim3A_1373 = arith.constant 0.000000e+00 : f32
    %broadcast_in_dim3A_1374 = vector.broadcast %broadcast_in_dim3A_1373 : f32 to vector<16xf32>
    %broadcast_in_dim3A_1375 = arith.constant 1.000000e+00 : f32
    %broadcast_in_dim3A_1376 = vector.broadcast %broadcast_in_dim3A_1375 : f32 to vector<16xf32>
    %select_n3A_1377 = arith.select %lt3A_1372, %broadcast_in_dim3A_1374, %broadcast_in_dim3A_1376 : vector<16xi1>, vector<16xf32>
    %swap3A_1378 = arith.constant 240 : index
    %swap3A_1379 = tpu.vector_load %arg8[%swap3A_1378] {strides = array<i32>} : memref<256xf32, #tpu.memory_space<vmem>>, vector<16xf32>,
    tpu.vector_store %arg8[%swap3A_1378], %select_n3A_1377 {strides = array<i32>} : memref<256xf32, #tpu.memory_space<vmem>>, vector<16xf32>,
    %mul3A_1380 = arith.constant 768 : i32
    %mul3A_1381 = arith.muli %select_n3A, %mul3A_1380 : i32
    %add3A_1382 = arith.addi %mul3A_1381, %mul3A_32 : i32
    %multiple_of3A_1383 = tpu.assume_multiple %add3A_1382, 8 : i32
    "tpu.region"() ({
      %run_scoped3A = tpu.sem_alloc : memref<!tpu.dma_semaphore, #tpu.memory_space<semaphore_mem>>
      %dma_start3A = tpu.memref_slice %arg3[%multiple_of3A_1383] : memref<6144xi32, #tpu.memory_space<hbm>> -> memref<192xi32, #tpu.memory_space<hbm>>
      %dma_start3A_1390 = tpu.memref_slice %arg3[%multiple_of3A_1383] : memref<6144xi32, #tpu.memory_space<hbm>> -> memref<192xi32, #tpu.memory_space<hbm>>
      tpu.enqueue_dma source(%arg7 : memref<192xi32, #tpu.memory_space<vmem>>) target(%dma_start3A_1390 : memref<192xi32, #tpu.memory_space<hbm>>) target_semaphore(%run_scoped3A : memref<!tpu.dma_semaphore, #tpu.memory_space<semaphore_mem>>)
      %dma_wait3A = tpu.memref_slice %arg3[%multiple_of3A_1383] : memref<6144xi32, #tpu.memory_space<hbm>> -> memref<192xi32, #tpu.memory_space<hbm>>
      %dma_wait3A_1391 = tpu.memref_slice %arg3[%multiple_of3A_1383] : memref<6144xi32, #tpu.memory_space<hbm>> -> memref<192xi32, #tpu.memory_space<hbm>>
      tpu.wait_dma2 semaphore(%run_scoped3A : memref<!tpu.dma_semaphore, #tpu.memory_space<semaphore_mem>>) src(%arg7 : memref<192xi32, #tpu.memory_space<vmem>>) dst(%dma_wait3A_1391 : memref<192xi32, #tpu.memory_space<hbm>>)
      tpu.yield
    }) : () -> ()
    %mul3A_1384 = arith.constant 1024 : i32
    %mul3A_1385 = arith.muli %select_n3A, %mul3A_1384 : i32
    %mul3A_1386 = arith.constant 256 : i32
    %mul3A_1387 = arith.muli %select_n3A_30, %mul3A_1386 : i32
    %add3A_1388 = arith.addi %mul3A_1385, %mul3A_1387 : i32
    %multiple_of3A_1389 = tpu.assume_multiple %add3A_1388, 8 : i32
    "tpu.region"() ({
      %run_scoped3A = tpu.sem_alloc : memref<!tpu.dma_semaphore, #tpu.memory_space<semaphore_mem>>
      %dma_start3A = tpu.memref_slice %arg4[%multiple_of3A_1389] : memref<8192xf32, #tpu.memory_space<hbm>> -> memref<256xf32, #tpu.memory_space<hbm>>
      %dma_start3A_1390 = tpu.memref_slice %arg4[%multiple_of3A_1389] : memref<8192xf32, #tpu.memory_space<hbm>> -> memref<256xf32, #tpu.memory_space<hbm>>
      tpu.enqueue_dma source(%arg8 : memref<256xf32, #tpu.memory_space<vmem>>) target(%dma_start3A_1390 : memref<256xf32, #tpu.memory_space<hbm>>) target_semaphore(%run_scoped3A : memref<!tpu.dma_semaphore, #tpu.memory_space<semaphore_mem>>)
      %dma_wait3A = tpu.memref_slice %arg4[%multiple_of3A_1389] : memref<8192xf32, #tpu.memory_space<hbm>> -> memref<256xf32, #tpu.memory_space<hbm>>
      %dma_wait3A_1391 = tpu.memref_slice %arg4[%multiple_of3A_1389] : memref<8192xf32, #tpu.memory_space<hbm>> -> memref<256xf32, #tpu.memory_space<hbm>>
      tpu.wait_dma2 semaphore(%run_scoped3A : memref<!tpu.dma_semaphore, #tpu.memory_space<semaphore_mem>>) src(%arg8 : memref<256xf32, #tpu.memory_space<vmem>>) dst(%dma_wait3A_1391 : memref<256xf32, #tpu.memory_space<hbm>>)
      tpu.yield
    }) : () -> ()
    return
  }
}

module attributes {stable_mosaic.version = 14 : i64} {
  func.func @_rank_body(%arg0: memref<8x1024xf32, #tpu.memory_space<vmem>>, %arg1: memref<8x1024xi32, #tpu.memory_space<vmem>>) attributes {dimension_semantics = [], scalar_prefetch = 0 : i64, scratch_operands = 0 : i64, tpu.core_type = #tpu.core_type<tc>} {
    %get3A = arith.constant 0 : index
    %get3A_0 = arith.constant 0 : index
    %get3A_1 = vector.load %arg0[%get3A, %get3A_0] : memref<8x1024xf32, #tpu.memory_space<vmem>>, vector<8x1024xf32>
    %transpose3A = tpu.transpose %get3A_1, [1, 0] : vector<8x1024xf32> -> vector<1024x8xf32>
    %iota3A = tpu.iota {dimensions = array<i32: 1>} : vector<1024x1024xi32>
    %iota3A_2 = tpu.iota {dimensions = array<i32: 0>} : vector<1024x1024xi32>
    %lt3A = arith.cmpi slt, %iota3A, %iota3A_2 : vector<1024x1024xi32>
    %slice3A = vector.extract_strided_slice %get3A_1 {offsets = [0, 0], sizes = [1, 1024], strides = [1, 1]} : vector<8x1024xf32> to vector<1x1024xf32>
    %slice3A_3 = vector.extract_strided_slice %transpose3A {offsets = [0, 0], sizes = [1024, 1], strides = [1, 1]} : vector<1024x8xf32> to vector<1024x1xf32>
    %lt3A_4 = vector.broadcast %slice3A : vector<1x1024xf32> to vector<1024x1024xf32>
    %lt3A_5 = vector.broadcast %slice3A_3 : vector<1024x1xf32> to vector<1024x1024xf32>
    %lt3A_6 = arith.cmpf olt, %lt3A_4, %lt3A_5 : vector<1024x1024xf32>
    %eq3A = vector.broadcast %slice3A : vector<1x1024xf32> to vector<1024x1024xf32>
    %eq3A_7 = vector.broadcast %slice3A_3 : vector<1024x1xf32> to vector<1024x1024xf32>
    %eq3A_8 = arith.cmpf oeq, %eq3A, %eq3A_7 : vector<1024x1024xf32>
    %and3A = arith.andi %eq3A_8, %lt3A : vector<1024x1024xi1>
    %or3A = arith.ori %lt3A_6, %and3A : vector<1024x1024xi1>
    %convert_element_type3A = arith.extui %or3A : vector<1024x1024xi1> to vector<1024x1024xi32>
    %reduce_sum3A = arith.constant dense<0> : vector<1024xi32>
    %reduce_sum3A_9 = vector.multi_reduction <add>, %convert_element_type3A, %reduce_sum3A [1] : vector<1024x1024xi32> to vector<1024xi32>
    %slice3A_10 = vector.extract_strided_slice %get3A_1 {offsets = [1, 0], sizes = [1, 1024], strides = [1, 1]} : vector<8x1024xf32> to vector<1x1024xf32>
    %slice3A_11 = vector.extract_strided_slice %transpose3A {offsets = [0, 1], sizes = [1024, 1], strides = [1, 1]} : vector<1024x8xf32> to vector<1024x1xf32>
    %lt3A_12 = vector.broadcast %slice3A_10 : vector<1x1024xf32> to vector<1024x1024xf32>
    %lt3A_13 = vector.broadcast %slice3A_11 : vector<1024x1xf32> to vector<1024x1024xf32>
    %lt3A_14 = arith.cmpf olt, %lt3A_12, %lt3A_13 : vector<1024x1024xf32>
    %eq3A_15 = vector.broadcast %slice3A_10 : vector<1x1024xf32> to vector<1024x1024xf32>
    %eq3A_16 = vector.broadcast %slice3A_11 : vector<1024x1xf32> to vector<1024x1024xf32>
    %eq3A_17 = arith.cmpf oeq, %eq3A_15, %eq3A_16 : vector<1024x1024xf32>
    %and3A_18 = arith.andi %eq3A_17, %lt3A : vector<1024x1024xi1>
    %or3A_19 = arith.ori %lt3A_14, %and3A_18 : vector<1024x1024xi1>
    %convert_element_type3A_20 = arith.extui %or3A_19 : vector<1024x1024xi1> to vector<1024x1024xi32>
    %reduce_sum3A_21 = arith.constant dense<0> : vector<1024xi32>
    %reduce_sum3A_22 = vector.multi_reduction <add>, %convert_element_type3A_20, %reduce_sum3A_21 [1] : vector<1024x1024xi32> to vector<1024xi32>
    %slice3A_23 = vector.extract_strided_slice %get3A_1 {offsets = [2, 0], sizes = [1, 1024], strides = [1, 1]} : vector<8x1024xf32> to vector<1x1024xf32>
    %slice3A_24 = vector.extract_strided_slice %transpose3A {offsets = [0, 2], sizes = [1024, 1], strides = [1, 1]} : vector<1024x8xf32> to vector<1024x1xf32>
    %lt3A_25 = vector.broadcast %slice3A_23 : vector<1x1024xf32> to vector<1024x1024xf32>
    %lt3A_26 = vector.broadcast %slice3A_24 : vector<1024x1xf32> to vector<1024x1024xf32>
    %lt3A_27 = arith.cmpf olt, %lt3A_25, %lt3A_26 : vector<1024x1024xf32>
    %eq3A_28 = vector.broadcast %slice3A_23 : vector<1x1024xf32> to vector<1024x1024xf32>
    %eq3A_29 = vector.broadcast %slice3A_24 : vector<1024x1xf32> to vector<1024x1024xf32>
    %eq3A_30 = arith.cmpf oeq, %eq3A_28, %eq3A_29 : vector<1024x1024xf32>
    %and3A_31 = arith.andi %eq3A_30, %lt3A : vector<1024x1024xi1>
    %or3A_32 = arith.ori %lt3A_27, %and3A_31 : vector<1024x1024xi1>
    %convert_element_type3A_33 = arith.extui %or3A_32 : vector<1024x1024xi1> to vector<1024x1024xi32>
    %reduce_sum3A_34 = arith.constant dense<0> : vector<1024xi32>
    %reduce_sum3A_35 = vector.multi_reduction <add>, %convert_element_type3A_33, %reduce_sum3A_34 [1] : vector<1024x1024xi32> to vector<1024xi32>
    %slice3A_36 = vector.extract_strided_slice %get3A_1 {offsets = [3, 0], sizes = [1, 1024], strides = [1, 1]} : vector<8x1024xf32> to vector<1x1024xf32>
    %slice3A_37 = vector.extract_strided_slice %transpose3A {offsets = [0, 3], sizes = [1024, 1], strides = [1, 1]} : vector<1024x8xf32> to vector<1024x1xf32>
    %lt3A_38 = vector.broadcast %slice3A_36 : vector<1x1024xf32> to vector<1024x1024xf32>
    %lt3A_39 = vector.broadcast %slice3A_37 : vector<1024x1xf32> to vector<1024x1024xf32>
    %lt3A_40 = arith.cmpf olt, %lt3A_38, %lt3A_39 : vector<1024x1024xf32>
    %eq3A_41 = vector.broadcast %slice3A_36 : vector<1x1024xf32> to vector<1024x1024xf32>
    %eq3A_42 = vector.broadcast %slice3A_37 : vector<1024x1xf32> to vector<1024x1024xf32>
    %eq3A_43 = arith.cmpf oeq, %eq3A_41, %eq3A_42 : vector<1024x1024xf32>
    %and3A_44 = arith.andi %eq3A_43, %lt3A : vector<1024x1024xi1>
    %or3A_45 = arith.ori %lt3A_40, %and3A_44 : vector<1024x1024xi1>
    %convert_element_type3A_46 = arith.extui %or3A_45 : vector<1024x1024xi1> to vector<1024x1024xi32>
    %reduce_sum3A_47 = arith.constant dense<0> : vector<1024xi32>
    %reduce_sum3A_48 = vector.multi_reduction <add>, %convert_element_type3A_46, %reduce_sum3A_47 [1] : vector<1024x1024xi32> to vector<1024xi32>
    %slice3A_49 = vector.extract_strided_slice %get3A_1 {offsets = [4, 0], sizes = [1, 1024], strides = [1, 1]} : vector<8x1024xf32> to vector<1x1024xf32>
    %slice3A_50 = vector.extract_strided_slice %transpose3A {offsets = [0, 4], sizes = [1024, 1], strides = [1, 1]} : vector<1024x8xf32> to vector<1024x1xf32>
    %lt3A_51 = vector.broadcast %slice3A_49 : vector<1x1024xf32> to vector<1024x1024xf32>
    %lt3A_52 = vector.broadcast %slice3A_50 : vector<1024x1xf32> to vector<1024x1024xf32>
    %lt3A_53 = arith.cmpf olt, %lt3A_51, %lt3A_52 : vector<1024x1024xf32>
    %eq3A_54 = vector.broadcast %slice3A_49 : vector<1x1024xf32> to vector<1024x1024xf32>
    %eq3A_55 = vector.broadcast %slice3A_50 : vector<1024x1xf32> to vector<1024x1024xf32>
    %eq3A_56 = arith.cmpf oeq, %eq3A_54, %eq3A_55 : vector<1024x1024xf32>
    %and3A_57 = arith.andi %eq3A_56, %lt3A : vector<1024x1024xi1>
    %or3A_58 = arith.ori %lt3A_53, %and3A_57 : vector<1024x1024xi1>
    %convert_element_type3A_59 = arith.extui %or3A_58 : vector<1024x1024xi1> to vector<1024x1024xi32>
    %reduce_sum3A_60 = arith.constant dense<0> : vector<1024xi32>
    %reduce_sum3A_61 = vector.multi_reduction <add>, %convert_element_type3A_59, %reduce_sum3A_60 [1] : vector<1024x1024xi32> to vector<1024xi32>
    %slice3A_62 = vector.extract_strided_slice %get3A_1 {offsets = [5, 0], sizes = [1, 1024], strides = [1, 1]} : vector<8x1024xf32> to vector<1x1024xf32>
    %slice3A_63 = vector.extract_strided_slice %transpose3A {offsets = [0, 5], sizes = [1024, 1], strides = [1, 1]} : vector<1024x8xf32> to vector<1024x1xf32>
    %lt3A_64 = vector.broadcast %slice3A_62 : vector<1x1024xf32> to vector<1024x1024xf32>
    %lt3A_65 = vector.broadcast %slice3A_63 : vector<1024x1xf32> to vector<1024x1024xf32>
    %lt3A_66 = arith.cmpf olt, %lt3A_64, %lt3A_65 : vector<1024x1024xf32>
    %eq3A_67 = vector.broadcast %slice3A_62 : vector<1x1024xf32> to vector<1024x1024xf32>
    %eq3A_68 = vector.broadcast %slice3A_63 : vector<1024x1xf32> to vector<1024x1024xf32>
    %eq3A_69 = arith.cmpf oeq, %eq3A_67, %eq3A_68 : vector<1024x1024xf32>
    %and3A_70 = arith.andi %eq3A_69, %lt3A : vector<1024x1024xi1>
    %or3A_71 = arith.ori %lt3A_66, %and3A_70 : vector<1024x1024xi1>
    %convert_element_type3A_72 = arith.extui %or3A_71 : vector<1024x1024xi1> to vector<1024x1024xi32>
    %reduce_sum3A_73 = arith.constant dense<0> : vector<1024xi32>
    %reduce_sum3A_74 = vector.multi_reduction <add>, %convert_element_type3A_72, %reduce_sum3A_73 [1] : vector<1024x1024xi32> to vector<1024xi32>
    %slice3A_75 = vector.extract_strided_slice %get3A_1 {offsets = [6, 0], sizes = [1, 1024], strides = [1, 1]} : vector<8x1024xf32> to vector<1x1024xf32>
    %slice3A_76 = vector.extract_strided_slice %transpose3A {offsets = [0, 6], sizes = [1024, 1], strides = [1, 1]} : vector<1024x8xf32> to vector<1024x1xf32>
    %lt3A_77 = vector.broadcast %slice3A_75 : vector<1x1024xf32> to vector<1024x1024xf32>
    %lt3A_78 = vector.broadcast %slice3A_76 : vector<1024x1xf32> to vector<1024x1024xf32>
    %lt3A_79 = arith.cmpf olt, %lt3A_77, %lt3A_78 : vector<1024x1024xf32>
    %eq3A_80 = vector.broadcast %slice3A_75 : vector<1x1024xf32> to vector<1024x1024xf32>
    %eq3A_81 = vector.broadcast %slice3A_76 : vector<1024x1xf32> to vector<1024x1024xf32>
    %eq3A_82 = arith.cmpf oeq, %eq3A_80, %eq3A_81 : vector<1024x1024xf32>
    %and3A_83 = arith.andi %eq3A_82, %lt3A : vector<1024x1024xi1>
    %or3A_84 = arith.ori %lt3A_79, %and3A_83 : vector<1024x1024xi1>
    %convert_element_type3A_85 = arith.extui %or3A_84 : vector<1024x1024xi1> to vector<1024x1024xi32>
    %reduce_sum3A_86 = arith.constant dense<0> : vector<1024xi32>
    %reduce_sum3A_87 = vector.multi_reduction <add>, %convert_element_type3A_85, %reduce_sum3A_86 [1] : vector<1024x1024xi32> to vector<1024xi32>
    %slice3A_88 = vector.extract_strided_slice %get3A_1 {offsets = [7, 0], sizes = [1, 1024], strides = [1, 1]} : vector<8x1024xf32> to vector<1x1024xf32>
    %slice3A_89 = vector.extract_strided_slice %transpose3A {offsets = [0, 7], sizes = [1024, 1], strides = [1, 1]} : vector<1024x8xf32> to vector<1024x1xf32>
    %lt3A_90 = vector.broadcast %slice3A_88 : vector<1x1024xf32> to vector<1024x1024xf32>
    %lt3A_91 = vector.broadcast %slice3A_89 : vector<1024x1xf32> to vector<1024x1024xf32>
    %lt3A_92 = arith.cmpf olt, %lt3A_90, %lt3A_91 : vector<1024x1024xf32>
    %eq3A_93 = vector.broadcast %slice3A_88 : vector<1x1024xf32> to vector<1024x1024xf32>
    %eq3A_94 = vector.broadcast %slice3A_89 : vector<1024x1xf32> to vector<1024x1024xf32>
    %eq3A_95 = arith.cmpf oeq, %eq3A_93, %eq3A_94 : vector<1024x1024xf32>
    %and3A_96 = arith.andi %eq3A_95, %lt3A : vector<1024x1024xi1>
    %or3A_97 = arith.ori %lt3A_92, %and3A_96 : vector<1024x1024xi1>
    %convert_element_type3A_98 = arith.extui %or3A_97 : vector<1024x1024xi1> to vector<1024x1024xi32>
    %reduce_sum3A_99 = arith.constant dense<0> : vector<1024xi32>
    %reduce_sum3A_100 = vector.multi_reduction <add>, %convert_element_type3A_98, %reduce_sum3A_99 [1] : vector<1024x1024xi32> to vector<1024xi32>
    %stack3A = vector.shape_cast %reduce_sum3A_9 : vector<1024xi32> to vector<1x1024xi32>
    %stack3A_101 = vector.shape_cast %reduce_sum3A_22 : vector<1024xi32> to vector<1x1024xi32>
    %stack3A_102 = vector.shape_cast %reduce_sum3A_35 : vector<1024xi32> to vector<1x1024xi32>
    %stack3A_103 = vector.shape_cast %reduce_sum3A_48 : vector<1024xi32> to vector<1x1024xi32>
    %stack3A_104 = vector.shape_cast %reduce_sum3A_61 : vector<1024xi32> to vector<1x1024xi32>
    %stack3A_105 = vector.shape_cast %reduce_sum3A_74 : vector<1024xi32> to vector<1x1024xi32>
    %stack3A_106 = vector.shape_cast %reduce_sum3A_87 : vector<1024xi32> to vector<1x1024xi32>
    %stack3A_107 = vector.shape_cast %reduce_sum3A_100 : vector<1024xi32> to vector<1x1024xi32>
    %stack3A_108 = tpu.concatenate %stack3A, %stack3A_101, %stack3A_102, %stack3A_103, %stack3A_104, %stack3A_105, %stack3A_106, %stack3A_107 in 0 : vector<1x1024xi32>, vector<1x1024xi32>, vector<1x1024xi32>, vector<1x1024xi32>, vector<1x1024xi32>, vector<1x1024xi32>, vector<1x1024xi32>, vector<1x1024xi32> -> vector<8x1024xi32>
    %swap3A = arith.constant 0 : index
    %swap3A_109 = arith.constant 0 : index
    %swap3A_110 = vector.load %arg1[%swap3A, %swap3A_109] : memref<8x1024xi32, #tpu.memory_space<vmem>>, vector<8x1024xi32>
    tpu.vector_store %arg1[%swap3A, %swap3A_109], %stack3A_108 {strides = array<i32>} : memref<8x1024xi32, #tpu.memory_space<vmem>>, vector<8x1024xi32>,
    return
  }
}

</mosaic_0001>

<sc_bundles>
// kernel: kernel.4.cloned.1.call-start
scs
__scs_entry_jumppad:
0x0: {  	(pc) =	sbr.rel $0x88, $3  }
0x1: {  	(tag) =	ssettag $0x0;
	lr =	simm.s32 $0x1  }
0x2: {  	[smem:$0x3FA0] =	sst lr;
	_ =	strace $0xD0000000  }
0x3: {  	_ = 	snop  }
0x4: {  	_ = 	snop  }
0x5: {  	_ = 	snop  }
0x6: {  	_ = 	snop  }
0x7: {  	_ = 	snop  }
__scs_overlays_trampoline_lowered:
0x8: {  	[smem:$0x3FAF] =	sst s0  }
0x9: {  	[smem:$0x3FB0] =	sst s1  }
0xa: {  	[smem:$0x3FB1] =	sst s2  }
0xb: {  	[smem:$0x3FB2] =	sst s3  }
0xc: {  	[smem:$0x3FB3] =	sst s4  }
0xd: {  	[smem:$0x3FB4] =	sst s5  }
0xe: {  	[smem:$0x3FB5] =	sst s6  }
0xf: {  	[smem:$0x3FB6] =	sst s7  }
0x10: {  	[smem:$0x3FB7] =	sst s8  }
0x11: {  	[smem:$0x3FB8] =	sst s9;
	s0 =	simm.s32 @!p0 $0x0  }
0x12: {  	s1 =	sld [smem:$0x3F9E];
	s0 =	simm.s32 @p0 $0x1  }
0x13: {  	[smem:$0x3FB9] =	sst s0;
	s0 =	simm.s32 @!p1 $0x0  }
0x14: {  	s2 =	sld [smem:$0x3F9D];
	s0 =	simm.s32 @p1 $0x1  }
0x15: {  	[smem:$0x3FBA] =	sst s0;
	s0 =	simm.s32 @!p2 $0x0  }
0x16: {  	s3 =	sld [smem:$0x3FDB];
	s0 =	simm.s32 @p2 $0x1  }
0x17: {  	s4 =	simm.s32 $0x1BF5;
	[smem:$0x3FBC] =	sst s0  }
0x18: {  	s0 =	sld [smem:$0x3F9F];
	_ =	swait.ge [sflag:s4], $0x0  }
0x19: {  	s7 =	sld [smem:$0x3FA0]  }
0x1a: {  	s8 =	sadd.s32 $0xFFFFE003, lr  }
0x1b: {  	s9 =	sadd.s32 $0xFFFFFEF7, lr;
	s5 =	simm.s32 $0xFFFFFFFF;
	p2 =	slt.u32 s8, $0xFFFFF086  }
0x1c: {  	p1 =	slt.u32 s9, $0xF7A;
	s5 =	simm.s32 @!p2 $0x0  }
0x1d: {  	s5 =	simm.s32 @p1 $0x1;
	p0 =	seq.s32 s7, s2  }
0x1e: {  	s7 =	smul.u32 @!p0 $0xF7A, s2;
	p2 =	seq.s32 @!p0 s5, $0x0  }
0x1f: {  	s9 =	smul.u32 $0xF7A, s1;
	s8 =	simm.s32 @!p0 $0x1BF5;
	p2 =	por !p2, p0  }
0x20: {  	[sflag:s8] =	ssyncset.s32 @!p0 $0xFFFFF086;
	s6 =	sadd.s32 @!p0 s3, s7;
	s7 =	simm.s32 @!p0 $0x108  }
0x21: {  	s3 =	sadd.s32 s3, s9;
	s6 =	sadd.s32 @!p0 $0x88, s6;
	s7 =	simm.s32 @p2 $0x1082  }
0x22: {  	[simem:s7], [sflag:s8] =	dma.local @!p0 [hbm:s6], $0xF7A  }
0x23: {  	s9 =	sor.u32 $0xD0000000, s2;
	s6 =	simm.s32 $0x108;
	_ =	swait.ge @!p0 [sflag:s8], $0x0  }
0x24: {  	s3 =	sadd.s32 $0x88, s3;
	s6 =	simm.s32 @!p1 $0x1082;
	[sflag:s4] =	ssyncset.s32 $0xFFFFF086  }
0x25: {  	[simem:s6], [sflag:s4] =	dma.local [hbm:s3], $0xF7A  }
0x26: {  	[smem:$0x3FA0] =	sst s1;
	(tag) =	ssettag s2;
	_ =	strace s9  }
0x27: {  	s1 =	sld [smem:$0x3FB0]  }
0x28: {  	s2 =	sld [smem:$0x3FB1]  }
0x29: {  	s4 =	sld [smem:$0x3FB3]  }
0x2a: {  	p0 =	seq.s32 s5, $0x0;
	s5 =	sld [smem:$0x3FB4]  }
0x2b: {  	s6 =	sld [smem:$0x3FB5]  }
0x2c: {  	s7 =	sld [smem:$0x3FB6]  }
0x2d: {  	s3 =	simm.s32 $0x108;
	s8 =	sld [smem:$0x3FB7]  }
0x2e: {  	s3 =	simm.s32 @!p0 $0x1082;
	s9 =	sld [smem:$0x3FB8]  }
0x2f: {  	lr =	sadd.s32 s0, s3;
	s0 =	sld [smem:$0x3FAF]  }
0x30: {  	s3 =	sld [smem:$0x3FB2]  }
0x31: {  	[smem:$0x3FBB] =	sst s10  }
0x32: {  	s10 =	sld [smem:$0x3FB9];
	_ =	sdelay $0x3  }
0x33: {  	p0 =	seq.s32 s10, $0x1;
	s10 =	sld [smem:$0x3FBB];
	_ =	sdelay $0x3  }
0x34: {  	[smem:$0x3FBB] =	sst s10  }
0x35: {  	s10 =	sld [smem:$0x3FBA];
	_ =	sdelay $0x3  }
0x36: {  	p1 =	seq.s32 s10, $0x1;
	s10 =	sld [smem:$0x3FBB];
	_ =	sdelay $0x3  }
0x37: {  	[smem:$0x3FBB] =	sst s10  }
0x38: {  	s10 =	sld [smem:$0x3FBC]  }
0x39: {  	_ = 	snop;
	(pc) =	sbr.ind lr, $3  }
0x3a: {  	_ = 	snop  }
0x3b: {  	_ = 	snop  }
0x3c: {  	p2 =	seq.s32 s10, $0x1;
	s10 =	sld [smem:$0x3FBB]  }
0x3d: {  	_ =	shalt  }
0x3e: {  	_ =	shalt  }
0x3f: {  	_ =	shalt  }
0x40: {  	_ =	shalt  }
0x41: {  	_ =	shalt  }
0x42: {  	_ =	shalt  }
0x43: {  	_ =	shalt  }
0x44: {  	_ =	shalt  }
0x45: {  	_ =	shalt  }
0x46: {  	_ =	shalt  }
0x47: {  	_ =	shalt  }
0x48: {  	_ =	shalt  }
0x49: {  	_ =	shalt  }
0x4a: {  	_ =	shalt  }
0x4b: {  	_ =	shalt  }
0x4c: {  	_ =	shalt  }
0x4d: {  	_ =	shalt  }
0x4e: {  	_ =	shalt  }
0x4f: {  	_ =	shalt  }
0x50: {  	_ =	shalt  }
0x51: {  	_ =	shalt  }
0x52: {  	_ =	shalt  }
0x53: {  	_ =	shalt  }
0x54: {  	_ =	shalt  }
0x55: {  	_ =	shalt  }
0x56: {  	_ =	shalt  }
0x57: {  	_ =	shalt  }
0x58: {  	_ =	shalt  }
0x59: {  	_ =	shalt  }
0x5a: {  	_ =	shalt  }
0x5b: {  	_ =	shalt  }
0x5c: {  	_ =	shalt  }
0x5d: {  	_ =	shalt  }
0x5e: {  	_ =	shalt  }
0x5f: {  	_ =	shalt  }
0x60: {  	_ =	shalt  }
0x61: {  	_ =	shalt  }
0x62: {  	_ =	shalt  }
0x63: {  	_ =	shalt  }
0x64: {  	_ =	shalt  }
0x65: {  	_ =	shalt  }
0x66: {  	_ =	shalt  }
0x67: {  	_ =	shalt  }
0x68: {  	_ =	shalt  }
0x69: {  	_ =	shalt  }
0x6a: {  	_ =	shalt  }
0x6b: {  	_ =	shalt  }
0x6c: {  	_ =	shalt  }
0x6d: {  	_ =	shalt  }
0x6e: {  	_ =	shalt  }
0x6f: {  	_ =	shalt  }
0x70: {  	_ =	shalt  }
0x71: {  	_ =	shalt  }
0x72: {  	_ =	shalt  }
0x73: {  	_ =	shalt  }
0x74: {  	_ =	shalt  }
0x75: {  	_ =	shalt  }
0x76: {  	_ =	shalt  }
0x77: {  	_ =	shalt  }
0x78: {  	_ =	shalt  }
0x79: {  	_ =	shalt  }
0x7a: {  	_ =	shalt  }
0x7b: {  	_ =	shalt  }
0x7c: {  	_ =	shalt  }
0x7d: {  	_ =	shalt  }
0x7e: {  	_ =	shalt  }
0x7f: {  	_ =	shalt  }
0x80: {  	_ =	shalt  }
0x81: {  	_ =	shalt  }
0x82: {  	_ =	shalt  }
0x83: {  	_ =	shalt  }
0x84: {  	_ =	shalt  }
0x85: {  	_ =	shalt  }
0x86: {  	_ =	shalt  }
0x87: {  	_ =	shalt  }
.Lfunc_end0:
.L_simem_size_0:
called_computation.2_lowered:
.L_overlay_start_0:
0x88: {  	s2 =	sld [smem:$0x3FD9]  }
0x89: {  	s3 =	sld [smem:$0x3FFE];
	_ =	sdelay $0x1  }
0x8a: {  	s1 =	srdreg.scid  }
0x8b: {  	s0 =	sand.u32 $0x1, s1  }
0x8c: {  	s14 =	sshll.u32 s0, $0xA;
	s2 =	sadd.s32 s3, s2  }
0x8d: {  	s2 =	sadd.s32 s2, s14  }
0x8e: {  	[smem:$0x3FC7] =	sst s2  }
0x8f: {  	_ = 	snop  }
0x90: {  	s2 =	sld [smem:$0x3FD0];
	_ =	sdelay $0x2  }
0x91: {  	s15 =	simm.s32 $0xA;
	s4 =	simm.s32 $0x10  }
0x92: {  	[smem:s4], [sflag:s15] =	dma.local [hbm:s2], $0x1  }
0x93: {  	_ =	swait.eq [sflag:s15], $0x1  }
0x94: {  	[sflag:s15] =	ssyncset.done $0x0  }
0x95: {  	[sflag:s15] =	ssyncadd.s32 $0xFFFFFFFF  }
0x96: {  	s16 =	sld [smem:$0x11];
	(tm) =	ssettm $0x1  }
0x97: {  	s17 =	sld [smem:$0x3FFB];
	_ =	sdelay $0x3  }
0x98: {  	_ =	strace s17  }
0x99: {  	s3 =	sld [smem:$0x3FFC];
	_ =	sdelay $0x3  }
0x9a: {  	_ =	strace s3  }
0x9b: {  	s3 =	sld [smem:$0x3FFD];
	_ =	sdelay $0x3  }
0x9c: {  	_ =	strace s3  }
0x9d: {  	_ =	strace $0x8FFFFFFF  }
0x9e: {  	s18 =	sld [smem:$0x3FDB];
	_ =	sdelay $0x1  }
0x9f: {  	s19 =	simm.s32 $_scs_section_size  }
0xa0: {  	s5 =	simm.s32 $_size__tile_overlayer_lowered;
	s6 =	simm.s32 $_tile_overlayer_lowered  }
0xa1: {  	s22 =	simm.s32 $0x1BFF;
	s21 =	sshll.u32 s6, $0x1;
	s3 =	sadd.s32 s19, s18  }
0xa2: {  	s7 =	simm.s32 $0x0;
	s20 =	sshll.u32 s5, $0x1;
	s5 =	sadd.s32 s21, s3  }
0xa3: {  	[timem:s7], [sflag:s22] =	dma.local [hbm:s5], s20  }
0xa4: {  	_ =	swait.ge [sflag:s22], s20  }
0xa5: {  	s4 =	ssub.s32 $0x0, s20;
	[sflag:s22] =	ssyncset.done $0x0  }
0xa6: {  	[sflag:s22] =	ssyncadd.s32 s4;
	_ =	sdelay $0x1  }
0xa7: {  	s23 =	simm.s32 $0x1B8B  }
0xa8: {  	_ =	swait.ge [sflag:s23], $0x1  }
0xa9: {  	[sflag:s23] =	ssyncset.done $0x0  }
0xaa: {  	s25 =	simm.s32 $0x1B8E;
	s24 =	sld [smem:$0x3FFE];
	[sflag:s23] =	ssyncadd.s32 $0xFFFFFFFF  }
0xab: {  	s26 =	simm.s32 $execute0_lowered;
	[smem:$0x3FD2] =	sst s25  }
0xac: {  	s5 =	sshll.u32 s26, $0x1;
	_ =	strace $0x8000004C;
	[dreg:$0x1] =	wrdreg $0xFFFFFFFF  }
0xad: {  	s28 =	simm.s32 $_size_execute0_lowered;
	s3 =	sadd.s32 s3, s5;
	[dreg:$0x0] =	wrdreg $0x0  }
0xae: {  	s5 =	sshll.u32 s28, $0x1;
	[dreg:$0x2] =	wrdreg s3  }
0xaf: {  	[dreg:$0x3] =	wrdreg s5  }
0xb0: {  	[dreg:$0x4] =	wrdreg $0xC0  }
0xb1: {  	_ =	task [dreg:s7], $0x5FFFF  }
0xb2: {  	[dreg:$0x1] =	wrdreg $0xFFFFFFFF  }
0xb3: {  	[dreg:$0x0] =	wrdreg $0x60  }
0xb4: {  	[dreg:$0x2] =	wrdreg s16  }
0xb5: {  	[dreg:$0x3] =	wrdreg s24  }
0xb6: {  	[dreg:$0x4] =	wrdreg $0x9  }
0xb7: {  	_ =	task.clear_ibuf [dreg:s7], $0x5FFFF;
	_ =	strace $0x9000004C  }
0xb8: {  	s29 =	simm.s32 $0x9;
	_ =	strace $0x8000004E  }
0xb9: {  	_ =	swait.ge [sflag:s29], $0x1  }
0xba: {  	[sflag:s29] =	ssyncadd.s32 $0xFFFFFFFF  }
0xbb: {  	_ =	strace $0x9000004E  }
0xbc: {  	_ =	sfence  }
0xbd: {  	s30 =	sld [smem:$0x0];
	_ =	sdelay $0x2  }
0xbe: {  	s31 =	sshll.u32 s1, $0xD;
	s1 =	sshrl.u32 s1, $0x2  }
0xbf: {  	s3 =	sand.u32 $0x4000, s31;
	s1 =	sadd.s32 s1, s30  }
0xc0: {  	s0 =	sor.u32 s3, s0;
	s1 =	sshll.u32 s1, $0x11  }
0xc1: {  	s0 =	sor.u32 s1, s0  }
0xc2: {  	s0 =	sadd.s32 $0x8F2B, s0  }
0xc3: {  	[sflag:s0] =	ssyncadd.remote.s32 $0x1  }
0xc4: {  	_ =	sfence.sel $0xFFFF  }
0xc5: {  	[dreg:$0x0] =	wrdreg $0xFFFFFFFF;
	(pc) =	sbr.abs _section_cstart, $3  }
0xc6: {  	[dreg:$0x1] =	wrdreg $0xFFFFFFFF  }
0xc7: {  	_ =	task.clear_ibuf [dreg:s7], $0x2FFFF;
	_ =	strace $0x9FFFFFFF  }
0xc8: {  	(tm) =	ssettm $0x7FFFFFFF  }
0xc9: {  	_ =	shalt  }
tec
execute0_lowered:
.L_overlay_start_1:
0x0: {  	(tag) =	ssettag $0x1  }
0x1: {  	v1 =	vlaneseq.u32  }
0x2: {  	v3 =	vor.u32 $0x10, v1  }
0x3: {  	v10 =	vor.u32 $0x80, v1;
	v11 =	vor.u32 $0x90, v1;
	v12 =	vor.u32 $0xA0, v1  }
0x4: {  	v13 =	vor.u32 $0xB0, v1;
	v14 =	vor.u32 $0xC0, v1;
	v15 =	vor.u32 $0xD0, v1  }
0x5: {  	v16 =	vor.u32 $0xE0, v1;
	v17 =	vor.u32 $0xF0, v1;
	v18 =	vor.u32 $0x100, v1  }
0x6: {  	v19 =	vor.u32 $0x110, v1;
	v20 =	vor.u32 $0x120, v1;
	v21 =	vor.u32 $0x130, v1  }
0x7: {  	v22 =	vor.u32 $0x140, v1;
	v23 =	vor.u32 $0x150, v1;
	v24 =	vor.u32 $0x160, v1  }
0x8: {  	v25 =	vor.u32 $0x170, v1;
	v26 =	vor.u32 $0x180, v1;
	v27 =	vor.u32 $0x190, v1  }
0x9: {  	v28 =	vor.u32 $0x1A0, v1;
	v29 =	vor.u32 $0x1B0, v1;
	v30 =	vor.u32 $0x1C0, v1  }
0xa: {  	v31 =	vor.u32 $0x1D0, v1;
	v32 =	vor.u32 $0x1E0, v1;
	v33 =	vor.u32 $0x1F0, v1  }
0xb: {  	v34 =	vor.u32 $0x200, v1;
	v35 =	vor.u32 $0x210, v1;
	v36 =	vor.u32 $0x220, v1  }
0xc: {  	s0 =	stileid.u32;
	s6 =	rddreg [dreg:$0x0];
	v37 =	vor.u32 $0x230, v1;
	v38 =	vor.u32 $0x240, v1;
	v39 =	vor.u32 $0x250, v1  }
0xd: {  	s1 =	srdreg.scid;
	s7 =	rddreg [dreg:$0x1];
	v40 =	vor.u32 $0x260, v1;
	v41 =	vor.u32 $0x270, v1;
	v42 =	vor.u32 $0x280, v1  }
0xe: {  	s2 =	sshll.u32 s0, $0x1;
	s4 =	sand.u32 $0x1, s1;
	s1 =	rddreg [dreg:$0x2];
	v43 =	vor.u32 $0x290, v1;
	v44 =	vor.u32 $0x2A0, v1;
	v45 =	vor.u32 $0x2B0, v1  }
0xf: {  	s8 =	sshrl.u32 s0, $0x1;
	v46 =	vor.u32 $0x2C0, v1;
	v47 =	vor.u32 $0x2D0, v1;
	v48 =	vor.u32 $0x2E0, v1;
	s29 =	sand.u32 $0x2, s2;
	s2 =	simm.s32 $0x0  }
0x10: {  	v49 =	vor.u32 $0x2F0, v1;
	v50 =	vor.u32 $0x300, v1;
	[tilespmem:$0x1FF90] =	vst v3;
	v3 =	vor.u32 $0x20, v1;
	s9 =	smul.u32 $0x300, s8;
	s8 =	sshll.u32 s8, $0x7;
	s5 =	sor.u32 s4, s29  }
0x11: {  	v51 =	vor.u32 $0x310, v1;
	v52 =	vor.u32 $0x320, v1;
	[tilespmem:$0x1FFA0] =	vst v3;
	v3 =	vor.u32 $0x30, v1;
	s4 =	ssub.s32 $0x2, s4;
	s3 =	smul.u32 $0xC0, s5;
	s5 =	sshll.u32 s5, $0x5  }
0x12: {  	v53 =	vor.u32 $0x330, v1;
	v54 =	vor.u32 $0x340, v1;
	[smem:$0x7FF] =	sst s2;
	[tilespmem:$0x1FFB0] =	vst v3;
	v3 =	vor.u32 $0x40, v1;
	s10 =	sshrl.u32 s4, $0x1;
	s5 =	sor.u32 s8, s5  }
0x13: {  	v55 =	vor.u32 $0x350, v1;
	[tilespmem:$0x1FFC0] =	vst v3;
	v3 =	vor.u32 $0x50, v1;
	s10 =	ssub.s32 s4, s10;
	v0 =	vmov s3;
	s30 =	sadd.s32 $0xC0, s3;
	s3 =	sadd.s32 s9, s3  }
0x14: {  	v56 =	vor.u32 $0x360, v1;
	v57 =	vor.u32 $0x370, v1;
	[tilespmem:$0x1FFD0] =	vst v3;
	v3 =	vor.u32 $0x60, v1;
	s31 =	sadd.s32 s5, s7;
	s4 =	sadd.s32 s6, s5;
	s9 =	simm.s32 $0x400  }
0x15: {  	v58 =	vor.u32 $0x380, v1;
	v59 =	vor.u32 $0x390, v1;
	[tilespmem:$0x1FFE0] =	vst v3;
	v3 =	vor.u32 $0x70, v1;
	s11 =	sshrl.u32 s3, $0x3;
	s3 =	sadd.s32 s6, s8;
	s6 =	sadd.s32 $0x400, s31  }
0x16: {  	v60 =	vor.u32 $0x3A0, v1;
	v61 =	vor.u32 $0x3B0, v1;
	v62 =	vor.u32 $0x3C0, v1;
	s8 =	simm.s32 $0x1;
	[tilespmem:$0x1FFF0] =	vst v3;
	s5 =	sadd.s32 s7, s11;
	s7 =	smax.u32 s10, $0x1  }
0x17: {  	v63 =	vor.u32 $0x3D0, v1;
	v2 =	vmov s30;
	s10 =	simm.s32 $0x500;
	s11 =	simm.s32 $0x600;
	v3 =	vimm.f32 $1.000000000e+00;
	_ =	strace $0x8000004D  }
.LBB2_1:
0x18: {  	[tilespmem:s2], [sflag:$0x1] =	stream.linear.gather [hbm4b:s3+s2], $0x400, $0x38;
	[tilespmem:$0x700] =	vst v63  }
0x19: {  	_ =	swait.ge [sflag:s8], $0x400  }
0x1a: {  	[sflag:s8] =	ssyncset.done $0x0  }
0x1b: {  	[sflag:s8] =	ssyncadd.s32 $0xFFFFFC00  }
0x1c: {  	[tilespmem:s9], [sflag:$0x1] =	stream.linear.gather [hbm4b:s4+s2], $0x100, $0x38;
	[tilespmem:$0x700] =	vst v63  }
0x1d: {  	_ =	swait.ge [sflag:s8], $0x100  }
0x1e: {  	[sflag:s8] =	ssyncset.done $0x0  }
0x1f: {  	[sflag:s8] =	ssyncadd.s32 $0xFFFFFF00  }
0x20: {  	v4 =	vld [tilespmem:$0x0];
	_ =	sdelay $0x4  }
0x21: {  	vm0 =	vge.s32 v4, v0;
	vm1 =	vlt.s32 v4, v2  }
0x22: {  	v4 =	vsub.s32 v4, v0;
	vm0 =	vmand vm0, vm1  }
0x23: {  	v4 =	vnsel vm0, $0x0, v4;
	_ =	sdelay $0x4  }
0x24: {  	[tilespmem:v4+s10+$0x0] =	vst.idx.msk vm0, v1  }
0x25: {  	v4 =	vld [tilespmem:$0x10];
	_ =	sdelay $0x4  }
0x26: {  	vm6 =	vge.s32 v4, v0;
	vm7 =	vlt.s32 v4, v2  }
0x27: {  	v4 =	vsub.s32 v4, v0;
	vm0 =	vmand vm6, vm7  }
0x28: {  	v5 =	vld [tilespmem:$0x1FF90];
	v4 =	vnsel vm0, $0x0, v4;
	_ =	sdelay $0x4  }
0x29: {  	[tilespmem:v4+s10+$0x0] =	vst.idx.msk vm0, v5  }
0x2a: {  	v4 =	vld [tilespmem:$0x20];
	_ =	sdelay $0x4  }
0x2b: {  	vm8 =	vge.s32 v4, v0;
	vm9 =	vlt.s32 v4, v2  }
0x2c: {  	v4 =	vsub.s32 v4, v0;
	vm0 =	vmand vm8, vm9  }
0x2d: {  	v5 =	vld [tilespmem:$0x1FFA0];
	v4 =	vnsel vm0, $0x0, v4;
	_ =	sdelay $0x4  }
0x2e: {  	[tilespmem:v4+s10+$0x0] =	vst.idx.msk vm0, v5  }
0x2f: {  	v4 =	vld [tilespmem:$0x30];
	_ =	sdelay $0x4  }
0x30: {  	vm10 =	vge.s32 v4, v0;
	vm11 =	vlt.s32 v4, v2  }
0x31: {  	v4 =	vsub.s32 v4, v0;
	vm0 =	vmand vm10, vm11  }
0x32: {  	v5 =	vld [tilespmem:$0x1FFB0];
	v4 =	vnsel vm0, $0x0, v4;
	_ =	sdelay $0x4  }
0x33: {  	[tilespmem:v4+s10+$0x0] =	vst.idx.msk vm0, v5  }
0x34: {  	v4 =	vld [tilespmem:$0x40];
	_ =	sdelay $0x4  }
0x35: {  	vm12 =	vge.s32 v4, v0;
	vm13 =	vlt.s32 v4, v2  }
0x36: {  	v4 =	vsub.s32 v4, v0;
	vm0 =	vmand vm12, vm13  }
0x37: {  	v5 =	vld [tilespmem:$0x1FFC0];
	v4 =	vnsel vm0, $0x0, v4;
	_ =	sdelay $0x4  }
0x38: {  	[tilespmem:v4+s10+$0x0] =	vst.idx.msk vm0, v5  }
0x39: {  	v4 =	vld [tilespmem:$0x50];
	_ =	sdelay $0x4  }
0x3a: {  	vm14 =	vge.s32 v4, v0;
	vm15 =	vlt.s32 v4, v2  }
0x3b: {  	v4 =	vsub.s32 v4, v0;
	vm0 =	vmand vm14, vm15  }
0x3c: {  	v5 =	vld [tilespmem:$0x1FFD0];
	v4 =	vnsel vm0, $0x0, v4;
	_ =	sdelay $0x4  }
0x3d: {  	[tilespmem:v4+s10+$0x0] =	vst.idx.msk vm0, v5  }
0x3e: {  	v4 =	vld [tilespmem:$0x60];
	_ =	sdelay $0x4  }
0x3f: {  	vm4 =	vge.s32 v4, v0;
	vm5 =	vlt.s32 v4, v2  }
0x40: {  	v4 =	vsub.s32 v4, v0;
	vm0 =	vmand vm4, vm5  }
0x41: {  	v5 =	vld [tilespmem:$0x1FFE0];
	v4 =	vnsel vm0, $0x0, v4;
	_ =	sdelay $0x4  }
0x42: {  	[tilespmem:v4+s10+$0x0] =	vst.idx.msk vm0, v5  }
0x43: {  	v4 =	vld [tilespmem:$0x70];
	_ =	sdelay $0x4  }
0x44: {  	vm6 =	vge.s32 v4, v0;
	vm7 =	vlt.s32 v4, v2  }
0x45: {  	v4 =	vsub.s32 v4, v0;
	vm0 =	vmand vm6, vm7  }
0x46: {  	v5 =	vld [tilespmem:$0x1FFF0];
	v4 =	vnsel vm0, $0x0, v4;
	_ =	sdelay $0x4  }
0x47: {  	[tilespmem:v4+s10+$0x0] =	vst.idx.msk vm0, v5  }
0x48: {  	v4 =	vld [tilespmem:$0x80];
	_ =	sdelay $0x4  }
0x49: {  	vm8 =	vge.s32 v4, v0;
	vm9 =	vlt.s32 v4, v2  }
0x4a: {  	v4 =	vsub.s32 v4, v0;
	vm0 =	vmand vm8, vm9  }
0x4b: {  	v4 =	vnsel vm0, $0x0, v4;
	_ =	sdelay $0x4  }
0x4c: {  	[tilespmem:v4+s10+$0x0] =	vst.idx.msk vm0, v10  }
0x4d: {  	v4 =	vld [tilespmem:$0x90];
	_ =	sdelay $0x4  }
0x4e: {  	vm10 =	vge.s32 v4, v0;
	vm11 =	vlt.s32 v4, v2  }
0x4f: {  	v4 =	vsub.s32 v4, v0;
	vm0 =	vmand vm10, vm11  }
0x50: {  	v4 =	vnsel vm0, $0x0, v4;
	_ =	sdelay $0x4  }
0x51: {  	[tilespmem:v4+s10+$0x0] =	vst.idx.msk vm0, v11  }
0x52: {  	v4 =	vld [tilespmem:$0xA0];
	_ =	sdelay $0x4  }
0x53: {  	vm12 =	vge.s32 v4, v0;
	vm13 =	vlt.s32 v4, v2  }
0x54: {  	v4 =	vsub.s32 v4, v0;
	vm0 =	vmand vm12, vm13  }
0x55: {  	v4 =	vnsel vm0, $0x0, v4;
	_ =	sdelay $0x4  }
0x56: {  	[tilespmem:v4+s10+$0x0] =	vst.idx.msk vm0, v12  }
0x57: {  	v4 =	vld [tilespmem:$0xB0];
	_ =	sdelay $0x4  }
0x58: {  	vm14 =	vge.s32 v4, v0;
	vm15 =	vlt.s32 v4, v2  }
0x59: {  	v4 =	vsub.s32 v4, v0;
	vm0 =	vmand vm14, vm15  }
0x5a: {  	v4 =	vnsel vm0, $0x0, v4;
	_ =	sdelay $0x4  }
0x5b: {  	[tilespmem:v4+s10+$0x0] =	vst.idx.msk vm0, v13  }
0x5c: {  	v4 =	vld [tilespmem:$0xC0];
	_ =	sdelay $0x4  }
0x5d: {  	vm4 =	vge.s32 v4, v0;
	vm5 =	vlt.s32 v4, v2  }
0x5e: {  	v4 =	vsub.s32 v4, v0;
	vm0 =	vmand vm4, vm5  }
0x5f: {  	v4 =	vnsel vm0, $0x0, v4;
	_ =	sdelay $0x4  }
0x60: {  	[tilespmem:v4+s10+$0x0] =	vst.idx.msk vm0, v14  }
0x61: {  	v4 =	vld [tilespmem:$0xD0];
	_ =	sdelay $0x4  }
0x62: {  	vm6 =	vge.s32 v4, v0;
	vm7 =	vlt.s32 v4, v2  }
0x63: {  	v4 =	vsub.s32 v4, v0;
	vm0 =	vmand vm6, vm7  }
0x64: {  	v4 =	vnsel vm0, $0x0, v4;
	_ =	sdelay $0x4  }
0x65: {  	[tilespmem:v4+s10+$0x0] =	vst.idx.msk vm0, v15  }
0x66: {  	v4 =	vld [tilespmem:$0xE0];
	_ =	sdelay $0x4  }
0x67: {  	vm8 =	vge.s32 v4, v0;
	vm9 =	vlt.s32 v4, v2  }
0x68: {  	v4 =	vsub.s32 v4, v0;
	vm0 =	vmand vm8, vm9  }
0x69: {  	v4 =	vnsel vm0, $0x0, v4;
	_ =	sdelay $0x4  }
0x6a: {  	[tilespmem:v4+s10+$0x0] =	vst.idx.msk vm0, v16  }
0x6b: {  	v4 =	vld [tilespmem:$0xF0];
	_ =	sdelay $0x4  }
0x6c: {  	vm10 =	vge.s32 v4, v0;
	vm11 =	vlt.s32 v4, v2  }
0x6d: {  	v4 =	vsub.s32 v4, v0;
	vm0 =	vmand vm10, vm11  }
0x6e: {  	v4 =	vnsel vm0, $0x0, v4;
	_ =	sdelay $0x4  }
0x6f: {  	[tilespmem:v4+s10+$0x0] =	vst.idx.msk vm0, v17  }
0x70: {  	v4 =	vld [tilespmem:$0x100];
	_ =	sdelay $0x4  }
0x71: {  	vm12 =	vge.s32 v4, v0;
	vm13 =	vlt.s32 v4, v2  }
0x72: {  	v4 =	vsub.s32 v4, v0;
	vm0 =	vmand vm12, vm13  }
0x73: {  	v4 =	vnsel vm0, $0x0, v4;
	_ =	sdelay $0x4  }
0x74: {  	[tilespmem:v4+s10+$0x0] =	vst.idx.msk vm0, v18  }
0x75: {  	v4 =	vld [tilespmem:$0x110];
	_ =	sdelay $0x4  }
0x76: {  	vm14 =	vge.s32 v4, v0;
	vm15 =	vlt.s32 v4, v2  }
0x77: {  	v4 =	vsub.s32 v4, v0;
	vm0 =	vmand vm14, vm15  }
0x78: {  	v4 =	vnsel vm0, $0x0, v4;
	_ =	sdelay $0x4  }
0x79: {  	[tilespmem:v4+s10+$0x0] =	vst.idx.msk vm0, v19  }
0x7a: {  	v4 =	vld [tilespmem:$0x120];
	_ =	sdelay $0x4  }
0x7b: {  	vm4 =	vge.s32 v4, v0;
	vm5 =	vlt.s32 v4, v2  }
0x7c: {  	v4 =	vsub.s32 v4, v0;
	vm0 =	vmand vm4, vm5  }
0x7d: {  	v4 =	vnsel vm0, $0x0, v4;
	_ =	sdelay $0x4  }
0x7e: {  	[tilespmem:v4+s10+$0x0] =	vst.idx.msk vm0, v20  }
0x7f: {  	v4 =	vld [tilespmem:$0x130];
	_ =	sdelay $0x4  }
0x80: {  	vm6 =	vge.s32 v4, v0;
	vm7 =	vlt.s32 v4, v2  }
0x81: {  	v4 =	vsub.s32 v4, v0;
	vm0 =	vmand vm6, vm7  }
0x82: {  	v4 =	vnsel vm0, $0x0, v4;
	_ =	sdelay $0x4  }
0x83: {  	[tilespmem:v4+s10+$0x0] =	vst.idx.msk vm0, v21  }
0x84: {  	v4 =	vld [tilespmem:$0x140];
	_ =	sdelay $0x4  }
0x85: {  	vm8 =	vge.s32 v4, v0;
	vm9 =	vlt.s32 v4, v2  }
0x86: {  	v4 =	vsub.s32 v4, v0;
	vm0 =	vmand vm8, vm9  }
0x87: {  	v4 =	vnsel vm0, $0x0, v4;
	_ =	sdelay $0x4  }
0x88: {  	[tilespmem:v4+s10+$0x0] =	vst.idx.msk vm0, v22  }
0x89: {  	v4 =	vld [tilespmem:$0x150];
	_ =	sdelay $0x4  }
0x8a: {  	vm10 =	vge.s32 v4, v0;
	vm11 =	vlt.s32 v4, v2  }
0x8b: {  	v4 =	vsub.s32 v4, v0;
	vm0 =	vmand vm10, vm11  }
0x8c: {  	v4 =	vnsel vm0, $0x0, v4;
	_ =	sdelay $0x4  }
0x8d: {  	[tilespmem:v4+s10+$0x0] =	vst.idx.msk vm0, v23  }
0x8e: {  	v4 =	vld [tilespmem:$0x160];
	_ =	sdelay $0x4  }
0x8f: {  	vm12 =	vge.s32 v4, v0;
	vm13 =	vlt.s32 v4, v2  }
0x90: {  	v4 =	vsub.s32 v4, v0;
	vm0 =	vmand vm12, vm13  }
0x91: {  	v4 =	vnsel vm0, $0x0, v4;
	_ =	sdelay $0x4  }
0x92: {  	[tilespmem:v4+s10+$0x0] =	vst.idx.msk vm0, v24  }
0x93: {  	v4 =	vld [tilespmem:$0x170];
	_ =	sdelay $0x4  }
0x94: {  	vm14 =	vge.s32 v4, v0;
	vm15 =	vlt.s32 v4, v2  }
0x95: {  	v4 =	vsub.s32 v4, v0;
	vm0 =	vmand vm14, vm15  }
0x96: {  	v4 =	vnsel vm0, $0x0, v4;
	_ =	sdelay $0x4  }
0x97: {  	[tilespmem:v4+s10+$0x0] =	vst.idx.msk vm0, v25  }
0x98: {  	v4 =	vld [tilespmem:$0x180];
	_ =	sdelay $0x4  }
0x99: {  	vm4 =	vge.s32 v4, v0;
	vm5 =	vlt.s32 v4, v2  }
0x9a: {  	v4 =	vsub.s32 v4, v0;
	vm0 =	vmand vm4, vm5  }
0x9b: {  	v4 =	vnsel vm0, $0x0, v4;
	_ =	sdelay $0x4  }
0x9c: {  	[tilespmem:v4+s10+$0x0] =	vst.idx.msk vm0, v26  }
0x9d: {  	v4 =	vld [tilespmem:$0x190];
	_ =	sdelay $0x4  }
0x9e: {  	vm6 =	vge.s32 v4, v0;
	vm7 =	vlt.s32 v4, v2  }
0x9f: {  	v4 =	vsub.s32 v4, v0;
	vm0 =	vmand vm6, vm7  }
0xa0: {  	v4 =	vnsel vm0, $0x0, v4;
	_ =	sdelay $0x4  }
0xa1: {  	[tilespmem:v4+s10+$0x0] =	vst.idx.msk vm0, v27  }
0xa2: {  	v4 =	vld [tilespmem:$0x1A0];
	_ =	sdelay $0x4  }
0xa3: {  	vm8 =	vge.s32 v4, v0;
	vm9 =	vlt.s32 v4, v2  }
0xa4: {  	v4 =	vsub.s32 v4, v0;
	vm0 =	vmand vm8, vm9  }
0xa5: {  	v4 =	vnsel vm0, $0x0, v4;
	_ =	sdelay $0x4  }
0xa6: {  	[tilespmem:v4+s10+$0x0] =	vst.idx.msk vm0, v28  }
0xa7: {  	v4 =	vld [tilespmem:$0x1B0];
	_ =	sdelay $0x4  }
0xa8: {  	vm10 =	vge.s32 v4, v0;
	vm11 =	vlt.s32 v4, v2  }
0xa9: {  	v4 =	vsub.s32 v4, v0;
	vm0 =	vmand vm10, vm11  }
0xaa: {  	v4 =	vnsel vm0, $0x0, v4;
	_ =	sdelay $0x4  }
0xab: {  	[tilespmem:v4+s10+$0x0] =	vst.idx.msk vm0, v29  }
0xac: {  	v4 =	vld [tilespmem:$0x1C0];
	_ =	sdelay $0x4  }
0xad: {  	vm12 =	vge.s32 v4, v0;
	vm13 =	vlt.s32 v4, v2  }
0xae: {  	v4 =	vsub.s32 v4, v0;
	vm0 =	vmand vm12, vm13  }
0xaf: {  	v4 =	vnsel vm0, $0x0, v4;
	_ =	sdelay $0x4  }
0xb0: {  	[tilespmem:v4+s10+$0x0] =	vst.idx.msk vm0, v30  }
0xb1: {  	v4 =	vld [tilespmem:$0x1D0];
	_ =	sdelay $0x4  }
0xb2: {  	vm14 =	vge.s32 v4, v0;
	vm15 =	vlt.s32 v4, v2  }
0xb3: {  	v4 =	vsub.s32 v4, v0;
	vm0 =	vmand vm14, vm15  }
0xb4: {  	v4 =	vnsel vm0, $0x0, v4;
	_ =	sdelay $0x4  }
0xb5: {  	[tilespmem:v4+s10+$0x0] =	vst.idx.msk vm0, v31  }
0xb6: {  	v4 =	vld [tilespmem:$0x1E0];
	_ =	sdelay $0x4  }
0xb7: {  	vm4 =	vge.s32 v4, v0;
	vm5 =	vlt.s32 v4, v2  }
0xb8: {  	v4 =	vsub.s32 v4, v0;
	vm0 =	vmand vm4, vm5  }
0xb9: {  	v4 =	vnsel vm0, $0x0, v4;
	_ =	sdelay $0x4  }
0xba: {  	[tilespmem:v4+s10+$0x0] =	vst.idx.msk vm0, v32  }
0xbb: {  	v4 =	vld [tilespmem:$0x1F0];
	_ =	sdelay $0x4  }
0xbc: {  	vm6 =	vge.s32 v4, v0;
	vm7 =	vlt.s32 v4, v2  }
0xbd: {  	v4 =	vsub.s32 v4, v0;
	vm0 =	vmand vm6, vm7  }
0xbe: {  	v4 =	vnsel vm0, $0x0, v4;
	_ =	sdelay $0x4  }
0xbf: {  	[tilespmem:v4+s10+$0x0] =	vst.idx.msk vm0, v33  }
0xc0: {  	v4 =	vld [tilespmem:$0x200];
	_ =	sdelay $0x4  }
0xc1: {  	vm8 =	vge.s32 v4, v0;
	vm9 =	vlt.s32 v4, v2  }
0xc2: {  	v4 =	vsub.s32 v4, v0;
	vm0 =	vmand vm8, vm9  }
0xc3: {  	v4 =	vnsel vm0, $0x0, v4;
	_ =	sdelay $0x4  }
0xc4: {  	[tilespmem:v4+s10+$0x0] =	vst.idx.msk vm0, v34  }
0xc5: {  	v4 =	vld [tilespmem:$0x210];
	_ =	sdelay $0x4  }
0xc6: {  	vm10 =	vge.s32 v4, v0;
	vm11 =	vlt.s32 v4, v2  }
0xc7: {  	v4 =	vsub.s32 v4, v0;
	vm0 =	vmand vm10, vm11  }
0xc8: {  	v4 =	vnsel vm0, $0x0, v4;
	_ =	sdelay $0x4  }
0xc9: {  	[tilespmem:v4+s10+$0x0] =	vst.idx.msk vm0, v35  }
0xca: {  	v4 =	vld [tilespmem:$0x220];
	_ =	sdelay $0x4  }
0xcb: {  	vm12 =	vge.s32 v4, v0;
	vm13 =	vlt.s32 v4, v2  }
0xcc: {  	v4 =	vsub.s32 v4, v0;
	vm0 =	vmand vm12, vm13  }
0xcd: {  	v4 =	vnsel vm0, $0x0, v4;
	_ =	sdelay $0x4  }
0xce: {  	[tilespmem:v4+s10+$0x0] =	vst.idx.msk vm0, v36  }
0xcf: {  	v4 =	vld [tilespmem:$0x230];
	_ =	sdelay $0x4  }
0xd0: {  	vm14 =	vge.s32 v4, v0;
	vm15 =	vlt.s32 v4, v2  }
0xd1: {  	v4 =	vsub.s32 v4, v0;
	vm0 =	vmand vm14, vm15  }
0xd2: {  	v4 =	vnsel vm0, $0x0, v4;
	_ =	sdelay $0x4  }
0xd3: {  	[tilespmem:v4+s10+$0x0] =	vst.idx.msk vm0, v37  }
0xd4: {  	v4 =	vld [tilespmem:$0x240];
	_ =	sdelay $0x4  }
0xd5: {  	vm4 =	vge.s32 v4, v0;
	vm5 =	vlt.s32 v4, v2  }
0xd6: {  	v4 =	vsub.s32 v4, v0;
	vm0 =	vmand vm4, vm5  }
0xd7: {  	v4 =	vnsel vm0, $0x0, v4;
	_ =	sdelay $0x4  }
0xd8: {  	[tilespmem:v4+s10+$0x0] =	vst.idx.msk vm0, v38  }
0xd9: {  	v4 =	vld [tilespmem:$0x250];
	_ =	sdelay $0x4  }
0xda: {  	vm6 =	vge.s32 v4, v0;
	vm7 =	vlt.s32 v4, v2  }
0xdb: {  	v4 =	vsub.s32 v4, v0;
	vm0 =	vmand vm6, vm7  }
0xdc: {  	v4 =	vnsel vm0, $0x0, v4;
	_ =	sdelay $0x4  }
0xdd: {  	[tilespmem:v4+s10+$0x0] =	vst.idx.msk vm0, v39  }
0xde: {  	v4 =	vld [tilespmem:$0x260];
	_ =	sdelay $0x4  }
0xdf: {  	vm8 =	vge.s32 v4, v0;
	vm9 =	vlt.s32 v4, v2  }
0xe0: {  	v4 =	vsub.s32 v4, v0;
	vm0 =	vmand vm8, vm9  }
0xe1: {  	v4 =	vnsel vm0, $0x0, v4;
	_ =	sdelay $0x4  }
0xe2: {  	[tilespmem:v4+s10+$0x0] =	vst.idx.msk vm0, v40  }
0xe3: {  	v4 =	vld [tilespmem:$0x270];
	_ =	sdelay $0x4  }
0xe4: {  	vm10 =	vge.s32 v4, v0;
	vm11 =	vlt.s32 v4, v2  }
0xe5: {  	v4 =	vsub.s32 v4, v0;
	vm0 =	vmand vm10, vm11  }
0xe6: {  	v4 =	vnsel vm0, $0x0, v4;
	_ =	sdelay $0x4  }
0xe7: {  	[tilespmem:v4+s10+$0x0] =	vst.idx.msk vm0, v41  }
0xe8: {  	v4 =	vld [tilespmem:$0x280];
	_ =	sdelay $0x4  }
0xe9: {  	vm12 =	vge.s32 v4, v0;
	vm13 =	vlt.s32 v4, v2  }
0xea: {  	v4 =	vsub.s32 v4, v0;
	vm0 =	vmand vm12, vm13  }
0xeb: {  	v4 =	vnsel vm0, $0x0, v4;
	_ =	sdelay $0x4  }
0xec: {  	[tilespmem:v4+s10+$0x0] =	vst.idx.msk vm0, v42  }
0xed: {  	v4 =	vld [tilespmem:$0x290];
	_ =	sdelay $0x4  }
0xee: {  	vm14 =	vge.s32 v4, v0;
	vm15 =	vlt.s32 v4, v2  }
0xef: {  	v4 =	vsub.s32 v4, v0;
	vm0 =	vmand vm14, vm15  }
0xf0: {  	v4 =	vnsel vm0, $0x0, v4;
	_ =	sdelay $0x4  }
0xf1: {  	[tilespmem:v4+s10+$0x0] =	vst.idx.msk vm0, v43  }
0xf2: {  	v4 =	vld [tilespmem:$0x2A0];
	_ =	sdelay $0x4  }
0xf3: {  	vm4 =	vge.s32 v4, v0;
	vm5 =	vlt.s32 v4, v2  }
0xf4: {  	v4 =	vsub.s32 v4, v0;
	vm0 =	vmand vm4, vm5  }
0xf5: {  	v4 =	vnsel vm0, $0x0, v4;
	_ =	sdelay $0x4  }
0xf6: {  	[tilespmem:v4+s10+$0x0] =	vst.idx.msk vm0, v44  }
0xf7: {  	v4 =	vld [tilespmem:$0x2B0];
	_ =	sdelay $0x4  }
0xf8: {  	vm6 =	vge.s32 v4, v0;
	vm7 =	vlt.s32 v4, v2  }
0xf9: {  	v4 =	vsub.s32 v4, v0;
	vm0 =	vmand vm6, vm7  }
0xfa: {  	v4 =	vnsel vm0, $0x0, v4;
	_ =	sdelay $0x4  }
0xfb: {  	[tilespmem:v4+s10+$0x0] =	vst.idx.msk vm0, v45  }
0xfc: {  	v4 =	vld [tilespmem:$0x2C0];
	_ =	sdelay $0x4  }
0xfd: {  	vm8 =	vge.s32 v4, v0;
	vm9 =	vlt.s32 v4, v2  }
0xfe: {  	v4 =	vsub.s32 v4, v0;
	vm0 =	vmand vm8, vm9  }
0xff: {  	v4 =	vnsel vm0, $0x0, v4;
	_ =	sdelay $0x4  }
0x100: {  	[tilespmem:v4+s10+$0x0] =	vst.idx.msk vm0, v46  }
0x101: {  	v4 =	vld [tilespmem:$0x2D0];
	_ =	sdelay $0x4  }
0x102: {  	vm10 =	vge.s32 v4, v0;
	vm11 =	vlt.s32 v4, v2  }
0x103: {  	v4 =	vsub.s32 v4, v0;
	vm0 =	vmand vm10, vm11  }
0x104: {  	v4 =	vnsel vm0, $0x0, v4;
	_ =	sdelay $0x4  }
0x105: {  	[tilespmem:v4+s10+$0x0] =	vst.idx.msk vm0, v47  }
0x106: {  	v4 =	vld [tilespmem:$0x2E0];
	_ =	sdelay $0x4  }
0x107: {  	vm12 =	vge.s32 v4, v0;
	vm13 =	vlt.s32 v4, v2  }
0x108: {  	v4 =	vsub.s32 v4, v0;
	vm0 =	vmand vm12, vm13  }
0x109: {  	v4 =	vnsel vm0, $0x0, v4;
	_ =	sdelay $0x4  }
0x10a: {  	[tilespmem:v4+s10+$0x0] =	vst.idx.msk vm0, v48  }
0x10b: {  	v4 =	vld [tilespmem:$0x2F0];
	_ =	sdelay $0x4  }
0x10c: {  	vm14 =	vge.s32 v4, v0;
	vm15 =	vlt.s32 v4, v2  }
0x10d: {  	v4 =	vsub.s32 v4, v0;
	vm0 =	vmand vm14, vm15  }
0x10e: {  	v4 =	vnsel vm0, $0x0, v4;
	_ =	sdelay $0x4  }
0x10f: {  	[tilespmem:v4+s10+$0x0] =	vst.idx.msk vm0, v49  }
0x110: {  	v4 =	vld [tilespmem:$0x300];
	_ =	sdelay $0x4  }
0x111: {  	vm4 =	vge.s32 v4, v0;
	vm5 =	vlt.s32 v4, v2  }
0x112: {  	v4 =	vsub.s32 v4, v0;
	vm0 =	vmand vm4, vm5  }
0x113: {  	v4 =	vnsel vm0, $0x0, v4;
	_ =	sdelay $0x4  }
0x114: {  	[tilespmem:v4+s10+$0x0] =	vst.idx.msk vm0, v50  }
0x115: {  	v4 =	vld [tilespmem:$0x310];
	_ =	sdelay $0x4  }
0x116: {  	vm6 =	vge.s32 v4, v0;
	vm7 =	vlt.s32 v4, v2  }
0x117: {  	v4 =	vsub.s32 v4, v0;
	vm0 =	vmand vm6, vm7  }
0x118: {  	v4 =	vnsel vm0, $0x0, v4;
	_ =	sdelay $0x4  }
0x119: {  	[tilespmem:v4+s10+$0x0] =	vst.idx.msk vm0, v51  }
0x11a: {  	v4 =	vld [tilespmem:$0x320];
	_ =	sdelay $0x4  }
0x11b: {  	vm8 =	vge.s32 v4, v0;
	vm9 =	vlt.s32 v4, v2  }
0x11c: {  	v4 =	vsub.s32 v4, v0;
	vm0 =	vmand vm8, vm9  }
0x11d: {  	v4 =	vnsel vm0, $0x0, v4;
	_ =	sdelay $0x4  }
0x11e: {  	[tilespmem:v4+s10+$0x0] =	vst.idx.msk vm0, v52  }
0x11f: {  	v4 =	vld [tilespmem:$0x330];
	_ =	sdelay $0x4  }
0x120: {  	vm10 =	vge.s32 v4, v0;
	vm11 =	vlt.s32 v4, v2  }
0x121: {  	v4 =	vsub.s32 v4, v0;
	vm0 =	vmand vm10, vm11  }
0x122: {  	v4 =	vnsel vm0, $0x0, v4;
	_ =	sdelay $0x4  }
0x123: {  	[tilespmem:v4+s10+$0x0] =	vst.idx.msk vm0, v53  }
0x124: {  	v4 =	vld [tilespmem:$0x340];
	_ =	sdelay $0x4  }
0x125: {  	vm12 =	vge.s32 v4, v0;
	vm13 =	vlt.s32 v4, v2  }
0x126: {  	v4 =	vsub.s32 v4, v0;
	vm0 =	vmand vm12, vm13  }
0x127: {  	v4 =	vnsel vm0, $0x0, v4;
	_ =	sdelay $0x4  }
0x128: {  	[tilespmem:v4+s10+$0x0] =	vst.idx.msk vm0, v54  }
0x129: {  	v4 =	vld [tilespmem:$0x350];
	_ =	sdelay $0x4  }
0x12a: {  	vm14 =	vge.s32 v4, v0;
	vm15 =	vlt.s32 v4, v2  }
0x12b: {  	v4 =	vsub.s32 v4, v0;
	vm0 =	vmand vm14, vm15  }
0x12c: {  	v4 =	vnsel vm0, $0x0, v4;
	_ =	sdelay $0x4  }
0x12d: {  	[tilespmem:v4+s10+$0x0] =	vst.idx.msk vm0, v55  }
0x12e: {  	v4 =	vld [tilespmem:$0x360];
	_ =	sdelay $0x4  }
0x12f: {  	vm4 =	vge.s32 v4, v0;
	vm5 =	vlt.s32 v4, v2  }
0x130: {  	v4 =	vsub.s32 v4, v0;
	vm0 =	vmand vm4, vm5  }
0x131: {  	v4 =	vnsel vm0, $0x0, v4;
	_ =	sdelay $0x4  }
0x132: {  	[tilespmem:v4+s10+$0x0] =	vst.idx.msk vm0, v56  }
0x133: {  	v4 =	vld [tilespmem:$0x370];
	_ =	sdelay $0x4  }
0x134: {  	vm6 =	vge.s32 v4, v0;
	vm7 =	vlt.s32 v4, v2  }
0x135: {  	v4 =	vsub.s32 v4, v0;
	vm0 =	vmand vm6, vm7  }
0x136: {  	v4 =	vnsel vm0, $0x0, v4;
	_ =	sdelay $0x4  }
0x137: {  	[tilespmem:v4+s10+$0x0] =	vst.idx.msk vm0, v57  }
0x138: {  	v4 =	vld [tilespmem:$0x380];
	_ =	sdelay $0x4  }
0x139: {  	vm8 =	vge.s32 v4, v0;
	vm9 =	vlt.s32 v4, v2  }
0x13a: {  	v4 =	vsub.s32 v4, v0;
	vm0 =	vmand vm8, vm9  }
0x13b: {  	v4 =	vnsel vm0, $0x0, v4;
	_ =	sdelay $0x4  }
0x13c: {  	[tilespmem:v4+s10+$0x0] =	vst.idx.msk vm0, v58  }
0x13d: {  	v4 =	vld [tilespmem:$0x390];
	_ =	sdelay $0x4  }
0x13e: {  	vm10 =	vge.s32 v4, v0;
	vm11 =	vlt.s32 v4, v2  }
0x13f: {  	v4 =	vsub.s32 v4, v0;
	vm0 =	vmand vm10, vm11  }
0x140: {  	v4 =	vnsel vm0, $0x0, v4;
	_ =	sdelay $0x4  }
0x141: {  	[tilespmem:v4+s10+$0x0] =	vst.idx.msk vm0, v59  }
0x142: {  	v4 =	vld [tilespmem:$0x3A0];
	_ =	sdelay $0x4  }
0x143: {  	vm12 =	vge.s32 v4, v0;
	vm13 =	vlt.s32 v4, v2  }
0x144: {  	v4 =	vsub.s32 v4, v0;
	vm0 =	vmand vm12, vm13  }
0x145: {  	v4 =	vnsel vm0, $0x0, v4;
	_ =	sdelay $0x4  }
0x146: {  	[tilespmem:v4+s10+$0x0] =	vst.idx.msk vm0, v60  }
0x147: {  	v4 =	vld [tilespmem:$0x3B0];
	_ =	sdelay $0x4  }
0x148: {  	vm14 =	vge.s32 v4, v0;
	vm15 =	vlt.s32 v4, v2  }
0x149: {  	v4 =	vsub.s32 v4, v0;
	vm0 =	vmand vm14, vm15  }
0x14a: {  	v4 =	vnsel vm0, $0x0, v4;
	_ =	sdelay $0x4  }
0x14b: {  	[tilespmem:v4+s10+$0x0] =	vst.idx.msk vm0, v61  }
0x14c: {  	v4 =	vld [tilespmem:$0x3C0];
	_ =	sdelay $0x4  }
0x14d: {  	vm4 =	vge.s32 v4, v0;
	vm5 =	vlt.s32 v4, v2  }
0x14e: {  	v4 =	vsub.s32 v4, v0;
	vm0 =	vmand vm4, vm5  }
0x14f: {  	v4 =	vnsel vm0, $0x0, v4;
	_ =	sdelay $0x4  }
0x150: {  	[tilespmem:v4+s10+$0x0] =	vst.idx.msk vm0, v62  }
0x151: {  	v4 =	vld [tilespmem:$0x3D0];
	_ =	sdelay $0x4  }
0x152: {  	vm6 =	vge.s32 v4, v0;
	vm7 =	vlt.s32 v4, v2  }
0x153: {  	v4 =	vsub.s32 v4, v0;
	vm0 =	vmand vm6, vm7  }
0x154: {  	v4 =	vnsel vm0, $0x0, v4;
	_ =	sdelay $0x4  }
0x155: {  	[tilespmem:v4+s10+$0x0] =	vst.idx.msk vm0, v63  }
0x156: {  	v4 =	vld [tilespmem:$0x3E0];
	_ =	sdelay $0x4  }
0x157: {  	vm8 =	vge.s32 v4, v0;
	vm9 =	vlt.s32 v4, v2  }
0x158: {  	v4 =	vsub.s32 v4, v0;
	vm0 =	vmand vm8, vm9  }
0x159: {  	v4 =	vnsel vm0, $0x0, v4;
	_ =	sdelay $0x3  }
0x15a: {  	v5 =	vor.u32 $0x3E0, v1  }
0x15b: {  	[tilespmem:v4+s10+$0x0] =	vst.idx.msk vm0, v5  }
0x15c: {  	v4 =	vld [tilespmem:$0x3F0];
	_ =	sdelay $0x4  }
0x15d: {  	vm10 =	vge.s32 v4, v0;
	vm11 =	vlt.s32 v4, v2  }
0x15e: {  	v4 =	vsub.s32 v4, v0;
	vm0 =	vmand vm10, vm11  }
0x15f: {  	v4 =	vnsel vm0, $0x0, v4;
	_ =	sdelay $0x3  }
0x160: {  	v5 =	vor.u32 $0x3F0, v1  }
0x161: {  	[tilespmem:v4+s10+$0x0] =	vst.idx.msk vm0, v5  }
0x162: {  	v4 =	vld [tilespmem:$0x400]  }
0x163: {  	v5 =	vld [tilespmem:$0x410]  }
0x164: {  	v6 =	vld [tilespmem:$0x420]  }
0x165: {  	v7 =	vld [tilespmem:$0x430]  }
0x166: {  	v8 =	vld [tilespmem:$0x440]  }
0x167: {  	vm12 =	vlt.s32 v4, $0x300;
	v4 =	vld [tilespmem:$0x450]  }
0x168: {  	vm13 =	vlt.s32 v5, $0x300;
	v5 =	vld [tilespmem:$0x460];
	v9 =	vsel vm12, $0x0, v3  }
0x169: {  	vm14 =	vlt.s32 v6, $0x300;
	v6 =	vld [tilespmem:$0x470];
	[tilespmem:$0x600] =	vst v9;
	v9 =	vsel vm13, $0x0, v3  }
0x16a: {  	vm15 =	vlt.s32 v7, $0x300;
	v7 =	vld [tilespmem:$0x480];
	[tilespmem:$0x610] =	vst v9;
	v9 =	vsel vm14, $0x0, v3  }
0x16b: {  	vm4 =	vlt.s32 v8, $0x300;
	v8 =	vld [tilespmem:$0x490];
	[tilespmem:$0x620] =	vst v9;
	v9 =	vsel vm15, $0x0, v3  }
0x16c: {  	[tilespmem:$0x630] =	vst v9;
	v9 =	vsel vm4, $0x0, v3;
	vm5 =	vlt.s32 v4, $0x300;
	v4 =	vld [tilespmem:$0x4A0]  }
0x16d: {  	vm6 =	vlt.s32 v5, $0x300;
	v5 =	vld [tilespmem:$0x4B0];
	[tilespmem:$0x640] =	vst v9;
	v9 =	vsel vm5, $0x0, v3  }
0x16e: {  	vm7 =	vlt.s32 v6, $0x300;
	v6 =	vld [tilespmem:$0x4C0];
	[tilespmem:$0x650] =	vst v9;
	v9 =	vsel vm6, $0x0, v3  }
0x16f: {  	vm8 =	vlt.s32 v7, $0x300;
	v7 =	vld [tilespmem:$0x4D0];
	[tilespmem:$0x660] =	vst v9;
	v9 =	vsel vm7, $0x0, v3  }
0x170: {  	vm9 =	vlt.s32 v8, $0x300;
	v8 =	vld [tilespmem:$0x4E0];
	[tilespmem:$0x670] =	vst v9;
	v9 =	vsel vm8, $0x0, v3  }
0x171: {  	[tilespmem:$0x680] =	vst v9;
	v9 =	vsel vm9, $0x0, v3;
	vm10 =	vlt.s32 v4, $0x300;
	v4 =	vld [tilespmem:$0x4F0]  }
0x172: {  	vm11 =	vlt.s32 v5, $0x300;
	[tilespmem:$0x690] =	vst v9;
	v5 =	vsel vm10, $0x0, v3  }
0x173: {  	vm12 =	vlt.s32 v6, $0x300;
	[tilespmem:$0x6A0] =	vst v5;
	v5 =	vsel vm11, $0x0, v3  }
0x174: {  	vm13 =	vlt.s32 v7, $0x300;
	[tilespmem:$0x6B0] =	vst v5;
	v5 =	vsel vm12, $0x0, v3  }
0x175: {  	vm14 =	vlt.s32 v8, $0x300;
	[tilespmem:$0x6C0] =	vst v5;
	v5 =	vsel vm13, $0x0, v3  }
0x176: {  	[tilespmem:$0x6D0] =	vst v5;
	vm15 =	vlt.s32 v4, $0x300;
	v4 =	vsel vm14, $0x0, v3  }
0x177: {  	[tilespmem:$0x6E0] =	vst v4;
	v4 =	vsel vm15, $0x0, v3  }
0x178: {  	[tilespmem:$0x6F0] =	vst v4  }
0x179: {  	[hbm4b:s5+s2] =	stream.linear.scatter [tilespmem:s10], [sflag:$0x1], $0xC0, $0x38;
	[tilespmem:$0x700] =	vst v63  }
0x17a: {  	_ =	swait.ge [sflag:s8], $0xC0  }
0x17b: {  	p0 =	sne.s32 s7, $0x1;
	[sflag:s8] =	ssyncset.done $0x0  }
.Ltmp0:
0x17c: {  	[sflag:s8] =	ssyncadd.s32 $0xFFFFFF40;
	(pc) =	sbr.rel @p0 .LBB2_1-.Ltmp0, $4  }
0x17d: {  	[hbm4b:s6+s2] =	stream.linear.scatter [tilespmem:s11], [sflag:$0x1], $0x100, $0x38;
	[tilespmem:$0x700] =	vst v63  }
0x17e: {  	_ =	swait.ge [sflag:s8], $0x100  }
0x17f: {  	[sflag:s8] =	ssyncset.done $0x0  }
0x180: {  	s7 =	sadd.s32 $0xFFFFFFFF, s7;
	[sflag:s8] =	ssyncadd.s32 $0xFFFFFF00  }
0x181: {  	_ =	sfence.sel $0x180000  }
0x182: {  	[bflag:$0x0] =	sbarrier.arrive $0xFFFF  }
0x183: {  	p0 =	sne.s32 s0, $0x0;
	_ =	strace $0x9000004D  }
0x184: {  	s0 =	sadd.s32 @!p0 $0x100000, s1;
	[bflag:$0x2] =	sbarrier.arrive $0xFFFF  }
0x185: {  	[sflag:s0] =	ssyncadd.tile.s32 @!p0 $0x1;
	_ =	shalt  }
.Lfunc_end2:
_tile_overlayer_lowered:
.L_overlay_start_2:
0x186: {  	(tag) =	ssettag $0x2  }
0x187: {  	s0 =	rddreg [dreg:$0x0];
	s2 =	stileid.u32  }
0x188: {  	s1 =	rddreg [dreg:$0x1];
	p0 =	sne.s32 s2, $0x0  }
0x189: {  	s3 =	rddreg [dreg:$0x2];
	[bflag:$0x3] =	sbarrier.arrive $0xFFFF;
	s2 =	simm.s32 @!p0 $0x1C01  }
0x18a: {  	[timem:s3], [sflag:s2] =	dma.local @!p0 [hbm:s0], s1  }
0x18b: {  	s0 =	simm.s32 @!p0 $0x1  }
0x18c: {  	_ =	swait.ge @!p0 [sflag:s0], s1  }
0x18d: {  	s1 =	ssub.s32 @!p0 $0x0, s1;
	[sflag:s0] =	ssyncset.done @!p0 $0x0  }
0x18e: {  	[sflag:s0] =	ssyncadd.s32 @!p0 s1  }
0x18f: {  	[bflag:$0x3] =	sbarrier.arrive $0xFFFF  }
0x190: {  	_ =	shalt  }

// kernel: sparse-core-data-format-call.1.cloned.1.call-start
scs
called_computation.1_lowered:
.L_overlay_start_0:
0x0: {  	s1 =	sld [smem:$0x3FD9]  }
0x1: {  	s2 =	sld [smem:$0x3FFE];
	_ =	sdelay $0x1  }
0x2: {  	s3 =	srdreg.scid  }
0x3: {  	s0 =	sand.u32 $0x1, s3  }
0x4: {  	s17 =	sshll.u32 s0, $0xA;
	s1 =	sadd.s32 s2, s1  }
0x5: {  	s1 =	sadd.s32 s1, s17  }
0x6: {  	[smem:$0x3FC7] =	sst s1  }
0x7: {  	_ = 	snop  }
0x8: {  	(tm) =	ssettm $0x1  }
0x9: {  	s18 =	sld [smem:$0x3FFB];
	_ =	sdelay $0x3  }
0xa: {  	_ =	strace s18  }
0xb: {  	s1 =	sld [smem:$0x3FFC];
	_ =	sdelay $0x3  }
0xc: {  	_ =	strace s1  }
0xd: {  	s1 =	sld [smem:$0x3FFD];
	_ =	sdelay $0x3  }
0xe: {  	_ =	strace s1  }
0xf: {  	_ =	strace $0x8FFFFFFF  }
0x10: {  	s19 =	sld [smem:$0x3FDB];
	_ =	sdelay $0x1  }
0x11: {  	s20 =	simm.s32 $_scs_section_size  }
0x12: {  	s4 =	simm.s32 $_size__tile_overlayer_lowered;
	s5 =	simm.s32 $_tile_overlayer_lowered  }
0x13: {  	s23 =	simm.s32 $0x1BFF;
	s22 =	sshll.u32 s5, $0x1;
	s1 =	sadd.s32 s20, s19  }
0x14: {  	s6 =	simm.s32 $0x0;
	s21 =	sshll.u32 s4, $0x1;
	s4 =	sadd.s32 s22, s1  }
0x15: {  	[timem:s6], [sflag:s23] =	dma.local [hbm:s4], s21  }
0x16: {  	_ =	swait.ge [sflag:s23], s21  }
0x17: {  	s2 =	ssub.s32 $0x0, s21;
	[sflag:s23] =	ssyncset.done $0x0  }
0x18: {  	[sflag:s23] =	ssyncadd.s32 s2;
	_ =	sdelay $0x1  }
0x19: {  	s24 =	simm.s32 $0x1B8B  }
0x1a: {  	_ =	swait.ge [sflag:s24], $0x1  }
0x1b: {  	[sflag:s24] =	ssyncset.done $0x0  }
0x1c: {  	s26 =	simm.s32 $0x1B8E;
	s25 =	sld [smem:$0x3FFE];
	[sflag:s24] =	ssyncadd.s32 $0xFFFFFFFF  }
0x1d: {  	s27 =	simm.s32 $execute0_lowered;
	[smem:$0x3FD2] =	sst s26  }
0x1e: {  	s4 =	sshll.u32 s27, $0x1;
	_ =	strace $0x80000046;
	[dreg:$0x1] =	wrdreg $0xFFFFFFFF  }
0x1f: {  	s28 =	simm.s32 $_size_execute0_lowered;
	s1 =	sadd.s32 s1, s4;
	[dreg:$0x0] =	wrdreg $0x0  }
0x20: {  	s4 =	sshll.u32 s28, $0x1;
	[dreg:$0x2] =	wrdreg s1  }
0x21: {  	[dreg:$0x3] =	wrdreg s4  }
0x22: {  	[dreg:$0x4] =	wrdreg $0xC0  }
0x23: {  	_ =	task [dreg:s6], $0x5FFFF  }
0x24: {  	[dreg:$0x1] =	wrdreg $0xFFFFFFFF  }
0x25: {  	[dreg:$0x0] =	wrdreg $0x60  }
0x26: {  	[dreg:$0x2] =	wrdreg s25  }
0x27: {  	[dreg:$0x3] =	wrdreg $0x9  }
0x28: {  	_ =	task.clear_ibuf [dreg:s6], $0x4FFFF;
	_ =	strace $0x90000046  }
0x29: {  	s29 =	simm.s32 $0x9;
	_ =	strace $0x80000048  }
0x2a: {  	_ =	swait.ge [sflag:s29], $0x1  }
0x2b: {  	[sflag:s29] =	ssyncadd.s32 $0xFFFFFFFF  }
0x2c: {  	_ =	strace $0x90000048  }
0x2d: {  	_ =	sfence  }
0x2e: {  	s30 =	sld [smem:$0x0];
	_ =	sdelay $0x2  }
0x2f: {  	s31 =	sshll.u32 s3, $0xD;
	s3 =	sshrl.u32 s3, $0x2  }
0x30: {  	s2 =	sand.u32 $0x4000, s31;
	s1 =	sadd.s32 s3, s30  }
0x31: {  	s0 =	sor.u32 s2, s0;
	s1 =	sshll.u32 s1, $0x11  }
0x32: {  	s0 =	sor.u32 s1, s0  }
0x33: {  	s0 =	sadd.s32 $0x8F2B, s0  }
0x34: {  	[sflag:s0] =	ssyncadd.remote.s32 $0x1  }
0x35: {  	_ =	sfence.sel $0xFFFF  }
0x36: {  	[dreg:$0x0] =	wrdreg $0xFFFFFFFF;
	(pc) =	sbr.abs _section_cstart, $3  }
0x37: {  	[dreg:$0x1] =	wrdreg $0xFFFFFFFF  }
0x38: {  	_ =	task.clear_ibuf [dreg:s6], $0x2FFFF;
	_ =	strace $0x9FFFFFFF  }
0x39: {  	(tm) =	ssettm $0x7FFFFFFF  }
tec
execute0_lowered:
.L_overlay_start_1:
0x0: {  	(tag) =	ssettag $0x1  }
0x1: {  	s2 =	rddreg [dreg:$0x0]  }
0x2: {  	s1 =	srdreg.scid;
	s0 =	rddreg [dreg:$0x1];
	_ =	strace $0x80000047  }
0x3: {  	s7 =	simm.s32 $0x2;
	s15 =	simm.s32 $0x0;
	p0 =	por $0x0, $0x0  }
0x4: {  	s17 =	simm.s32 $0x0;
	s16 =	simm.s32 $0x0;
	s18 =	simm.s32 $0x0  }
0x5: {  	s20 =	simm.s32 $0x0;
	s19 =	simm.s32 $0x0;
	s9 =	simm.s32 $0x0  }
0x6: {  	s10 =	simm.s32 $0x0;
	s11 =	simm.s32 $0x0;
	s12 =	simm.s32 $0x0  }
.Ltmp0:
0x7: {  	s8 =	simm.s32 $0x0;
	s3 =	sshll.u32 s1, $0x4;
	(pc) =	sbr.rel .LBB1_1-.Ltmp0, $4  }
0x8: {  	s1 =	stileid.u32;
	s4 =	sand.u32 $0x10, s3;
	s3 =	sadd.s32 $0x2000000, s2  }
0x9: {  	s5 =	sand.u32 $0x7, s1;
	s6 =	sor.u32 s1, s4;
	s4 =	simm.s32 $0x1  }
0xa: {  	s14 =	smov.u32 s5;
	[sflag:s4] =	ssyncpa.u1 $0x0;
	s6 =	sshrl.u32 s6, $0x3  }
0xb: {  	[sflag:s7] =	ssyncpa.u1 $0x0;
	s7 =	simm.s32 $0x10000;
	s13 =	smov.u32 s6  }
.LBB1_7:
0xc: {  	s21 =	sadd.s32 $0x20, s9  }
0xd: {  	s15 =	simm.s32 $0x1;
	p2 =	sgt.s32 s21, $0x5F  }
0xe: {  	s15 =	simm.s32 @!p2 $0x0  }
0xf: {  	s22 =	sadd.s32 s15, s10  }
0x10: {  	s23 =	smov.u32 s11;
	s15 =	sadd.s32 $0x20, s11;
	p3 =	sgt.s32 s22, $0xF  }
0x11: {  	s24 =	smov.u32 s12;
	s23 =	smov.u32 @p3 s15  }
0x12: {  	s25 =	smov.u32 s13;
	s15 =	sadd.s32 $0x10, s12;
	p4 =	sgt.s32 s23, $0x1F  }
0x13: {  	p1 =	slt.u32 s8, $0x2;
	s26 =	smov.u32 s14;
	s24 =	smov.u32 @p4 s15  }
0x14: {  	s8 =	sadd.s32 $0x1, s8;
	s15 =	sadd.s32 $0x4, s13;
	p5 =	sgt.s32 s24, $0xF  }
0x15: {  	s17 =	smov.u32 s10;
	s16 =	smov.u32 s11;
	s25 =	smov.u32 @p5 s15  }
0x16: {  	s21 =	simm.s32 @p2 $0x0;
	s15 =	sadd.s32 $0x8, s14;
	p2 =	sgt.s32 s25, $0x1F  }
0x17: {  	s18 =	smov.u32 s12;
	s20 =	smov.u32 s13;
	s26 =	smov.u32 @p2 s15  }
0x18: {  	s27 =	simm.s32 @!p1 $0x2;
	s25 =	smov.u32 @p2 s6;
	p2 =	sgt.s32 s26, $0x7  }
0x19: {  	_ =	swait.ge @!p1 [sflag:s27], $0x4000;
	s26 =	smov.u32 @p2 s5;
	p2 =	sne.s32 s8, $0x182  }
.Ltmp1:
0x1a: {  	s19 =	smov.u32 s14;
	[sflag:s27] =	ssyncset.done @!p1 $0x0;
	(pc) =	sbr.rel @!p2 .LBB1_8-.Ltmp1, $4  }
0x1b: {  	p0 =	por !p0, !p0;
	[sflag:s27] =	ssyncadd.s32 @!p1 $0xFFFFC000;
	s22 =	simm.s32 @p3 $0x0  }
0x1c: {  	s10 =	smov.u32 s22;
	s23 =	simm.s32 @p4 $0x0;
	s24 =	simm.s32 @p5 $0x0  }
0x1d: {  	s11 =	smov.u32 s23;
	s12 =	smov.u32 s24;
	s15 =	smov.u32 s9  }
0x1e: {  	s9 =	smov.u32 s21;
	s13 =	smov.u32 s25;
	s14 =	smov.u32 s26  }
.LBB1_1:
0x1f: {  	p1 =	sgt.u32 s8, $0x17F  }
0x20: {  	s21 =	sxor.u32 @!p1 $0xFFFFFFFF, s8  }
0x21: {  	s22 =	sshll.u32 @!p1 s10, $0x7;
	s23 =	sshll.u32 @!p1 s9, $0x3;
	s25 =	sshll.u32 @!p1 s12, $0xD  }
0x22: {  	s21 =	sshll.u32 @!p1 s21, $0xE;
	s24 =	sand.u32 @!p1 $0x400, s22;
	s23 =	sand.u32 @!p1 $0x400, s23  }
0x23: {  	s22 =	sand.u32 @!p1 $0x380, s22;
	s23 =	sadd.s32 @!p1 s24, s23;
	s24 =	sshll.u32 @!p1 s14, $0x16  }
0x24: {  	s22 =	sor.u32 @!p1 s22, s23;
	s23 =	sshll.u32 @!p1 s13, $0x11;
	s24 =	sadd.s32 @!p1 s2, s24  }
0x25: {  	s26 =	sshrl.u32 @!p1 s9, $0x3;
	s21 =	sand.u32 @!p1 $0x4000, s21;
	s23 =	sadd.s32 @!p1 s23, s24  }
0x26: {  	s22 =	sshrl.u32 @!p1 s22, $0x3;
	s24 =	sshll.u32 @!p1 s11, $0x8;
	s23 =	sadd.s32 @!p1 s25, s23  }
0x27: {  	s25 =	sand.u32 @!p1 $0xF, s26;
	s23 =	sadd.s32 @!p1 s24, s23;
	s24 =	sand.u32 @!p1 $0x7, s9  }
0x28: {  	s22 =	sand.u32 @!p1 $0xF0, s22;
	s23 =	sadd.s32 @!p1 s25, s23;
	s24 =	sshll.u32 @!p1 s24, $0x12  }
0x29: {  	s22 =	sadd.s32 @!p1 s22, s23;
	s23 =	sor.u32 @!p1 $0x20, s24;
	s24 =	simm.s32 @!p1 $0x800  }
0x2a: {  	[tilespmem:s21], [sflag:$0x1] =	stream.strided.gather @!p1 [hbm4b:s22+s23], $0x4000, s24, s23, $0x38;
	[tilespmem:$0x10400] =	vst v63  }
0x2b: {  	p1 =	seq.s32 s8, $0x0  }
0x2c: {  	p2 =	seq.s32 @!p1 s8, $0x181  }
0x2d: {  	p1 =	por p1, p2  }
.Ltmp2:
0x2e: {  	_ = 	snop;
	(pc) =	sbr.rel @p1 .LBB1_7-.Ltmp2, $1  }
0x2f: {  	_ =	sdelay $0x3  }
0x30: {  	s21 =	simm.s32 $0x1;
	s23 =	sand.u32 $0x1, s8  }
0x31: {  	_ =	swait.ge [sflag:s4], $0x4000;
	s21 =	simm.s32 @!p0 $0x0;
	s24 =	smul.u32 $0x10800, s23  }
0x32: {  	[sflag:s4] =	ssyncset.done $0x0;
	s22 =	smul.u32 $0x10800, s21  }
0x33: {  	s21 =	sshll.u32 s21, $0xE;
	[sflag:s4] =	ssyncadd.s32 $0xFFFFC000  }
0x34: {  	s23 =	sor.u32 $0x10, s21;
	s31 =	sshrl.u32 s24, $0x2;
	s22 =	sshrl.u32 s22, $0x2  }
0x35: {  	s24 =	simm.s32 $0x0;
	s21 =	sor.u32 $0x8000, s31;
	s22 =	sor.u32 $0x8000, s22  }
.LBB1_3:
0x36: {  	v1 =	vld [tilespmem:s23+$0x0]  }
0x37: {  	v0 =	vld [tilespmem:s23+$0xFFFFFFF0];
	_ =	sdelay $0x2  }
0x38: {  	s27 =	sadd.s32 $0x0, s22  }
0x39: {  	s25 =	simm.s32 $0x4;
	s26 =	sadd.s32 $0x20, s23;
	[tilespmem:s27+$0x2100 ss:$0x210] =	vst.msk $0xffff, v1  }
.LBB1_4:
0x3a: {  	v1 =	vld [tilespmem:s26+$0x0];
	p1 =	sne.s32 s25, $0x7C;
	[tilespmem:s27+$0x0 ss:$0x210] =	vst.msk $0xffff, v0;
	s27 =	smov.u32 s25;
	s25 =	sadd.s32 $0x4, s25  }
.Ltmp3:
0x3b: {  	v0 =	vld [tilespmem:s26+$0xFFFFFFF0];
	(pc) =	sbr.rel @p1 .LBB1_4-.Ltmp3, $4  }
0x3c: {  	_ = 	snop  }
0x3d: {  	s27 =	sshra.s32 s27, $0x2  }
0x3e: {  	s27 =	sadd.s32 s27, s22  }
0x3f: {  	s26 =	sadd.s32 $0x20, s26;
	[tilespmem:s27+$0x2100 ss:$0x210] =	vst.msk $0xffff, v1  }
0x40: {  	s24 =	sadd.s32 $0x1, s24  }
0x41: {  	p1 =	sne.s32 s24, $0x10  }
.Ltmp4:
0x42: {  	_ = 	snop;
	(pc) =	sbr.rel @p1 .LBB1_3-.Ltmp4, $2  }
0x43: {  	_ =	sdelay $0x2  }
0x44: {  	[tilespmem:s27+$0x0 ss:$0x210] =	vst.msk $0xffff, v0;
	s22 =	sadd.s32 $0x21, s22;
	s23 =	sadd.s32 $0x400, s23  }
0x45: {  	s20 =	sshll.u32 s20, $0x7;
	s22 =	sshll.u32 s16, $0x3  }
0x46: {  	s19 =	smul.u32 $0xC00000, s19;
	s18 =	sshll.u32 s18, $0xD;
	s17 =	sshll.u32 s17, $0x9  }
0x47: {  	s27 =	sshrl.u32 s16, $0x3;
	s15 =	sshll.u32 s15, $0x11;
	s23 =	sand.u32 $0xC00, s20  }
0x48: {  	s22 =	sand.u32 $0xC00, s22;
	s20 =	sand.u32 $0x380, s20;
	s19 =	sadd.s32 s3, s19  }
0x49: {  	s29 =	sand.u32 $0xF, s27;
	s22 =	sadd.s32 s23, s22;
	s18 =	sadd.s32 s18, s19  }
.Ltmp5:
0x4a: {  	s20 =	sor.u32 s20, s22;
	s17 =	sadd.s32 s17, s18;
	(pc) =	sbr.rel .LBB1_7-.Ltmp5, $4  }
0x4b: {  	s30 =	sand.u32 $0x7, s16;
	s28 =	sshrl.u32 s20, $0x3;
	s17 =	sadd.s32 s29, s17  }
0x4c: {  	s16 =	sshll.u32 s30, $0x12;
	s31 =	sand.u32 $0x1F0, s28;
	s15 =	sadd.s32 s15, s17  }
0x4d: {  	s16 =	sor.u32 $0x20, s16;
	s15 =	sadd.s32 s31, s15  }
0x4e: {  	[hbm4b:s15+s16] =	stream.strided.scatter [tilespmem:s21], [sflag:$0x2], $0x4000, s7, s16, $0x10;
	[tilespmem:$0x10400] =	vst v63  }
.LBB1_8:
0x4f: {  	_ =	sfence.sel $0x180000  }
0x50: {  	s2 =	simm.s32 $0x1;
	[bflag:$0x0] =	sbarrier.arrive $0xFFFF  }
0x51: {  	s31 =	simm.s32 $0x2;
	[sflag:s2] =	ssyncpa.u1 $0x1  }
0x52: {  	[sflag:s31] =	ssyncpa.u1 $0x1  }
0x53: {  	p0 =	sne.s32 s1, $0x0;
	_ =	strace $0x90000047  }
0x54: {  	s0 =	sadd.s32 @!p0 $0x100000, s0;
	[bflag:$0x2] =	sbarrier.arrive $0xFFFF  }
0x55: {  	[sflag:s0] =	ssyncadd.tile.s32 @!p0 $0x1;
	_ =	shalt  }
.Lfunc_end1:
_tile_overlayer_lowered:
.L_overlay_start_2:
0x56: {  	(tag) =	ssettag $0x2  }
0x57: {  	s0 =	rddreg [dreg:$0x0];
	s2 =	stileid.u32  }
0x58: {  	s1 =	rddreg [dreg:$0x1];
	p0 =	sne.s32 s2, $0x0  }
0x59: {  	s3 =	rddreg [dreg:$0x2];
	[bflag:$0x3] =	sbarrier.arrive $0xFFFF;
	s2 =	simm.s32 @!p0 $0x1C01  }
0x5a: {  	[timem:s3], [sflag:s2] =	dma.local @!p0 [hbm:s0], s1  }
0x5b: {  	s0 =	simm.s32 @!p0 $0x1  }
0x5c: {  	_ =	swait.ge @!p0 [sflag:s0], s1  }
0x5d: {  	s1 =	ssub.s32 @!p0 $0x0, s1;
	[sflag:s0] =	ssyncset.done @!p0 $0x0  }
0x5e: {  	[sflag:s0] =	ssyncadd.s32 @!p0 s1  }
0x5f: {  	[bflag:$0x3] =	sbarrier.arrive $0xFFFF  }
0x60: {  	_ =	shalt  }

// kernel: sparse-core-data-format-call.cloned.1.call-start
scs
called_computation_lowered:
.L_overlay_start_0:
0x0: {  	s1 =	sld [smem:$0x3FD9]  }
0x1: {  	s2 =	sld [smem:$0x3FFE];
	_ =	sdelay $0x1  }
0x2: {  	s3 =	srdreg.scid  }
0x3: {  	s0 =	sand.u32 $0x1, s3  }
0x4: {  	s17 =	sshll.u32 s0, $0xA;
	s1 =	sadd.s32 s2, s1  }
0x5: {  	s1 =	sadd.s32 s1, s17  }
0x6: {  	[smem:$0x3FC7] =	sst s1  }
0x7: {  	_ = 	snop  }
0x8: {  	(tm) =	ssettm $0x1  }
0x9: {  	s18 =	sld [smem:$0x3FFB];
	_ =	sdelay $0x3  }
0xa: {  	_ =	strace s18  }
0xb: {  	s1 =	sld [smem:$0x3FFC];
	_ =	sdelay $0x3  }
0xc: {  	_ =	strace s1  }
0xd: {  	s1 =	sld [smem:$0x3FFD];
	_ =	sdelay $0x3  }
0xe: {  	_ =	strace s1  }
0xf: {  	_ =	strace $0x8FFFFFFF  }
0x10: {  	s19 =	sld [smem:$0x3FDB];
	_ =	sdelay $0x1  }
0x11: {  	s20 =	simm.s32 $_scs_section_size  }
0x12: {  	s4 =	simm.s32 $_size__tile_overlayer_lowered;
	s5 =	simm.s32 $_tile_overlayer_lowered  }
0x13: {  	s23 =	simm.s32 $0x1BFF;
	s22 =	sshll.u32 s5, $0x1;
	s1 =	sadd.s32 s20, s19  }
0x14: {  	s6 =	simm.s32 $0x0;
	s21 =	sshll.u32 s4, $0x1;
	s4 =	sadd.s32 s22, s1  }
0x15: {  	[timem:s6], [sflag:s23] =	dma.local [hbm:s4], s21  }
0x16: {  	_ =	swait.ge [sflag:s23], s21  }
0x17: {  	s2 =	ssub.s32 $0x0, s21;
	[sflag:s23] =	ssyncset.done $0x0  }
0x18: {  	[sflag:s23] =	ssyncadd.s32 s2;
	_ =	sdelay $0x1  }
0x19: {  	s24 =	simm.s32 $0x1B8B  }
0x1a: {  	_ =	swait.ge [sflag:s24], $0x1  }
0x1b: {  	[sflag:s24] =	ssyncset.done $0x0  }
0x1c: {  	s26 =	simm.s32 $0x1B8E;
	s25 =	sld [smem:$0x3FFE];
	[sflag:s24] =	ssyncadd.s32 $0xFFFFFFFF  }
0x1d: {  	s27 =	simm.s32 $execute0_lowered;
	[smem:$0x3FD2] =	sst s26  }
0x1e: {  	s4 =	sshll.u32 s27, $0x1;
	_ =	strace $0x80000049;
	[dreg:$0x1] =	wrdreg $0xFFFFFFFF  }
0x1f: {  	s28 =	simm.s32 $_size_execute0_lowered;
	s1 =	sadd.s32 s1, s4;
	[dreg:$0x0] =	wrdreg $0x0  }
0x20: {  	s4 =	sshll.u32 s28, $0x1;
	[dreg:$0x2] =	wrdreg s1  }
0x21: {  	[dreg:$0x3] =	wrdreg s4  }
0x22: {  	[dreg:$0x4] =	wrdreg $0xC0  }
0x23: {  	_ =	task [dreg:s6], $0x5FFFF  }
0x24: {  	[dreg:$0x1] =	wrdreg $0xFFFFFFFF  }
0x25: {  	[dreg:$0x0] =	wrdreg $0x60  }
0x26: {  	[dreg:$0x2] =	wrdreg s25  }
0x27: {  	[dreg:$0x3] =	wrdreg $0x9  }
0x28: {  	_ =	task.clear_ibuf [dreg:s6], $0x4FFFF;
	_ =	strace $0x90000049  }
0x29: {  	s29 =	simm.s32 $0x9;
	_ =	strace $0x8000004B  }
0x2a: {  	_ =	swait.ge [sflag:s29], $0x1  }
0x2b: {  	[sflag:s29] =	ssyncadd.s32 $0xFFFFFFFF  }
0x2c: {  	_ =	strace $0x9000004B  }
0x2d: {  	_ =	sfence  }
0x2e: {  	s30 =	sld [smem:$0x0];
	_ =	sdelay $0x2  }
0x2f: {  	s31 =	sshll.u32 s3, $0xD;
	s3 =	sshrl.u32 s3, $0x2  }
0x30: {  	s2 =	sand.u32 $0x4000, s31;
	s1 =	sadd.s32 s3, s30  }
0x31: {  	s0 =	sor.u32 s2, s0;
	s1 =	sshll.u32 s1, $0x11  }
0x32: {  	s0 =	sor.u32 s1, s0  }
0x33: {  	s0 =	sadd.s32 $0x8F2B, s0  }
0x34: {  	[sflag:s0] =	ssyncadd.remote.s32 $0x1  }
0x35: {  	_ =	sfence.sel $0xFFFF  }
0x36: {  	[dreg:$0x0] =	wrdreg $0xFFFFFFFF;
	(pc) =	sbr.abs _section_cstart, $3  }
0x37: {  	[dreg:$0x1] =	wrdreg $0xFFFFFFFF  }
0x38: {  	_ =	task.clear_ibuf [dreg:s6], $0x2FFFF;
	_ =	strace $0x9FFFFFFF  }
0x39: {  	(tm) =	ssettm $0x7FFFFFFF  }
tec
execute0_lowered:
.L_overlay_start_1:
0x0: {  	(tag) =	ssettag $0x1  }
0x1: {  	s0 =	stileid.u32;
	s1 =	srdreg.scid  }
0x2: {  	s8 =	rddreg [dreg:$0x0];
	s7 =	simm.s32 $0x0;
	s9 =	simm.s32 $0x2  }
0x3: {  	s15 =	simm.s32 $0x0;
	s10 =	simm.s32 $0x18000;
	s16 =	simm.s32 $0x0  }
0x4: {  	s17 =	simm.s32 $0x0;
	s11 =	simm.s32 $0x0;
	s14 =	simm.s32 $0x0  }
0x5: {  	s2 =	sshll.u32 s0, $0x1;
	s3 =	sshll.u32 s0, $0x5;
	s1 =	sshll.u32 s1, $0x9  }
0x6: {  	s2 =	sand.u32 $0x6, s2;
	s3 =	sor.u32 s3, s1;
	s1 =	rddreg [dreg:$0x1]  }
0x7: {  	_ =	strace $0x8000004A;
	s3 =	sand.u32 $0x380, s3;
	s4 =	ssub.s32 $0x8, s2  }
0x8: {  	s13 =	smov.u32 s2;
	s5 =	sand.u32 $0x6, s4;
	s6 =	ssub.s32 $0x6000, s3  }
0x9: {  	p0 =	seq.s32 s5, $0x0;
	s30 =	sand.u32 $0x380, s6;
	s5 =	simm.s32 $0x1  }
0xa: {  	s6 =	sshrl.u32 s6, $0xA;
	p1 =	sne.s32 s30, $0x0;
	s7 =	simm.s32 @!p0 $0x8  }
.Ltmp0:
0xb: {  	s5 =	simm.s32 @!p1 $0x0;
	s7 =	sadd.s32 s7, s4;
	(pc) =	sbr.rel .LBB1_1-.Ltmp0, $4  }
0xc: {  	s12 =	smov.u32 s3;
	s5 =	sadd.s32 s5, s6;
	s31 =	sand.u32 $0x18, s7  }
0xd: {  	p0 =	por $0x0, $0x0;
	s4 =	simm.s32 $0x1;
	s5 =	smul.u32 s5, s31  }
0xe: {  	[sflag:s4] =	ssyncpa.u1 $0x0;
	s6 =	sadd.s32 $0x2000000, s8;
	s7 =	sadd.s32 $0x2C00000, s8  }
0xf: {  	s8 =	sadd.s32 $0x2180000, s8;
	[sflag:s9] =	ssyncpa.u1 $0x0;
	s9 =	sor.u32 $0x1, s5  }
.LBB1_4:
0x10: {  	s21 =	sshrl.u32 s17, $0x3  }
0x11: {  	s22 =	sand.u32 $0x1, s17;
	s24 =	sshll.u32 s17, $0x7;
	s23 =	sshll.u32 s16, $0x3  }
0x12: {  	s25 =	sshll.u32 s16, $0x1;
	s21 =	smul.u32 $0x30000, s21;
	s17 =	sand.u32 $0x300, s24  }
0x13: {  	s26 =	sand.u32 $0xFFFFFC00, s23;
	s16 =	sand.u32 $0xFE, s25;
	s17 =	sor.u32 s22, s17  }
0x14: {  	s21 =	sadd.s32 s21, s26;
	s16 =	sor.u32 s16, s17  }
0x15: {  	[tilespmem:s18+$0x1830 ss:$0x81] =	vst.msk $0xffff, v13;
	v7 =	vpack.i.b32.b16 v9, v7;
	s16 =	sor.u32 s21, s16  }
0x16: {  	v49 =	vpack.i.b32.b16 v12, v10;
	[tilespmem:s18+$0x1831 ss:$0x81] =	vst.msk $0xffff, v7;
	s27 =	smulhi.u32 $0xAAAAAAAB, s16  }
0x17: {  	v50 =	vunpack.i.l.s16.s32 v4;
	v51 =	vunpack.i.l.s16.s32 v5;
	v52 =	vpack.i.b32.b16 v11, v8;
	[tilespmem:s18+$0x2040 ss:$0x81] =	vst.msk $0xffff, v49;
	s21 =	smulhi.u32 $0xAAAAAAAB, s21  }
0x18: {  	v56 =	vunpack.i.l.s16.s32 v6;
	v55 =	vpack.i.b32.b16 v51, v50;
	[tilespmem:s18+$0x2041 ss:$0x81] =	vst.msk $0xffff, v52;
	s17 =	sshrl.u32 s27, $0xE  }
0x19: {  	v58 =	vunpack.i.l.s16.s32 v2;
	v59 =	vunpack.i.l.s16.s32 v3;
	v1 =	vpack.i.b32.b16 v1, v56;
	[tilespmem:s18+$0x2850 ss:$0x81] =	vst.msk $0xffff, v55;
	s21 =	sshrl.u32 s21, $0xE;
	s17 =	smul.u32 $0x6000, s17  }
0x1a: {  	v53 =	vunpack.i.u.s16.s32 v4;
	v54 =	vunpack.i.u.s16.s32 v5;
	s15 =	smul.u32 $0x3000, s15;
	v62 =	vpack.i.b32.b16 v59, v58;
	[tilespmem:s18+$0x0 ss:$0x81] =	vst.msk $0xffff, v1;
	s21 =	sand.u32 $0x7, s21  }
0x1b: {  	v57 =	vunpack.i.u.s16.s32 v6;
	v4 =	vpack.i.b32.b16 v54, v53;
	[tilespmem:s20+$0x3060 ss:$0x81] =	vst.msk $0xffff, v62;
	s28 =	smul.u32 $0x600, s21;
	s16 =	ssub.s32 s16, s17  }
0x1c: {  	v60 =	vunpack.i.u.s16.s32 v2;
	v61 =	vunpack.i.u.s16.s32 v3;
	v0 =	vpack.i.b32.b16 v0, v57;
	s15 =	sadd.s32 s7, s15;
	[tilespmem:s18+$0x2851 ss:$0x81] =	vst.msk $0xffff, v4;
	s29 =	sshll.u32 s16, $0x11  }
0x1d: {  	v63 =	vpack.i.b32.b16 v61, v60;
	[tilespmem:s20+$0x1 ss:$0x81] =	vst.msk $0xffff, v0;
	s15 =	sadd.s32 s28, s15;
	s16 =	sshrl.u32 s16, $0x4;
	s30 =	sand.u32 $0x1C0000, s29  }
0x1e: {  	[tilespmem:s20+$0x3061 ss:$0x81] =	vst.msk $0xffff, v63;
	s15 =	sadd.s32 s16, s15;
	s31 =	sor.u32 $0x80, s30  }
0x1f: {  	[hbm4b:s15+s31] =	stream.strided.scatter [tilespmem:s19], [sflag:$0x2], $0x4000, s10, s31, $0x20;
	[tilespmem:$0x10100] =	vst v63  }
.LBB1_5:
0x20: {  	s18 =	sadd.s32 $0x80, s11  }
0x21: {  	s15 =	sadd.s32 $0x400, s12;
	s19 =	smov.u32 s12;
	p2 =	sgt.s32 s18, $0x3FF  }
0x22: {  	s19 =	smov.u32 @p2 s15  }
0x23: {  	s21 =	smov.u32 s13;
	s15 =	sadd.s32 $0x8, s13;
	p3 =	sgt.s32 s19, $0x5FFF  }
0x24: {  	s21 =	smov.u32 @p3 s15  }
0x25: {  	s18 =	simm.s32 @p2 $0x0;
	p2 =	sgt.s32 s21, $0x7  }
0x26: {  	p1 =	slt.u32 s14, $0x2;
	s21 =	smov.u32 @p2 s2;
	p2 =	sne.s32 s14, s9  }
.Ltmp1:
0x27: {  	s20 =	simm.s32 @!p1 $0x2;
	(pc) =	sbr.rel @!p2 .LBB1_6-.Ltmp1, $4  }
0x28: {  	s16 =	smov.u32 s12;
	s17 =	smov.u32 s13;
	_ =	swait.ge @!p1 [sflag:s20], $0x4000  }
0x29: {  	p0 =	por !p0, !p0;
	[sflag:s20] =	ssyncset.done @!p1 $0x0;
	s19 =	smov.u32 @p3 s3  }
0x2a: {  	s15 =	smov.u32 s11;
	[sflag:s20] =	ssyncadd.s32 @!p1 $0xFFFFC000;
	s11 =	smov.u32 s18  }
0x2b: {  	s12 =	smov.u32 s19;
	s14 =	sadd.s32 $0x1, s14;
	s13 =	smov.u32 s21  }
.LBB1_1:
0x2c: {  	p1 =	sge.u32 s14, s5  }
0x2d: {  	s18 =	sshll.u32 @!p1 s12, $0xA  }
0x2e: {  	s19 =	sshll.u32 @!p1 s11, $0x3;
	s18 =	sand.u32 @!p1 $0xFFFFE000, s18  }
0x2f: {  	s18 =	sadd.s32 @!p1 s18, s19  }
0x30: {  	s18 =	sshrl.u32 @!p1 s18, $0xA  }
0x31: {  	s19 =	smulhi.u32 @!p1 $0x2AAAAB, s18;
	_ =	sdelay $0x1  }
0x32: {  	s20 =	sshll.u32 @!p1 s12, $0x7;
	s19 =	sshrl.u32 @!p1 s19, $0x4  }
0x33: {  	s21 =	sshll.u32 @!p1 s11, $0x1;
	s22 =	sxor.u32 @!p1 $0xFFFFFFFF, s14;
	s19 =	smul.u32 @!p1 $0x6000, s19  }
0x34: {  	s23 =	sand.u32 @!p1 $0x7, s11;
	s24 =	simm.s32 @!p1 $0x1000;
	s20 =	sand.u32 @!p1 $0x300, s20  }
0x35: {  	s21 =	sand.u32 @!p1 $0xF0, s21;
	s18 =	ssub.s32 @!p1 s18, s19;
	s19 =	smul.u32 @!p1 $0x180000, s13  }
0x36: {  	s22 =	sshll.u32 @!p1 s22, $0xE;
	s23 =	sshll.u32 @!p1 s23, $0x12;
	s18 =	sshll.u32 @!p1 s18, $0x6  }
0x37: {  	s20 =	sor.u32 @!p1 s20, s21;
	s22 =	sand.u32 @!p1 $0x4000, s22;
	s21 =	sadd.s32 @!p1 s19, s18  }
0x38: {  	s20 =	sshrl.u32 @!p1 s20, $0x4;
	s19 =	sadd.s32 @!p1 s19, s8;
	s21 =	sadd.s32 @!p1 s6, s21  }
0x39: {  	s23 =	sor.u32 @!p1 $0x200, s23;
	s19 =	sadd.s32 @!p1 s20, s19;
	s21 =	sadd.s32 @!p1 s20, s21  }
0x3a: {  	[tilespmem:s22], [sflag:$0x1] =	stream.strided.gather @!p1 [hbm4b:s21+s23], $0x2000, s24, s23, $0x38;
	[tilespmem:$0x10100] =	vst v63  }
0x3b: {  	s31 =	sadd.s32 $0xFFFFFFFF, s14;
	s18 =	sadd.s32 @!p1 s18, s19;
	s19 =	sor.u32 @!p1 $0x2000, s22  }
0x3c: {  	[tilespmem:s19], [sflag:$0x1] =	stream.strided.gather @!p1 [hbm4b:s18+s23], $0x2000, s24, s23, $0x38;
	[tilespmem:$0x10100] =	vst v63  }
0x3d: {  	p1 =	sge.u32 s31, s5  }
.Ltmp2:
0x3e: {  	_ = 	snop;
	(pc) =	sbr.rel @p1 .LBB1_5-.Ltmp2, $1  }
0x3f: {  	_ =	sdelay $0x3  }
0x40: {  	s18 =	simm.s32 $0x1  }
0x41: {  	_ =	swait.ge [sflag:s4], $0x4000;
	s18 =	simm.s32 @!p0 $0x0  }
0x42: {  	[sflag:s4] =	ssyncset.done $0x0;
	s19 =	sshll.u32 s18, $0xE  }
0x43: {  	[sflag:s4] =	ssyncadd.s32 $0xFFFFC000;
	s20 =	sor.u32 $0x2000, s19  }
0x44: {  	v0 =	vld [tilespmem:s20+$0xFFFFE070]  }
0x45: {  	v1 =	vld [tilespmem:s20+$0x70]  }
0x46: {  	v2 =	vld [tilespmem:s20+$0x0]  }
0x47: {  	v3 =	vld [tilespmem:s20+$0xFFFFE010]  }
0x48: {  	v5 =	vld [tilespmem:s20+$0xFFFFE020]  }
0x49: {  	v4 =	vld [tilespmem:s20+$0x10]  }
0x4a: {  	v6 =	vld [tilespmem:s20+$0x20]  }
0x4b: {  	s18 =	smul.u32 $0x10200, s18;
	v9 =	vld [tilespmem:s20+$0xFFFFE030];
	v7 =	vunpack.i.l.s16.s32 v0;
	v8 =	vunpack.i.l.s16.s32 v1  }
0x4c: {  	v10 =	vunpack.i.u.s16.s32 v0;
	v11 =	vunpack.i.u.s16.s32 v1;
	v0 =	vunpack.i.u.s16.s32 v2  }
0x4d: {  	s18 =	sshrl.u32 s18, $0x2;
	v1 =	vunpack.i.l.s16.s32 v2;
	v2 =	vld [tilespmem:s20+$0x30];
	v13 =	vunpack.i.u.s16.s32 v5;
	v14 =	vunpack.i.l.s16.s32 v5  }
0x4e: {  	v12 =	vld [tilespmem:s20+$0xFFFFE040];
	s18 =	sor.u32 $0x8000, s18;
	v7 =	vpack.i.b32.b16 v8, v7;
	v8 =	vpack.i.b32.b16 v11, v10;
	v10 =	vunpack.i.u.s16.s32 v3  }
0x4f: {  	v15 =	vld [tilespmem:s20+$0x40];
	v3 =	vunpack.i.l.s16.s32 v3;
	v11 =	vunpack.i.u.s16.s32 v4;
	v4 =	vunpack.i.l.s16.s32 v4;
	[tilespmem:s18+$0x3870 ss:$0x81] =	vst.msk $0xffff, v7  }
0x50: {  	s31 =	sand.u32 $0x1, s14;
	v3 =	vpack.i.b32.b16 v4, v3;
	v4 =	vld [tilespmem:s20+$0xFFFFE050];
	v7 =	vunpack.i.u.s16.s32 v9;
	[tilespmem:s18+$0x3871 ss:$0x81] =	vst.msk $0xffff, v8;
	v8 =	vunpack.i.u.s16.s32 v6  }
0x51: {  	s19 =	smul.u32 $0x10200, s31;
	v5 =	vld [tilespmem:s20+$0x50];
	v6 =	vunpack.i.l.s16.s32 v6;
	[tilespmem:s18+$0x810 ss:$0x81] =	vst.msk $0xffff, v3;
	v3 =	vpack.i.b32.b16 v11, v10;
	v11 =	vunpack.i.l.s16.s32 v9  }
0x52: {  	[tilespmem:s18+$0x811 ss:$0x81] =	vst.msk $0xffff, v3;
	v3 =	vpack.i.b32.b16 v6, v14;
	v9 =	vunpack.i.u.s16.s32 v2;
	v14 =	vunpack.i.l.s16.s32 v2;
	v2 =	vld [tilespmem:s20+$0xFFFFE060]  }
0x53: {  	s21 =	simm.s32 $0x0;
	s19 =	sshrl.u32 s19, $0x2;
	v10 =	vunpack.i.l.s16.s32 v12;
	v13 =	vpack.i.b32.b16 v8, v13;
	v8 =	vunpack.i.u.s16.s32 v12;
	[tilespmem:s18+$0x1020 ss:$0x81] =	vst.msk $0xffff, v3;
	v3 =	vld [tilespmem:s20+$0x60]  }
0x54: {  	s22 =	sadd.s32 $0x80, s20;
	s19 =	sor.u32 $0x8000, s19;
	v6 =	vld [tilespmem:s20+$0xFFFFE000];
	v12 =	vunpack.i.l.s16.s32 v15;
	s20 =	smov.u32 s18;
	[tilespmem:s18+$0x1021 ss:$0x81] =	vst.msk $0xffff, v13;
	v13 =	vpack.i.b32.b16 v14, v11;
	v11 =	vunpack.i.u.s16.s32 v15  }
.LBB1_3:
0x55: {  	v14 =	vld [tilespmem:s22+$0xFFFFE070];
	[tilespmem:s18+$0x1830 ss:$0x81] =	vst.msk $0xffff, v13;
	v7 =	vpack.i.b32.b16 v9, v7;
	v9 =	vunpack.i.u.s16.s32 v4;
	v4 =	vunpack.i.l.s16.s32 v4  }
0x56: {  	v13 =	vld [tilespmem:s22+$0x70];
	[tilespmem:s18+$0x1831 ss:$0x81] =	vst.msk $0xffff, v7;
	v7 =	vpack.i.b32.b16 v12, v10;
	v10 =	vunpack.i.u.s16.s32 v5;
	v5 =	vunpack.i.l.s16.s32 v5  }
0x57: {  	s21 =	sadd.s32 $0x2, s21;
	v12 =	vld [tilespmem:s22+$0x0];
	[tilespmem:s18+$0x2040 ss:$0x81] =	vst.msk $0xffff, v7;
	v7 =	vpack.i.b32.b16 v11, v8;
	v8 =	vunpack.i.u.s16.s32 v2;
	v2 =	vunpack.i.l.s16.s32 v2  }
0x58: {  	p1 =	slt.u32 s21, $0x7E;
	v4 =	vpack.i.b32.b16 v5, v4;
	v5 =	vunpack.i.u.s16.s32 v3;
	v3 =	vunpack.i.l.s16.s32 v3;
	v11 =	vld [tilespmem:s22+$0xFFFFE010];
	[tilespmem:s18+$0x2041 ss:$0x81] =	vst.msk $0xffff, v7  }
0x59: {  	v15 =	vunpack.i.u.s16.s32 v6;
	v6 =	vunpack.i.l.s16.s32 v6;
	v7 =	vld [tilespmem:s22+$0x10];
	[tilespmem:s18+$0x2850 ss:$0x81] =	vst.msk $0xffff, v4;
	v4 =	vpack.i.b32.b16 v10, v9  }
0x5a: {  	v1 =	vpack.i.b32.b16 v1, v6;
	v0 =	vpack.i.b32.b16 v0, v15;
	v2 =	vpack.i.b32.b16 v3, v2;
	v9 =	vld [tilespmem:s22+$0xFFFFE020];
	[tilespmem:s18+$0x2851 ss:$0x81] =	vst.msk $0xffff, v4  }
0x5b: {  	v5 =	vpack.i.b32.b16 v5, v8;
	v4 =	vunpack.i.l.s16.s32 v14;
	v3 =	vld [tilespmem:s22+$0x20];
	v6 =	vunpack.i.l.s16.s32 v13;
	[tilespmem:s18+$0x0 ss:$0x81] =	vst.msk $0xffff, v1  }
0x5c: {  	v10 =	vunpack.i.u.s16.s32 v14;
	v13 =	vunpack.i.u.s16.s32 v13;
	s18 =	sadd.s32 $0x2, s18;
	v8 =	vld [tilespmem:s22+$0xFFFFE030];
	v4 =	vpack.i.b32.b16 v6, v4;
	[tilespmem:s20+$0x1 ss:$0x81] =	vst.msk $0xffff, v0  }
0x5d: {  	v0 =	vunpack.i.u.s16.s32 v12;
	v1 =	vunpack.i.l.s16.s32 v12;
	v6 =	vld [tilespmem:s22+$0x30];
	[tilespmem:s18+$0x3870 ss:$0x81] =	vst.msk $0xffff, v4;
	v4 =	vpack.i.b32.b16 v13, v10  }
0x5e: {  	v10 =	vunpack.i.u.s16.s32 v11;
	v11 =	vunpack.i.l.s16.s32 v11;
	v12 =	vunpack.i.u.s16.s32 v7;
	v13 =	vld [tilespmem:s22+$0xFFFFE040];
	[tilespmem:s18+$0x3871 ss:$0x81] =	vst.msk $0xffff, v4  }
0x5f: {  	v4 =	vunpack.i.l.s16.s32 v7;
	v14 =	vunpack.i.u.s16.s32 v9;
	v9 =	vunpack.i.l.s16.s32 v9;
	v15 =	vld [tilespmem:s22+$0x40];
	[tilespmem:s20+$0x3060 ss:$0x81] =	vst.msk $0xffff, v2  }
.Ltmp3:
0x60: {  	v2 =	vpack.i.b32.b16 v4, v11;
	v11 =	vunpack.i.u.s16.s32 v3;
	v3 =	vunpack.i.l.s16.s32 v3;
	v4 =	vld [tilespmem:s22+$0xFFFFE050];
	[tilespmem:s20+$0x3061 ss:$0x81] =	vst.msk $0xffff, v5;
	s20 =	smov.u32 s18;
	(pc) =	sbr.rel @p1 .LBB1_3-.Ltmp3, $4  }
0x61: {  	[tilespmem:s18+$0x810 ss:$0x81] =	vst.msk $0xffff, v2;
	v2 =	vpack.i.b32.b16 v12, v10;
	v7 =	vunpack.i.u.s16.s32 v8;
	v12 =	vunpack.i.l.s16.s32 v8;
	v5 =	vld [tilespmem:s22+$0x50]  }
0x62: {  	v3 =	vpack.i.b32.b16 v3, v9;
	[tilespmem:s18+$0x811 ss:$0x81] =	vst.msk $0xffff, v2;
	v9 =	vunpack.i.u.s16.s32 v6;
	v16 =	vunpack.i.l.s16.s32 v6;
	v2 =	vld [tilespmem:s22+$0xFFFFE060]  }
0x63: {  	v11 =	vpack.i.b32.b16 v11, v14;
	[tilespmem:s18+$0x1020 ss:$0x81] =	vst.msk $0xffff, v3;
	v8 =	vunpack.i.u.s16.s32 v13;
	v10 =	vunpack.i.l.s16.s32 v13;
	v3 =	vld [tilespmem:s22+$0x60]  }
0x64: {  	v13 =	vpack.i.b32.b16 v16, v12;
	v6 =	vld [tilespmem:s22+$0xFFFFE000];
	[tilespmem:s18+$0x1021 ss:$0x81] =	vst.msk $0xffff, v11;
	v11 =	vunpack.i.u.s16.s32 v15;
	v12 =	vunpack.i.l.s16.s32 v15;
	s22 =	sadd.s32 $0x80, s22  }
.Ltmp4:
0x65: {  	_ = 	snop;
	(pc) =	sbr.rel .LBB1_4-.Ltmp4, $1  }
0x66: {  	_ =	sdelay $0x3  }
.LBB1_6:
0x67: {  	_ =	sfence.sel $0x180000  }
0x68: {  	s2 =	simm.s32 $0x1;
	[bflag:$0x0] =	sbarrier.arrive $0xFFFF  }
0x69: {  	s31 =	simm.s32 $0x2;
	[sflag:s2] =	ssyncpa.u1 $0x1  }
0x6a: {  	[sflag:s31] =	ssyncpa.u1 $0x1  }
0x6b: {  	p0 =	sne.s32 s0, $0x0;
	_ =	strace $0x9000004A  }
0x6c: {  	s0 =	sadd.s32 @!p0 $0x100000, s1;
	[bflag:$0x2] =	sbarrier.arrive $0xFFFF  }
0x6d: {  	[sflag:s0] =	ssyncadd.tile.s32 @!p0 $0x1;
	_ =	shalt  }
.Lfunc_end1:
_tile_overlayer_lowered:
.L_overlay_start_2:
0x6e: {  	(tag) =	ssettag $0x2  }
0x6f: {  	s0 =	rddreg [dreg:$0x0];
	s2 =	stileid.u32  }
0x70: {  	s1 =	rddreg [dreg:$0x1];
	p0 =	sne.s32 s2, $0x0  }
0x71: {  	s3 =	rddreg [dreg:$0x2];
	[bflag:$0x3] =	sbarrier.arrive $0xFFFF;
	s2 =	simm.s32 @!p0 $0x1C01  }
0x72: {  	[timem:s3], [sflag:s2] =	dma.local @!p0 [hbm:s0], s1  }
0x73: {  	s0 =	simm.s32 @!p0 $0x1  }
0x74: {  	_ =	swait.ge @!p0 [sflag:s0], s1  }
0x75: {  	s1 =	ssub.s32 @!p0 $0x0, s1;
	[sflag:s0] =	ssyncset.done @!p0 $0x0  }
0x76: {  	[sflag:s0] =	ssyncadd.s32 @!p0 s1  }
0x77: {  	[bflag:$0x3] =	sbarrier.arrive $0xFFFF  }
0x78: {  	_ =	shalt  }

</sc_bundles>
